<compile_context>
chip_gen: v7x
topology: tpu7x:2x2x1
jax: 0.10.2.dev20260603
libtpu: 0.0.44.dev20260713+nightly
codegen_flags: <defaults>
</compile_context>

<pallas_src>
import jax
import jax.numpy as jnp
from jax import lax
from jax.experimental import pallas as pl
from jax.experimental.pallas import tpu as pltpu
from jax.experimental.pallas import tpu_sc as plsc

_B, _H, _W, _C = 4, 112, 112, 192
_HW = _H * _W
_NR = _B * _HW
_HWO = _HW * 4
_NRO = _B * _HWO
_CB = 16
_NBLK = _C // _CB
_NT = 16
_NCK = 2 * _HW // 128
_ACC2 = 2 * _CB * _HWO
_WBC = _HWO // 8
_INV_C = float(1.0 / _C)
_ZB = 14336
_PKH = 16
_PKR = _PKH * _W
_UPH = 8
_UPR = _UPH * 2 * _W


def _pack_body(u_ref, m_ref, u3_ref, m3_ref):
    u3_ref[...] = u_ref[0].reshape(_PKR, _C).T.reshape(_NBLK, _CB, _PKR)
    m3_ref[...] = m_ref[0].reshape(_PKR, _C).T.reshape(_NBLK, _CB, _PKR)


def _unpack_body(i_ref, o_ref):
    t = i_ref[...].reshape(_C, _UPR).T
    o_ref[0, :, :, :] = t.reshape(_UPH, 2 * _W, _C)


def _div_c(m):
    q = m.astype(jnp.float32) * _INV_C + 0.5
    p0 = q.astype(jnp.int32)
    r = m - p0 * _C
    return p0 + (r >> 31)


def _sc_body(
    u3, m3, o3, acc, u_b0, u_b1, m_b0, m_b1, i_b0, i_b1, zbuf,
    su0, su1, sm0, sm1, ss0, ss1,
):
    cid = lax.axis_index("c")
    sid = lax.axis_index("s")
    zeros16 = jnp.zeros((16,), jnp.float32)

    @plsc.parallel_loop(0, _ZB // 16, unroll=8)
    def _fill_z(r):
        zbuf[pl.ds(r * 16, 16)] = zeros16

    start = 12 * sid + jnp.maximum(sid - 12, 0)
    nck = 12 + (sid >= 12).astype(jnp.int32)
    region = sid >> 3
    p0_wb = _WBC * (sid & 7)

    def _chunk_coords(b, gc):
        cbl = (gc >= 98).astype(jnp.int32)
        col = b * _HW + (gc - 98 * cbl) * 128
        return cbl, col

    def _start_in(pair, b, gc, u_buf, m_buf, sem_u, sem_m):
        cbl, col = _chunk_coords(b, gc)
        cb = pair * 2 + cbl
        cp_u = pltpu.make_async_copy(u3.at[cb, :, pl.ds(col, 128)], u_buf, sem_u)
        cp_m = pltpu.make_async_copy(m3.at[cb, :, pl.ds(col, 128)], m_buf, sem_m)
        cp_u.start()
        cp_m.start()

    def _wait_in(pair, b, gc, u_buf, m_buf, sem_u, sem_m):
        cbl, col = _chunk_coords(b, gc)
        cb = pair * 2 + cbl
        pltpu.make_async_copy(u3.at[cb, :, pl.ds(col, 128)], u_buf, sem_u).wait()
        pltpu.make_async_copy(m3.at[cb, :, pl.ds(col, 128)], m_buf, sem_m).wait()

    def _fire(i_buf, u_buf, sem_s):
        def _f(k, carry):
            pltpu.async_copy(
                u_buf.at[k], acc.at[i_buf.at[k]], sem_s, add=True
            )
            return carry

        lax.fori_loop(0, _CB, _f, 0)

    def _drain(i_buf, u_buf, sem_s):
        def _d(k, carry):
            pltpu.make_async_copy(
                u_buf.at[k], acc.at[i_buf.at[k]], sem_s
            ).wait()
            return carry

        lax.fori_loop(0, _CB, _d, 0)

    def _prep(m_buf, i_buf, rowbase):
        @plsc.parallel_loop(0, 128, unroll=8)
        def _p(k):
            ch = k >> 3
            r = k & 7
            m = m_buf[ch, pl.ds(r * 16, 16)]
            idx = _div_c(m) + (rowbase + ch * _HWO)
            i_buf[ch, pl.ds(r * 16, 16)] = idx

    def _round(rnd, carry):
        pair = cid * 3 + (rnd >> 1)
        bl = rnd & 1

        def _zero(i, c2):
            pltpu.sync_copy(
                zbuf, acc.at[pl.ds(sid * (_ACC2 // _NT) + i * _ZB, _ZB)]
            )
            return c2

        lax.fori_loop(0, (_ACC2 // _NT) // _ZB, _zero, 0)

        plsc.subcore_barrier()

        _start_in(pair, bl, start, u_b0, m_b0, su0, sm0)

        def _chunk(c, c2):
            gc = start + c

            @pl.when((c & 1) == 0)
            def _even():
                _wait_in(pair, bl, gc, u_b0, m_b0, su0, sm0)
                cbl, _ = _chunk_coords(bl, gc)
                _prep(m_b0, i_b0, cbl * (_CB * _HWO))

                @pl.when(c > 0)
                def _():
                    _drain(i_b1, u_b1, ss1)

                @pl.when(c + 1 < nck)
                def _():
                    _start_in(pair, bl, gc + 1, u_b1, m_b1, su1, sm1)

                _fire(i_b0, u_b0, ss0)

            @pl.when((c & 1) == 1)
            def _odd():
                _wait_in(pair, bl, gc, u_b1, m_b1, su1, sm1)
                cbl, _ = _chunk_coords(bl, gc)
                _prep(m_b1, i_b1, cbl * (_CB * _HWO))
                _drain(i_b0, u_b0, ss0)

                @pl.when(c + 1 < nck)
                def _():
                    _start_in(pair, bl, gc + 1, u_b0, m_b0, su0, sm0)

                _fire(i_b1, u_b1, ss1)

            return c2

        lax.fori_loop(0, nck, _chunk, 0)

        @pl.when(((nck - 1) & 1) == 0)
        def _():
            _drain(i_b0, u_b0, ss0)

        @pl.when(((nck - 1) & 1) == 1)
        def _():
            _drain(i_b1, u_b1, ss1)

        plsc.subcore_barrier()

        cb_w = pair * 2 + region

        def _wb(ch, c2):
            pltpu.async_copy(
                acc.at[pl.ds((region * _CB + ch) * _HWO + p0_wb, _WBC)],
                o3.at[cb_w, ch, pl.ds(bl * _HWO + p0_wb, _WBC)],
                su0,
            )
            return c2

        lax.fori_loop(0, _CB, _wb, 0)

        def _wbd(ch, c2):
            pltpu.make_async_copy(
                acc.at[pl.ds((region * _CB + ch) * _HWO + p0_wb, _WBC)],
                o3.at[cb_w, ch, pl.ds(bl * _HWO + p0_wb, _WBC)],
                su0,
            ).wait()
            return c2

        lax.fori_loop(0, _CB, _wbd, 0)
        return carry

    lax.fori_loop(0, 6, _round, 0)


import functools


def _make_sc():
    mesh = plsc.VectorSubcoreMesh(core_axis_name="c", subcore_axis_name="s")
    return pl.kernel(
        _sc_body,
        out_type=jax.ShapeDtypeStruct((_NBLK, _CB, 2 * _HWO), jnp.float32),
        mesh=mesh,
        scratch_types=[
            pltpu.VMEM_SHARED((_ACC2,), jnp.float32),
            pltpu.VMEM((_CB, 128), jnp.float32),
            pltpu.VMEM((_CB, 128), jnp.float32),
            pltpu.VMEM((_CB, 128), jnp.int32),
            pltpu.VMEM((_CB, 128), jnp.int32),
            pltpu.VMEM((_CB, 128), jnp.int32),
            pltpu.VMEM((_CB, 128), jnp.int32),
            pltpu.VMEM((_ZB,), jnp.float32),
            pltpu.SemaphoreType.DMA,
            pltpu.SemaphoreType.DMA,
            pltpu.SemaphoreType.DMA,
            pltpu.SemaphoreType.DMA,
            pltpu.SemaphoreType.DMA,
            pltpu.SemaphoreType.DMA,
        ],
    )


def _pack_half(u4, m4, b0):
    return pl.pallas_call(
        _pack_body,
        grid=(2, _HW // _PKR),
        in_specs=[
            pl.BlockSpec((1, _PKH, _W, _C), lambda b, hb: (b0 + b, hb, 0, 0)),
            pl.BlockSpec((1, _PKH, _W, _C), lambda b, hb: (b0 + b, hb, 0, 0)),
        ],
        out_specs=[
            pl.BlockSpec(
                (_NBLK, _CB, _PKR), lambda b, hb: (0, 0, b * (_HW // _PKR) + hb)
            ),
            pl.BlockSpec(
                (_NBLK, _CB, _PKR), lambda b, hb: (0, 0, b * (_HW // _PKR) + hb)
            ),
        ],
        out_shape=[
            jax.ShapeDtypeStruct((_NBLK, _CB, 2 * _HW), jnp.float32),
            jax.ShapeDtypeStruct((_NBLK, _CB, 2 * _HW), jnp.int32),
        ],
    )(u4, m4)


def _unpack_half(o3, b0, prev=None):
    kwargs = {}
    args = [o3]
    in_specs = [
        pl.BlockSpec(
            (_NBLK, _CB, _UPR), lambda b, hb: (0, 0, b * (_HWO // _UPR) + hb)
        )
    ]
    body = _unpack_body
    if prev is not None:
        def body(i_ref, p_ref, o_ref):
            del p_ref
            _unpack_body(i_ref, o_ref)

        args.append(prev)
        in_specs.append(pl.BlockSpec(memory_space=pl.ANY))
        kwargs["input_output_aliases"] = {1: 0}
    return pl.pallas_call(
        body,
        grid=(2, _HWO // _UPR),
        in_specs=in_specs,
        out_specs=pl.BlockSpec((1, _UPH, 2 * _W, _C), lambda b, hb: (b0 + b, hb, 0, 0)),
        out_shape=jax.ShapeDtypeStruct((_B, 2 * _H, 2 * _W, _C), jnp.float32),
        **kwargs,
    )(*args)


@jax.jit
def _unpool(u4, m4):
    u3a, m3a = _pack_half(u4, m4, 0)
    u3b, m3b = _pack_half(u4, m4, 2)
    sc = _make_sc()
    o3a = sc(u3a, m3a)
    o3b = sc(u3b, m3b)
    outa = _unpack_half(o3a, 0)
    return _unpack_half(o3b, 2, prev=outa)


def kernel(updates, mask):
    return _unpool(updates, mask.astype(jnp.int32))

# --- scband reference (transcript-rebuilt; emitter-appended) ---
"""Pipeline reference for scband-max-unpooling2-d-64209761075450 (READ-ONLY COPY).

The authoritative reference and input builder live on the scoring server;
editing this copy changes nothing except your own understanding.
"""

import jax, jax.numpy as jnp
import numpy as np

SIZE = (2, 2)

def setup_inputs(seed: int = 0) -> dict:
    key = jax.random.key(seed)
    k1, k2 = jax.random.split(key)
    B, H, W, C = 4, 112, 112, 192
    Ho, Wo = H * SIZE[0], W * SIZE[1]
    updates = jax.random.normal(k1, (B, H, W, C), dtype=jnp.float32)
    mask = jax.random.randint(k2, (B, H, W, C), 0, Ho * Wo * C, dtype=jnp.int32)
    return {"updates": updates, "mask": mask}

def reference(updates, mask):
    # MaxUnpooling2D (SegNet-style): scatter pooled values back to argmax locations.
    B, H, W, C = updates.shape
    Ho, Wo = H * SIZE[0], W * SIZE[1]
    mask = mask.astype(jnp.int32)
    one_like_mask = jnp.ones_like(mask)
    batch_range = jnp.arange(B, dtype=jnp.int32).reshape(B, 1, 1, 1)
    b = one_like_mask * batch_range
    y = mask // (Wo * C)
    x = (mask // C) % Wo
    feature_range = jnp.arange(C, dtype=jnp.int32).reshape(1, 1, 1, C)
    f = one_like_mask * feature_range
    values = updates.reshape(-1)
    # tf.scatter_nd accumulates duplicate indices -> .at[].add matches semantics
    ret = jnp.zeros((B, Ho, Wo, C), dtype=updates.dtype).at[
        b.reshape(-1), y.reshape(-1), x.reshape(-1), f.reshape(-1)
    ].add(values)
    return ret

if __name__ == "__main__":
    import jax
    _d = setup_inputs()
    print(jax.jit(kernel)(*tuple(_d.values())))

</pallas_src>

<mosaic_0001>
#map = affine_map<(d0, d1) -> (0, 0, 0)>
module attributes {stable_mosaic.version = 14 : i64} {
  func.func @_sc_body(%arg0: i32, %arg1: i32, %arg2: memref<12x16x25088xf32, #tpu.memory_space<hbm>>, %arg3: memref<12x16x25088xi32, #tpu.memory_space<hbm>>, %arg4: memref<12x16x100352xf32, #tpu.memory_space<hbm>>, %arg5: memref<1605632xf32, #tpu.memory_space<vmem_shared>>, %arg6: memref<16x128xf32, #tpu.memory_space<vmem>>, %arg7: memref<16x128xf32, #tpu.memory_space<vmem>>, %arg8: memref<16x128xi32, #tpu.memory_space<vmem>>, %arg9: memref<16x128xi32, #tpu.memory_space<vmem>>, %arg10: memref<16x128xi32, #tpu.memory_space<vmem>>, %arg11: memref<16x128xi32, #tpu.memory_space<vmem>>, %arg12: memref<14336xf32, #tpu.memory_space<vmem>>, %arg13: memref<!tpu.dma_semaphore, #tpu.memory_space<semaphore_mem>>, %arg14: memref<!tpu.dma_semaphore, #tpu.memory_space<semaphore_mem>>, %arg15: memref<!tpu.dma_semaphore, #tpu.memory_space<semaphore_mem>>, %arg16: memref<!tpu.dma_semaphore, #tpu.memory_space<semaphore_mem>>, %arg17: memref<!tpu.dma_semaphore, #tpu.memory_space<semaphore_mem>>, %arg18: memref<!tpu.dma_semaphore, #tpu.memory_space<semaphore_mem>>) attributes {dimension_semantics = [#tpu.dimension_semantics<core_parallel>, #tpu.dimension_semantics<subcore_parallel>], iteration_bounds = array<i64: 2, 16>, scalar_prefetch = 0 : i64, scratch_operands = 14 : i64, tpu.core_type = #tpu.core_type<sc_vector_subcore>, window_params = [{transform_indices = #map}, {transform_indices = #map}, {transform_indices = #map}]} {
    %broadcast_in_dim3A = arith.constant 0.000000e+00 : f32
    %broadcast_in_dim3A_0 = vector.broadcast %broadcast_in_dim3A : f32 to vector<16xf32>
    %parallel_loop3A = arith.constant 0 : i32
    %parallel_loop3A_1 = arith.constant 896 : i32
    %parallel_loop3A_2 = arith.constant 1 : i32
    scf.for %parallel_loop3A_18 = %parallel_loop3A to %parallel_loop3A_1 step %parallel_loop3A_2  : i32 {
      %parallel_loop3A_19 = arith.constant 16 : i32
      %parallel_loop3A_20 = arith.muli %parallel_loop3A_18, %parallel_loop3A_19 : i32
      %parallel_loop3A_21 = arith.index_cast %parallel_loop3A_20 : i32 to index
      %parallel_loop3A_22 = tpu.vector_load %arg12[%parallel_loop3A_21] {strides = array<i32>} : memref<14336xf32, #tpu.memory_space<vmem>>, vector<16xf32>,
      %parallel_loop3A_23 = vector.shape_cast %parallel_loop3A_22 : vector<16xf32> to vector<16xf32>
      %parallel_loop3A_24 = vector.shape_cast %broadcast_in_dim3A_0 : vector<16xf32> to vector<16xf32>
      tpu.vector_store %arg12[%parallel_loop3A_21], %parallel_loop3A_24 {strides = array<i32>} : memref<14336xf32, #tpu.memory_space<vmem>>, vector<16xf32>,
    } {sc.loop_unroll_factor = 8 : i64, sc.parallel_access}
    %mul3A = arith.constant 12 : i32
    %mul3A_3 = arith.muli %mul3A, %arg1 : i32
    %sub3A = arith.constant 12 : i32
    %sub3A_4 = arith.subi %arg1, %sub3A : i32
    %max3A = arith.constant 0 : i32
    %max3A_5 = arith.maxsi %sub3A_4, %max3A : i32
    %add3A = arith.addi %mul3A_3, %max3A_5 : i32
    %ge3A = arith.constant 12 : i32
    %ge3A_6 = arith.cmpi sge, %arg1, %ge3A : i32
    %convert_element_type3A = arith.extui %ge3A_6 : i1 to i32
    %add3A_7 = arith.constant 12 : i32
    %add3A_8 = arith.addi %add3A_7, %convert_element_type3A : i32
    %shift_right_arithmetic3A = arith.constant 3 : i32
    %shift_right_arithmetic3A_9 = arith.shrsi %arg1, %shift_right_arithmetic3A : i32
    %and3A = arith.constant 7 : i32
    %and3A_10 = arith.andi %arg1, %and3A : i32
    %mul3A_11 = arith.constant 6272 : i32
    %mul3A_12 = arith.muli %mul3A_11, %and3A_10 : i32
    %scan3A = arith.constant 0 : i32
    %scan3A_13 = arith.constant 0 : i32
    %scan3A_14 = arith.constant 6 : i32
    %scan3A_15 = arith.addi %scan3A_13, %scan3A_14 : i32
    %scan3A_16 = arith.constant 1 : i32
    scf.for %scan3A_18 = %scan3A_13 to %scan3A_15 step %scan3A_16  : i32 {
      %mul3A_19 = arith.constant 3 : i32
      %mul3A_20 = arith.muli %arg0, %mul3A_19 : i32
      %shift_right_arithmetic3A_21 = arith.constant 1 : i32
      %shift_right_arithmetic3A_22 = arith.shrsi %scan3A_18, %shift_right_arithmetic3A_21 : i32
      %add3A_23 = arith.addi %mul3A_20, %shift_right_arithmetic3A_22 : i32
      %and3A_24 = arith.constant 1 : i32
      %and3A_25 = arith.andi %scan3A_18, %and3A_24 : i32
      %scan3A_26 = arith.constant 0 : i32
      %scan3A_27 = arith.constant 0 : i32
      %scan3A_28 = arith.constant 7 : i32
      %scan3A_29 = arith.addi %scan3A_27, %scan3A_28 : i32
      %scan3A_30 = arith.constant 1 : i32
      scf.for %scan3A_98 = %scan3A_27 to %scan3A_29 step %scan3A_30  : i32 {
        %mul3A_99 = arith.constant 100352 : i32
        %mul3A_100 = arith.muli %arg1, %mul3A_99 : i32
        %mul3A_101 = arith.constant 14336 : i32
        %mul3A_102 = arith.muli %scan3A_98, %mul3A_101 : i32
        %add3A_103 = arith.addi %mul3A_100, %mul3A_102 : i32
        "tpu.region"() ({
          %run_scoped3A = tpu.sem_alloc : memref<!tpu.dma_semaphore, #tpu.memory_space<semaphore_mem>>
          %dma_start3A_104 = tpu.memref_slice %arg5[%add3A_103] : memref<1605632xf32, #tpu.memory_space<vmem_shared>> -> memref<14336xf32, #tpu.memory_space<vmem_shared>>
          %dma_start3A_105 = tpu.memref_slice %arg5[%add3A_103] : memref<1605632xf32, #tpu.memory_space<vmem_shared>> -> memref<14336xf32, #tpu.memory_space<vmem_shared>>
          tpu.enqueue_dma source(%arg12 : memref<14336xf32, #tpu.memory_space<vmem>>) target(%dma_start3A_105 : memref<14336xf32, #tpu.memory_space<vmem_shared>>) target_semaphore(%run_scoped3A : memref<!tpu.dma_semaphore, #tpu.memory_space<semaphore_mem>>)
          %dma_wait3A = tpu.memref_slice %arg5[%add3A_103] : memref<1605632xf32, #tpu.memory_space<vmem_shared>> -> memref<14336xf32, #tpu.memory_space<vmem_shared>>
          %dma_wait3A_106 = tpu.memref_slice %arg5[%add3A_103] : memref<1605632xf32, #tpu.memory_space<vmem_shared>> -> memref<14336xf32, #tpu.memory_space<vmem_shared>>
          tpu.wait_dma2 semaphore(%run_scoped3A : memref<!tpu.dma_semaphore, #tpu.memory_space<semaphore_mem>>) src(%arg12 : memref<14336xf32, #tpu.memory_space<vmem>>) dst(%dma_wait3A_106 : memref<14336xf32, #tpu.memory_space<vmem_shared>>)
          tpu.yield
        }) : () -> ()
      }
      %scan3A_31 = arith.constant 7 : i32
      %barrier3A = arith.constant 0 : index
      tpu.barrier barrier_id(%barrier3A)
      %ge3A_32 = arith.constant 98 : i32
      %ge3A_33 = arith.cmpi sge, %add3A, %ge3A_32 : i32
      %convert_element_type3A_34 = arith.extui %ge3A_33 : i1 to i32
      %mul3A_35 = arith.constant 12544 : i32
      %mul3A_36 = arith.muli %and3A_25, %mul3A_35 : i32
      %mul3A_37 = arith.constant 98 : i32
      %mul3A_38 = arith.muli %mul3A_37, %convert_element_type3A_34 : i32
      %sub3A_39 = arith.subi %add3A, %mul3A_38 : i32
      %mul3A_40 = arith.constant 128 : i32
      %mul3A_41 = arith.muli %sub3A_39, %mul3A_40 : i32
      %add3A_42 = arith.addi %mul3A_36, %mul3A_41 : i32
      %mul3A_43 = arith.constant 2 : i32
      %mul3A_44 = arith.muli %add3A_23, %mul3A_43 : i32
      %add3A_45 = arith.addi %mul3A_44, %convert_element_type3A_34 : i32
      %dma_start3A = arith.constant 0 : i32
      %dma_start3A_46 = tpu.memref_slice %arg2[%add3A_45, %dma_start3A, %add3A_42] : memref<12x16x25088xf32, #tpu.memory_space<hbm>> -> memref<1x16x128xf32, #tpu.memory_space<hbm>>
      %dma_start3A_47 = tpu.memref_squeeze %dma_start3A_46 : memref<1x16x128xf32, #tpu.memory_space<hbm>> -> memref<16x128xf32, #tpu.memory_space<hbm>>
      %dma_start3A_48 = arith.constant 0 : i32
      %dma_start3A_49 = tpu.memref_slice %arg2[%add3A_45, %dma_start3A_48, %add3A_42] : memref<12x16x25088xf32, #tpu.memory_space<hbm>> -> memref<1x16x128xf32, #tpu.memory_space<hbm>>
      %dma_start3A_50 = tpu.memref_squeeze %dma_start3A_49 : memref<1x16x128xf32, #tpu.memory_space<hbm>> -> memref<16x128xf32, #tpu.memory_space<hbm>>
      tpu.enqueue_dma source(%dma_start3A_50 : memref<16x128xf32, #tpu.memory_space<hbm>>) target(%arg6 : memref<16x128xf32, #tpu.memory_space<vmem>>) target_semaphore(%arg13 : memref<!tpu.dma_semaphore, #tpu.memory_space<semaphore_mem>>)
      %dma_start3A_51 = arith.constant 0 : i32
      %dma_start3A_52 = tpu.memref_slice %arg3[%add3A_45, %dma_start3A_51, %add3A_42] : memref<12x16x25088xi32, #tpu.memory_space<hbm>> -> memref<1x16x128xi32, #tpu.memory_space<hbm>>
      %dma_start3A_53 = tpu.memref_squeeze %dma_start3A_52 : memref<1x16x128xi32, #tpu.memory_space<hbm>> -> memref<16x128xi32, #tpu.memory_space<hbm>>
      %dma_start3A_54 = arith.constant 0 : i32
      %dma_start3A_55 = tpu.memref_slice %arg3[%add3A_45, %dma_start3A_54, %add3A_42] : memref<12x16x25088xi32, #tpu.memory_space<hbm>> -> memref<1x16x128xi32, #tpu.memory_space<hbm>>
      %dma_start3A_56 = tpu.memref_squeeze %dma_start3A_55 : memref<1x16x128xi32, #tpu.memory_space<hbm>> -> memref<16x128xi32, #tpu.memory_space<hbm>>
      tpu.enqueue_dma source(%dma_start3A_56 : memref<16x128xi32, #tpu.memory_space<hbm>>) target(%arg8 : memref<16x128xi32, #tpu.memory_space<vmem>>) target_semaphore(%arg15 : memref<!tpu.dma_semaphore, #tpu.memory_space<semaphore_mem>>)
      %while3A = arith.constant 0 : i32
      %while3A_57 = arith.constant 0 : i32
      %while3A_58 = arith.subi %add3A_8, %while3A_57 : i32
      %while3A_59 = arith.addi %while3A_57, %while3A_58 : i32
      %while3A_60 = arith.constant 1 : i32
      %while3A_61 = arith.divsi %while3A_58, %while3A_60 : i32
      %while3A_62 = arith.muli %while3A_61, %while3A_60 : i32
      %while3A_63 = arith.addi %while3A_57, %while3A_62 : i32
      %while3A_64 = arith.constant 1 : i32
      scf.for %while3A_98 = %while3A_57 to %while3A_63 step %while3A_64  : i32 {
        %add3A_99 = arith.addi %add3A, %while3A_98 : i32
        %and3A_100 = arith.constant 1 : i32
        %and3A_101 = arith.andi %while3A_98, %and3A_100 : i32
        %eq3A_102 = arith.constant 0 : i32
        %eq3A_103 = arith.cmpi eq, %and3A_101, %eq3A_102 : i32
        %convert_element_type3A_104 = arith.extui %eq3A_103 : i1 to i32
        %cond3A_105 = arith.constant 0 : i32
        %cond3A_106 = arith.cmpi ne, %convert_element_type3A_104, %cond3A_105 : i32
        scf.if %cond3A_106 {
          %ge3A_114 = arith.constant 98 : i32
          %ge3A_115 = arith.cmpi sge, %add3A_99, %ge3A_114 : i32
          %convert_element_type3A_116 = arith.extui %ge3A_115 : i1 to i32
          %mul3A_117 = arith.constant 12544 : i32
          %mul3A_118 = arith.muli %and3A_25, %mul3A_117 : i32
          %mul3A_119 = arith.constant 98 : i32
          %mul3A_120 = arith.muli %mul3A_119, %convert_element_type3A_116 : i32
          %sub3A_121 = arith.subi %add3A_99, %mul3A_120 : i32
          %mul3A_122 = arith.constant 128 : i32
          %mul3A_123 = arith.muli %sub3A_121, %mul3A_122 : i32
          %add3A_124 = arith.addi %mul3A_118, %mul3A_123 : i32
          %mul3A_125 = arith.constant 2 : i32
          %mul3A_126 = arith.muli %add3A_23, %mul3A_125 : i32
          %add3A_127 = arith.addi %mul3A_126, %convert_element_type3A_116 : i32
          %dma_wait3A = arith.constant 0 : i32
          %dma_wait3A_128 = tpu.memref_slice %arg2[%add3A_127, %dma_wait3A, %add3A_124] : memref<12x16x25088xf32, #tpu.memory_space<hbm>> -> memref<1x16x128xf32, #tpu.memory_space<hbm>>
          %dma_wait3A_129 = tpu.memref_squeeze %dma_wait3A_128 : memref<1x16x128xf32, #tpu.memory_space<hbm>> -> memref<16x128xf32, #tpu.memory_space<hbm>>
          %dma_wait3A_130 = arith.constant 0 : i32
          %dma_wait3A_131 = tpu.memref_slice %arg2[%add3A_127, %dma_wait3A_130, %add3A_124] : memref<12x16x25088xf32, #tpu.memory_space<hbm>> -> memref<1x16x128xf32, #tpu.memory_space<hbm>>
          %dma_wait3A_132 = tpu.memref_squeeze %dma_wait3A_131 : memref<1x16x128xf32, #tpu.memory_space<hbm>> -> memref<16x128xf32, #tpu.memory_space<hbm>>
          tpu.wait_dma2 semaphore(%arg13 : memref<!tpu.dma_semaphore, #tpu.memory_space<semaphore_mem>>) src(%dma_wait3A_132 : memref<16x128xf32, #tpu.memory_space<hbm>>) dst(%arg6 : memref<16x128xf32, #tpu.memory_space<vmem>>)
          %dma_wait3A_133 = arith.constant 0 : i32
          %dma_wait3A_134 = tpu.memref_slice %arg3[%add3A_127, %dma_wait3A_133, %add3A_124] : memref<12x16x25088xi32, #tpu.memory_space<hbm>> -> memref<1x16x128xi32, #tpu.memory_space<hbm>>
          %dma_wait3A_135 = tpu.memref_squeeze %dma_wait3A_134 : memref<1x16x128xi32, #tpu.memory_space<hbm>> -> memref<16x128xi32, #tpu.memory_space<hbm>>
          %dma_wait3A_136 = arith.constant 0 : i32
          %dma_wait3A_137 = tpu.memref_slice %arg3[%add3A_127, %dma_wait3A_136, %add3A_124] : memref<12x16x25088xi32, #tpu.memory_space<hbm>> -> memref<1x16x128xi32, #tpu.memory_space<hbm>>
          %dma_wait3A_138 = tpu.memref_squeeze %dma_wait3A_137 : memref<1x16x128xi32, #tpu.memory_space<hbm>> -> memref<16x128xi32, #tpu.memory_space<hbm>>
          tpu.wait_dma2 semaphore(%arg15 : memref<!tpu.dma_semaphore, #tpu.memory_space<semaphore_mem>>) src(%dma_wait3A_138 : memref<16x128xi32, #tpu.memory_space<hbm>>) dst(%arg8 : memref<16x128xi32, #tpu.memory_space<vmem>>)
          %ge3A_139 = arith.constant 98 : i32
          %ge3A_140 = arith.cmpi sge, %add3A_99, %ge3A_139 : i32
          %convert_element_type3A_141 = arith.extui %ge3A_140 : i1 to i32
          %mul3A_142 = arith.constant 12544 : i32
          %mul3A_143 = arith.muli %and3A_25, %mul3A_142 : i32
          %mul3A_144 = arith.constant 98 : i32
          %mul3A_145 = arith.muli %mul3A_144, %convert_element_type3A_141 : i32
          %sub3A_146 = arith.subi %add3A_99, %mul3A_145 : i32
          %mul3A_147 = arith.constant 128 : i32
          %mul3A_148 = arith.muli %sub3A_146, %mul3A_147 : i32
          %add3A_149 = arith.addi %mul3A_143, %mul3A_148 : i32
          %mul3A_150 = arith.constant 802816 : i32
          %mul3A_151 = arith.muli %convert_element_type3A_141, %mul3A_150 : i32
          %parallel_loop3A_152 = arith.constant 0 : i32
          %parallel_loop3A_153 = arith.constant 128 : i32
          %parallel_loop3A_154 = arith.constant 1 : i32
          scf.for %parallel_loop3A_170 = %parallel_loop3A_152 to %parallel_loop3A_153 step %parallel_loop3A_154  : i32 {
            %parallel_loop3A_171 = arith.constant 3 : i32
            %parallel_loop3A_172 = arith.shrsi %parallel_loop3A_170, %parallel_loop3A_171 : i32
            %parallel_loop3A_173 = arith.constant 7 : i32
            %parallel_loop3A_174 = arith.andi %parallel_loop3A_170, %parallel_loop3A_173 : i32
            %parallel_loop3A_175 = arith.constant 16 : i32
            %parallel_loop3A_176 = arith.muli %parallel_loop3A_174, %parallel_loop3A_175 : i32
            %parallel_loop3A_177 = arith.index_cast %parallel_loop3A_172 : i32 to index
            %parallel_loop3A_178 = arith.index_cast %parallel_loop3A_176 : i32 to index
            %parallel_loop3A_179 = tpu.vector_load %arg8[%parallel_loop3A_177, %parallel_loop3A_178] {strides = array<i32>} : memref<16x128xi32, #tpu.memory_space<vmem>>, vector<1x16xi32>,
            %parallel_loop3A_180 = vector.shape_cast %parallel_loop3A_179 : vector<1x16xi32> to vector<16xi32>
            %parallel_loop3A_181 = arith.sitofp %parallel_loop3A_180 : vector<16xi32> to vector<16xf32>
            %parallel_loop3A_182 = arith.constant 0.00520833349 : f32
            %parallel_loop3A_183 = vector.broadcast %parallel_loop3A_182 : f32 to vector<16xf32>
            %parallel_loop3A_184 = arith.mulf %parallel_loop3A_181, %parallel_loop3A_183 : vector<16xf32>
            %parallel_loop3A_185 = arith.constant 5.000000e-01 : f32
            %parallel_loop3A_186 = vector.broadcast %parallel_loop3A_185 : f32 to vector<16xf32>
            %parallel_loop3A_187 = arith.addf %parallel_loop3A_184, %parallel_loop3A_186 : vector<16xf32>
            %parallel_loop3A_188 = arith.fptosi %parallel_loop3A_187 : vector<16xf32> to vector<16xi32>
            %parallel_loop3A_189 = arith.constant 192 : i32
            %parallel_loop3A_190 = vector.broadcast %parallel_loop3A_189 : i32 to vector<16xi32>
            %parallel_loop3A_191 = arith.muli %parallel_loop3A_188, %parallel_loop3A_190 : vector<16xi32>
            %parallel_loop3A_192 = arith.subi %parallel_loop3A_180, %parallel_loop3A_191 : vector<16xi32>
            %parallel_loop3A_193 = arith.constant 31 : i32
            %parallel_loop3A_194 = vector.broadcast %parallel_loop3A_193 : i32 to vector<16xi32>
            %parallel_loop3A_195 = arith.shrsi %parallel_loop3A_192, %parallel_loop3A_194 : vector<16xi32>
            %parallel_loop3A_196 = arith.addi %parallel_loop3A_188, %parallel_loop3A_195 : vector<16xi32>
            %parallel_loop3A_197 = arith.constant 50176 : i32
            %parallel_loop3A_198 = arith.muli %parallel_loop3A_172, %parallel_loop3A_197 : i32
            %parallel_loop3A_199 = arith.addi %mul3A_151, %parallel_loop3A_198 : i32
            %parallel_loop3A_200 = vector.broadcast %parallel_loop3A_199 : i32 to vector<16xi32>
            %parallel_loop3A_201 = arith.addi %parallel_loop3A_196, %parallel_loop3A_200 : vector<16xi32>
            %parallel_loop3A_202 = arith.constant 16 : i32
            %parallel_loop3A_203 = arith.muli %parallel_loop3A_174, %parallel_loop3A_202 : i32
            %parallel_loop3A_204 = arith.index_cast %parallel_loop3A_172 : i32 to index
            %parallel_loop3A_205 = arith.index_cast %parallel_loop3A_203 : i32 to index
            %parallel_loop3A_206 = tpu.vector_load %arg10[%parallel_loop3A_204, %parallel_loop3A_205] {strides = array<i32>} : memref<16x128xi32, #tpu.memory_space<vmem>>, vector<1x16xi32>,
            %parallel_loop3A_207 = vector.shape_cast %parallel_loop3A_206 : vector<1x16xi32> to vector<16xi32>
            %parallel_loop3A_208 = vector.shape_cast %parallel_loop3A_201 : vector<16xi32> to vector<1x16xi32>
            tpu.vector_store %arg10[%parallel_loop3A_204, %parallel_loop3A_205], %parallel_loop3A_208 {strides = array<i32>} : memref<16x128xi32, #tpu.memory_space<vmem>>, vector<1x16xi32>,
          } {sc.loop_unroll_factor = 8 : i64, sc.parallel_access}
          %gt3A = arith.constant 0 : i32
          %gt3A_155 = arith.cmpi sgt, %while3A_98, %gt3A : i32
          %convert_element_type3A_156 = arith.extui %gt3A_155 : i1 to i32
          %cond3A_157 = arith.constant 0 : i32
          %cond3A_158 = arith.cmpi ne, %convert_element_type3A_156, %cond3A_157 : i32
          scf.if %cond3A_158 {
            %scan3A_170 = arith.constant 0 : i32
            %scan3A_171 = arith.constant 0 : i32
            %scan3A_172 = arith.constant 16 : i32
            %scan3A_173 = arith.addi %scan3A_171, %scan3A_172 : i32
            %scan3A_174 = arith.constant 1 : i32
            scf.for %scan3A_176 = %scan3A_171 to %scan3A_173 step %scan3A_174  : i32 {
              %dma_wait3A_177 = arith.constant 0 : i32
              %dma_wait3A_178 = tpu.memref_slice %arg7[%scan3A_176, %dma_wait3A_177] : memref<16x128xf32, #tpu.memory_space<vmem>> -> memref<1x128xf32, #tpu.memory_space<vmem>>
              %dma_wait3A_179 = tpu.memref_squeeze %dma_wait3A_178 : memref<1x128xf32, #tpu.memory_space<vmem>> -> memref<128xf32, #tpu.memory_space<vmem>>
              %dma_wait3A_180 = arith.constant 0 : i32
              %dma_wait3A_181 = tpu.memref_slice %arg11[%scan3A_176, %dma_wait3A_180] : memref<16x128xi32, #tpu.memory_space<vmem>> -> memref<1x128xi32, #tpu.memory_space<vmem>>
              %dma_wait3A_182 = tpu.memref_squeeze %dma_wait3A_181 : memref<1x128xi32, #tpu.memory_space<vmem>> -> memref<128xi32, #tpu.memory_space<vmem>>
              %dma_wait3A_183 = arith.constant 0 : i32
              %dma_wait3A_184 = tpu.memref_slice %arg5[%dma_wait3A_183] : memref<1605632xf32, #tpu.memory_space<vmem_shared>> -> memref<1605632xf32, #tpu.memory_space<vmem_shared>>
              tpu.wait_indirect_dma semaphore(%arg18 : memref<!tpu.dma_semaphore, #tpu.memory_space<semaphore_mem>>) src(%dma_wait3A_179 : memref<128xf32, #tpu.memory_space<vmem>>) dst(%dma_wait3A_184 : memref<1605632xf32, #tpu.memory_space<vmem_shared>>)
            }
            %scan3A_175 = arith.constant 16 : i32
          } else {
          }
          %add3A_159 = arith.constant 1 : i32
          %add3A_160 = arith.addi %while3A_98, %add3A_159 : i32
          %lt3A = arith.cmpi slt, %add3A_160, %add3A_8 : i32
          %convert_element_type3A_161 = arith.extui %lt3A : i1 to i32
          %cond3A_162 = arith.constant 0 : i32
          %cond3A_163 = arith.cmpi ne, %convert_element_type3A_161, %cond3A_162 : i32
          scf.if %cond3A_163 {
            %add3A_170 = arith.constant 1 : i32
            %add3A_171 = arith.addi %add3A_99, %add3A_170 : i32
            %ge3A_172 = arith.constant 98 : i32
            %ge3A_173 = arith.cmpi sge, %add3A_171, %ge3A_172 : i32
            %convert_element_type3A_174 = arith.extui %ge3A_173 : i1 to i32
            %mul3A_175 = arith.constant 12544 : i32
            %mul3A_176 = arith.muli %and3A_25, %mul3A_175 : i32
            %mul3A_177 = arith.constant 98 : i32
            %mul3A_178 = arith.muli %mul3A_177, %convert_element_type3A_174 : i32
            %sub3A_179 = arith.subi %add3A_171, %mul3A_178 : i32
            %mul3A_180 = arith.constant 128 : i32
            %mul3A_181 = arith.muli %sub3A_179, %mul3A_180 : i32
            %add3A_182 = arith.addi %mul3A_176, %mul3A_181 : i32
            %mul3A_183 = arith.constant 2 : i32
            %mul3A_184 = arith.muli %add3A_23, %mul3A_183 : i32
            %add3A_185 = arith.addi %mul3A_184, %convert_element_type3A_174 : i32
            %dma_start3A_186 = arith.constant 0 : i32
            %dma_start3A_187 = tpu.memref_slice %arg2[%add3A_185, %dma_start3A_186, %add3A_182] : memref<12x16x25088xf32, #tpu.memory_space<hbm>> -> memref<1x16x128xf32, #tpu.memory_space<hbm>>
            %dma_start3A_188 = tpu.memref_squeeze %dma_start3A_187 : memref<1x16x128xf32, #tpu.memory_space<hbm>> -> memref<16x128xf32, #tpu.memory_space<hbm>>
            %dma_start3A_189 = arith.constant 0 : i32
            %dma_start3A_190 = tpu.memref_slice %arg2[%add3A_185, %dma_start3A_189, %add3A_182] : memref<12x16x25088xf32, #tpu.memory_space<hbm>> -> memref<1x16x128xf32, #tpu.memory_space<hbm>>
            %dma_start3A_191 = tpu.memref_squeeze %dma_start3A_190 : memref<1x16x128xf32, #tpu.memory_space<hbm>> -> memref<16x128xf32, #tpu.memory_space<hbm>>
            tpu.enqueue_dma source(%dma_start3A_191 : memref<16x128xf32, #tpu.memory_space<hbm>>) target(%arg7 : memref<16x128xf32, #tpu.memory_space<vmem>>) target_semaphore(%arg14 : memref<!tpu.dma_semaphore, #tpu.memory_space<semaphore_mem>>)
            %dma_start3A_192 = arith.constant 0 : i32
            %dma_start3A_193 = tpu.memref_slice %arg3[%add3A_185, %dma_start3A_192, %add3A_182] : memref<12x16x25088xi32, #tpu.memory_space<hbm>> -> memref<1x16x128xi32, #tpu.memory_space<hbm>>
            %dma_start3A_194 = tpu.memref_squeeze %dma_start3A_193 : memref<1x16x128xi32, #tpu.memory_space<hbm>> -> memref<16x128xi32, #tpu.memory_space<hbm>>
            %dma_start3A_195 = arith.constant 0 : i32
            %dma_start3A_196 = tpu.memref_slice %arg3[%add3A_185, %dma_start3A_195, %add3A_182] : memref<12x16x25088xi32, #tpu.memory_space<hbm>> -> memref<1x16x128xi32, #tpu.memory_space<hbm>>
            %dma_start3A_197 = tpu.memref_squeeze %dma_start3A_196 : memref<1x16x128xi32, #tpu.memory_space<hbm>> -> memref<16x128xi32, #tpu.memory_space<hbm>>
            tpu.enqueue_dma source(%dma_start3A_197 : memref<16x128xi32, #tpu.memory_space<hbm>>) target(%arg9 : memref<16x128xi32, #tpu.memory_space<vmem>>) target_semaphore(%arg16 : memref<!tpu.dma_semaphore, #tpu.memory_space<semaphore_mem>>)
          } else {
          }
          %scan3A_164 = arith.constant 0 : i32
          %scan3A_165 = arith.constant 0 : i32
          %scan3A_166 = arith.constant 16 : i32
          %scan3A_167 = arith.addi %scan3A_165, %scan3A_166 : i32
          %scan3A_168 = arith.constant 1 : i32
          scf.for %scan3A_170 = %scan3A_165 to %scan3A_167 step %scan3A_168  : i32 {
            %dma_start3A_171 = arith.constant 0 : i32
            %dma_start3A_172 = tpu.memref_slice %arg6[%scan3A_170, %dma_start3A_171] : memref<16x128xf32, #tpu.memory_space<vmem>> -> memref<1x128xf32, #tpu.memory_space<vmem>>
            %dma_start3A_173 = tpu.memref_squeeze %dma_start3A_172 : memref<1x128xf32, #tpu.memory_space<vmem>> -> memref<128xf32, #tpu.memory_space<vmem>>
            %dma_start3A_174 = arith.constant 0 : i32
            %dma_start3A_175 = tpu.memref_slice %arg10[%scan3A_170, %dma_start3A_174] : memref<16x128xi32, #tpu.memory_space<vmem>> -> memref<1x128xi32, #tpu.memory_space<vmem>>
            %dma_start3A_176 = tpu.memref_squeeze %dma_start3A_175 : memref<1x128xi32, #tpu.memory_space<vmem>> -> memref<128xi32, #tpu.memory_space<vmem>>
            %dma_start3A_177 = arith.constant 0 : i32
            %dma_start3A_178 = tpu.memref_slice %arg5[%dma_start3A_177] : memref<1605632xf32, #tpu.memory_space<vmem_shared>> -> memref<1605632xf32, #tpu.memory_space<vmem_shared>>
            tpu.enqueue_indirect_dma source(%dma_start3A_173 : memref<128xf32, #tpu.memory_space<vmem>>) target(%dma_start3A_178 : memref<1605632xf32, #tpu.memory_space<vmem_shared>>) offsets(%dma_start3A_176 : memref<128xi32, #tpu.memory_space<vmem>>) semaphore(%arg17 : memref<!tpu.dma_semaphore, #tpu.memory_space<semaphore_mem>>) {add = true}
          }
          %scan3A_169 = arith.constant 16 : i32
        } else {
        }
        %and3A_107 = arith.constant 1 : i32
        %and3A_108 = arith.andi %while3A_98, %and3A_107 : i32
        %eq3A_109 = arith.constant 1 : i32
        %eq3A_110 = arith.cmpi eq, %and3A_108, %eq3A_109 : i32
        %convert_element_type3A_111 = arith.extui %eq3A_110 : i1 to i32
        %cond3A_112 = arith.constant 0 : i32
        %cond3A_113 = arith.cmpi ne, %convert_element_type3A_111, %cond3A_112 : i32
        scf.if %cond3A_113 {
          %ge3A_114 = arith.constant 98 : i32
          %ge3A_115 = arith.cmpi sge, %add3A_99, %ge3A_114 : i32
          %convert_element_type3A_116 = arith.extui %ge3A_115 : i1 to i32
          %mul3A_117 = arith.constant 12544 : i32
          %mul3A_118 = arith.muli %and3A_25, %mul3A_117 : i32
          %mul3A_119 = arith.constant 98 : i32
          %mul3A_120 = arith.muli %mul3A_119, %convert_element_type3A_116 : i32
          %sub3A_121 = arith.subi %add3A_99, %mul3A_120 : i32
          %mul3A_122 = arith.constant 128 : i32
          %mul3A_123 = arith.muli %sub3A_121, %mul3A_122 : i32
          %add3A_124 = arith.addi %mul3A_118, %mul3A_123 : i32
          %mul3A_125 = arith.constant 2 : i32
          %mul3A_126 = arith.muli %add3A_23, %mul3A_125 : i32
          %add3A_127 = arith.addi %mul3A_126, %convert_element_type3A_116 : i32
          %dma_wait3A = arith.constant 0 : i32
          %dma_wait3A_128 = tpu.memref_slice %arg2[%add3A_127, %dma_wait3A, %add3A_124] : memref<12x16x25088xf32, #tpu.memory_space<hbm>> -> memref<1x16x128xf32, #tpu.memory_space<hbm>>
          %dma_wait3A_129 = tpu.memref_squeeze %dma_wait3A_128 : memref<1x16x128xf32, #tpu.memory_space<hbm>> -> memref<16x128xf32, #tpu.memory_space<hbm>>
          %dma_wait3A_130 = arith.constant 0 : i32
          %dma_wait3A_131 = tpu.memref_slice %arg2[%add3A_127, %dma_wait3A_130, %add3A_124] : memref<12x16x25088xf32, #tpu.memory_space<hbm>> -> memref<1x16x128xf32, #tpu.memory_space<hbm>>
          %dma_wait3A_132 = tpu.memref_squeeze %dma_wait3A_131 : memref<1x16x128xf32, #tpu.memory_space<hbm>> -> memref<16x128xf32, #tpu.memory_space<hbm>>
          tpu.wait_dma2 semaphore(%arg14 : memref<!tpu.dma_semaphore, #tpu.memory_space<semaphore_mem>>) src(%dma_wait3A_132 : memref<16x128xf32, #tpu.memory_space<hbm>>) dst(%arg7 : memref<16x128xf32, #tpu.memory_space<vmem>>)
          %dma_wait3A_133 = arith.constant 0 : i32
          %dma_wait3A_134 = tpu.memref_slice %arg3[%add3A_127, %dma_wait3A_133, %add3A_124] : memref<12x16x25088xi32, #tpu.memory_space<hbm>> -> memref<1x16x128xi32, #tpu.memory_space<hbm>>
          %dma_wait3A_135 = tpu.memref_squeeze %dma_wait3A_134 : memref<1x16x128xi32, #tpu.memory_space<hbm>> -> memref<16x128xi32, #tpu.memory_space<hbm>>
          %dma_wait3A_136 = arith.constant 0 : i32
          %dma_wait3A_137 = tpu.memref_slice %arg3[%add3A_127, %dma_wait3A_136, %add3A_124] : memref<12x16x25088xi32, #tpu.memory_space<hbm>> -> memref<1x16x128xi32, #tpu.memory_space<hbm>>
          %dma_wait3A_138 = tpu.memref_squeeze %dma_wait3A_137 : memref<1x16x128xi32, #tpu.memory_space<hbm>> -> memref<16x128xi32, #tpu.memory_space<hbm>>
          tpu.wait_dma2 semaphore(%arg16 : memref<!tpu.dma_semaphore, #tpu.memory_space<semaphore_mem>>) src(%dma_wait3A_138 : memref<16x128xi32, #tpu.memory_space<hbm>>) dst(%arg9 : memref<16x128xi32, #tpu.memory_space<vmem>>)
          %ge3A_139 = arith.constant 98 : i32
          %ge3A_140 = arith.cmpi sge, %add3A_99, %ge3A_139 : i32
          %convert_element_type3A_141 = arith.extui %ge3A_140 : i1 to i32
          %mul3A_142 = arith.constant 12544 : i32
          %mul3A_143 = arith.muli %and3A_25, %mul3A_142 : i32
          %mul3A_144 = arith.constant 98 : i32
          %mul3A_145 = arith.muli %mul3A_144, %convert_element_type3A_141 : i32
          %sub3A_146 = arith.subi %add3A_99, %mul3A_145 : i32
          %mul3A_147 = arith.constant 128 : i32
          %mul3A_148 = arith.muli %sub3A_146, %mul3A_147 : i32
          %add3A_149 = arith.addi %mul3A_143, %mul3A_148 : i32
          %mul3A_150 = arith.constant 802816 : i32
          %mul3A_151 = arith.muli %convert_element_type3A_141, %mul3A_150 : i32
          %parallel_loop3A_152 = arith.constant 0 : i32
          %parallel_loop3A_153 = arith.constant 128 : i32
          %parallel_loop3A_154 = arith.constant 1 : i32
          scf.for %parallel_loop3A_172 = %parallel_loop3A_152 to %parallel_loop3A_153 step %parallel_loop3A_154  : i32 {
            %parallel_loop3A_173 = arith.constant 3 : i32
            %parallel_loop3A_174 = arith.shrsi %parallel_loop3A_172, %parallel_loop3A_173 : i32
            %parallel_loop3A_175 = arith.constant 7 : i32
            %parallel_loop3A_176 = arith.andi %parallel_loop3A_172, %parallel_loop3A_175 : i32
            %parallel_loop3A_177 = arith.constant 16 : i32
            %parallel_loop3A_178 = arith.muli %parallel_loop3A_176, %parallel_loop3A_177 : i32
            %parallel_loop3A_179 = arith.index_cast %parallel_loop3A_174 : i32 to index
            %parallel_loop3A_180 = arith.index_cast %parallel_loop3A_178 : i32 to index
            %parallel_loop3A_181 = tpu.vector_load %arg9[%parallel_loop3A_179, %parallel_loop3A_180] {strides = array<i32>} : memref<16x128xi32, #tpu.memory_space<vmem>>, vector<1x16xi32>,
            %parallel_loop3A_182 = vector.shape_cast %parallel_loop3A_181 : vector<1x16xi32> to vector<16xi32>
            %parallel_loop3A_183 = arith.sitofp %parallel_loop3A_182 : vector<16xi32> to vector<16xf32>
            %parallel_loop3A_184 = arith.constant 0.00520833349 : f32
            %parallel_loop3A_185 = vector.broadcast %parallel_loop3A_184 : f32 to vector<16xf32>
            %parallel_loop3A_186 = arith.mulf %parallel_loop3A_183, %parallel_loop3A_185 : vector<16xf32>
            %parallel_loop3A_187 = arith.constant 5.000000e-01 : f32
            %parallel_loop3A_188 = vector.broadcast %parallel_loop3A_187 : f32 to vector<16xf32>
            %parallel_loop3A_189 = arith.addf %parallel_loop3A_186, %parallel_loop3A_188 : vector<16xf32>
            %parallel_loop3A_190 = arith.fptosi %parallel_loop3A_189 : vector<16xf32> to vector<16xi32>
            %parallel_loop3A_191 = arith.constant 192 : i32
            %parallel_loop3A_192 = vector.broadcast %parallel_loop3A_191 : i32 to vector<16xi32>
            %parallel_loop3A_193 = arith.muli %parallel_loop3A_190, %parallel_loop3A_192 : vector<16xi32>
            %parallel_loop3A_194 = arith.subi %parallel_loop3A_182, %parallel_loop3A_193 : vector<16xi32>
            %parallel_loop3A_195 = arith.constant 31 : i32
            %parallel_loop3A_196 = vector.broadcast %parallel_loop3A_195 : i32 to vector<16xi32>
            %parallel_loop3A_197 = arith.shrsi %parallel_loop3A_194, %parallel_loop3A_196 : vector<16xi32>
            %parallel_loop3A_198 = arith.addi %parallel_loop3A_190, %parallel_loop3A_197 : vector<16xi32>
            %parallel_loop3A_199 = arith.constant 50176 : i32
            %parallel_loop3A_200 = arith.muli %parallel_loop3A_174, %parallel_loop3A_199 : i32
            %parallel_loop3A_201 = arith.addi %mul3A_151, %parallel_loop3A_200 : i32
            %parallel_loop3A_202 = vector.broadcast %parallel_loop3A_201 : i32 to vector<16xi32>
            %parallel_loop3A_203 = arith.addi %parallel_loop3A_198, %parallel_loop3A_202 : vector<16xi32>
            %parallel_loop3A_204 = arith.constant 16 : i32
            %parallel_loop3A_205 = arith.muli %parallel_loop3A_176, %parallel_loop3A_204 : i32
            %parallel_loop3A_206 = arith.index_cast %parallel_loop3A_174 : i32 to index
            %parallel_loop3A_207 = arith.index_cast %parallel_loop3A_205 : i32 to index
            %parallel_loop3A_208 = tpu.vector_load %arg11[%parallel_loop3A_206, %parallel_loop3A_207] {strides = array<i32>} : memref<16x128xi32, #tpu.memory_space<vmem>>, vector<1x16xi32>,
            %parallel_loop3A_209 = vector.shape_cast %parallel_loop3A_208 : vector<1x16xi32> to vector<16xi32>
            %parallel_loop3A_210 = vector.shape_cast %parallel_loop3A_203 : vector<16xi32> to vector<1x16xi32>
            tpu.vector_store %arg11[%parallel_loop3A_206, %parallel_loop3A_207], %parallel_loop3A_210 {strides = array<i32>} : memref<16x128xi32, #tpu.memory_space<vmem>>, vector<1x16xi32>,
          } {sc.loop_unroll_factor = 8 : i64, sc.parallel_access}
          %scan3A_155 = arith.constant 0 : i32
          %scan3A_156 = arith.constant 0 : i32
          %scan3A_157 = arith.constant 16 : i32
          %scan3A_158 = arith.addi %scan3A_156, %scan3A_157 : i32
          %scan3A_159 = arith.constant 1 : i32
          scf.for %scan3A_172 = %scan3A_156 to %scan3A_158 step %scan3A_159  : i32 {
            %dma_wait3A_173 = arith.constant 0 : i32
            %dma_wait3A_174 = tpu.memref_slice %arg6[%scan3A_172, %dma_wait3A_173] : memref<16x128xf32, #tpu.memory_space<vmem>> -> memref<1x128xf32, #tpu.memory_space<vmem>>
            %dma_wait3A_175 = tpu.memref_squeeze %dma_wait3A_174 : memref<1x128xf32, #tpu.memory_space<vmem>> -> memref<128xf32, #tpu.memory_space<vmem>>
            %dma_wait3A_176 = arith.constant 0 : i32
            %dma_wait3A_177 = tpu.memref_slice %arg10[%scan3A_172, %dma_wait3A_176] : memref<16x128xi32, #tpu.memory_space<vmem>> -> memref<1x128xi32, #tpu.memory_space<vmem>>
            %dma_wait3A_178 = tpu.memref_squeeze %dma_wait3A_177 : memref<1x128xi32, #tpu.memory_space<vmem>> -> memref<128xi32, #tpu.memory_space<vmem>>
            %dma_wait3A_179 = arith.constant 0 : i32
            %dma_wait3A_180 = tpu.memref_slice %arg5[%dma_wait3A_179] : memref<1605632xf32, #tpu.memory_space<vmem_shared>> -> memref<1605632xf32, #tpu.memory_space<vmem_shared>>
            tpu.wait_indirect_dma semaphore(%arg17 : memref<!tpu.dma_semaphore, #tpu.memory_space<semaphore_mem>>) src(%dma_wait3A_175 : memref<128xf32, #tpu.memory_space<vmem>>) dst(%dma_wait3A_180 : memref<1605632xf32, #tpu.memory_space<vmem_shared>>)
          }
          %scan3A_160 = arith.constant 16 : i32
          %add3A_161 = arith.constant 1 : i32
          %add3A_162 = arith.addi %while3A_98, %add3A_161 : i32
          %lt3A = arith.cmpi slt, %add3A_162, %add3A_8 : i32
          %convert_element_type3A_163 = arith.extui %lt3A : i1 to i32
          %cond3A_164 = arith.constant 0 : i32
          %cond3A_165 = arith.cmpi ne, %convert_element_type3A_163, %cond3A_164 : i32
          scf.if %cond3A_165 {
            %add3A_172 = arith.constant 1 : i32
            %add3A_173 = arith.addi %add3A_99, %add3A_172 : i32
            %ge3A_174 = arith.constant 98 : i32
            %ge3A_175 = arith.cmpi sge, %add3A_173, %ge3A_174 : i32
            %convert_element_type3A_176 = arith.extui %ge3A_175 : i1 to i32
            %mul3A_177 = arith.constant 12544 : i32
            %mul3A_178 = arith.muli %and3A_25, %mul3A_177 : i32
            %mul3A_179 = arith.constant 98 : i32
            %mul3A_180 = arith.muli %mul3A_179, %convert_element_type3A_176 : i32
            %sub3A_181 = arith.subi %add3A_173, %mul3A_180 : i32
            %mul3A_182 = arith.constant 128 : i32
            %mul3A_183 = arith.muli %sub3A_181, %mul3A_182 : i32
            %add3A_184 = arith.addi %mul3A_178, %mul3A_183 : i32
            %mul3A_185 = arith.constant 2 : i32
            %mul3A_186 = arith.muli %add3A_23, %mul3A_185 : i32
            %add3A_187 = arith.addi %mul3A_186, %convert_element_type3A_176 : i32
            %dma_start3A_188 = arith.constant 0 : i32
            %dma_start3A_189 = tpu.memref_slice %arg2[%add3A_187, %dma_start3A_188, %add3A_184] : memref<12x16x25088xf32, #tpu.memory_space<hbm>> -> memref<1x16x128xf32, #tpu.memory_space<hbm>>
            %dma_start3A_190 = tpu.memref_squeeze %dma_start3A_189 : memref<1x16x128xf32, #tpu.memory_space<hbm>> -> memref<16x128xf32, #tpu.memory_space<hbm>>
            %dma_start3A_191 = arith.constant 0 : i32
            %dma_start3A_192 = tpu.memref_slice %arg2[%add3A_187, %dma_start3A_191, %add3A_184] : memref<12x16x25088xf32, #tpu.memory_space<hbm>> -> memref<1x16x128xf32, #tpu.memory_space<hbm>>
            %dma_start3A_193 = tpu.memref_squeeze %dma_start3A_192 : memref<1x16x128xf32, #tpu.memory_space<hbm>> -> memref<16x128xf32, #tpu.memory_space<hbm>>
            tpu.enqueue_dma source(%dma_start3A_193 : memref<16x128xf32, #tpu.memory_space<hbm>>) target(%arg6 : memref<16x128xf32, #tpu.memory_space<vmem>>) target_semaphore(%arg13 : memref<!tpu.dma_semaphore, #tpu.memory_space<semaphore_mem>>)
            %dma_start3A_194 = arith.constant 0 : i32
            %dma_start3A_195 = tpu.memref_slice %arg3[%add3A_187, %dma_start3A_194, %add3A_184] : memref<12x16x25088xi32, #tpu.memory_space<hbm>> -> memref<1x16x128xi32, #tpu.memory_space<hbm>>
            %dma_start3A_196 = tpu.memref_squeeze %dma_start3A_195 : memref<1x16x128xi32, #tpu.memory_space<hbm>> -> memref<16x128xi32, #tpu.memory_space<hbm>>
            %dma_start3A_197 = arith.constant 0 : i32
            %dma_start3A_198 = tpu.memref_slice %arg3[%add3A_187, %dma_start3A_197, %add3A_184] : memref<12x16x25088xi32, #tpu.memory_space<hbm>> -> memref<1x16x128xi32, #tpu.memory_space<hbm>>
            %dma_start3A_199 = tpu.memref_squeeze %dma_start3A_198 : memref<1x16x128xi32, #tpu.memory_space<hbm>> -> memref<16x128xi32, #tpu.memory_space<hbm>>
            tpu.enqueue_dma source(%dma_start3A_199 : memref<16x128xi32, #tpu.memory_space<hbm>>) target(%arg8 : memref<16x128xi32, #tpu.memory_space<vmem>>) target_semaphore(%arg15 : memref<!tpu.dma_semaphore, #tpu.memory_space<semaphore_mem>>)
          } else {
          }
          %scan3A_166 = arith.constant 0 : i32
          %scan3A_167 = arith.constant 0 : i32
          %scan3A_168 = arith.constant 16 : i32
          %scan3A_169 = arith.addi %scan3A_167, %scan3A_168 : i32
          %scan3A_170 = arith.constant 1 : i32
          scf.for %scan3A_172 = %scan3A_167 to %scan3A_169 step %scan3A_170  : i32 {
            %dma_start3A_173 = arith.constant 0 : i32
            %dma_start3A_174 = tpu.memref_slice %arg7[%scan3A_172, %dma_start3A_173] : memref<16x128xf32, #tpu.memory_space<vmem>> -> memref<1x128xf32, #tpu.memory_space<vmem>>
            %dma_start3A_175 = tpu.memref_squeeze %dma_start3A_174 : memref<1x128xf32, #tpu.memory_space<vmem>> -> memref<128xf32, #tpu.memory_space<vmem>>
            %dma_start3A_176 = arith.constant 0 : i32
            %dma_start3A_177 = tpu.memref_slice %arg11[%scan3A_172, %dma_start3A_176] : memref<16x128xi32, #tpu.memory_space<vmem>> -> memref<1x128xi32, #tpu.memory_space<vmem>>
            %dma_start3A_178 = tpu.memref_squeeze %dma_start3A_177 : memref<1x128xi32, #tpu.memory_space<vmem>> -> memref<128xi32, #tpu.memory_space<vmem>>
            %dma_start3A_179 = arith.constant 0 : i32
            %dma_start3A_180 = tpu.memref_slice %arg5[%dma_start3A_179] : memref<1605632xf32, #tpu.memory_space<vmem_shared>> -> memref<1605632xf32, #tpu.memory_space<vmem_shared>>
            tpu.enqueue_indirect_dma source(%dma_start3A_175 : memref<128xf32, #tpu.memory_space<vmem>>) target(%dma_start3A_180 : memref<1605632xf32, #tpu.memory_space<vmem_shared>>) offsets(%dma_start3A_178 : memref<128xi32, #tpu.memory_space<vmem>>) semaphore(%arg18 : memref<!tpu.dma_semaphore, #tpu.memory_space<semaphore_mem>>) {add = true}
          }
          %scan3A_171 = arith.constant 16 : i32
        } else {
        }
      }
      %while3A_65 = arith.constant 1 : i32
      scf.for %while3A_98 = %while3A_63 to %while3A_59 step %while3A_65  : i32 {
        %add3A_99 = arith.addi %add3A, %while3A_98 : i32
        %and3A_100 = arith.constant 1 : i32
        %and3A_101 = arith.andi %while3A_98, %and3A_100 : i32
        %eq3A_102 = arith.constant 0 : i32
        %eq3A_103 = arith.cmpi eq, %and3A_101, %eq3A_102 : i32
        %convert_element_type3A_104 = arith.extui %eq3A_103 : i1 to i32
        %cond3A_105 = arith.constant 0 : i32
        %cond3A_106 = arith.cmpi ne, %convert_element_type3A_104, %cond3A_105 : i32
        scf.if %cond3A_106 {
          %ge3A_114 = arith.constant 98 : i32
          %ge3A_115 = arith.cmpi sge, %add3A_99, %ge3A_114 : i32
          %convert_element_type3A_116 = arith.extui %ge3A_115 : i1 to i32
          %mul3A_117 = arith.constant 12544 : i32
          %mul3A_118 = arith.muli %and3A_25, %mul3A_117 : i32
          %mul3A_119 = arith.constant 98 : i32
          %mul3A_120 = arith.muli %mul3A_119, %convert_element_type3A_116 : i32
          %sub3A_121 = arith.subi %add3A_99, %mul3A_120 : i32
          %mul3A_122 = arith.constant 128 : i32
          %mul3A_123 = arith.muli %sub3A_121, %mul3A_122 : i32
          %add3A_124 = arith.addi %mul3A_118, %mul3A_123 : i32
          %mul3A_125 = arith.constant 2 : i32
          %mul3A_126 = arith.muli %add3A_23, %mul3A_125 : i32
          %add3A_127 = arith.addi %mul3A_126, %convert_element_type3A_116 : i32
          %dma_wait3A = arith.constant 0 : i32
          %dma_wait3A_128 = tpu.memref_slice %arg2[%add3A_127, %dma_wait3A, %add3A_124] : memref<12x16x25088xf32, #tpu.memory_space<hbm>> -> memref<1x16x128xf32, #tpu.memory_space<hbm>>
          %dma_wait3A_129 = tpu.memref_squeeze %dma_wait3A_128 : memref<1x16x128xf32, #tpu.memory_space<hbm>> -> memref<16x128xf32, #tpu.memory_space<hbm>>
          %dma_wait3A_130 = arith.constant 0 : i32
          %dma_wait3A_131 = tpu.memref_slice %arg2[%add3A_127, %dma_wait3A_130, %add3A_124] : memref<12x16x25088xf32, #tpu.memory_space<hbm>> -> memref<1x16x128xf32, #tpu.memory_space<hbm>>
          %dma_wait3A_132 = tpu.memref_squeeze %dma_wait3A_131 : memref<1x16x128xf32, #tpu.memory_space<hbm>> -> memref<16x128xf32, #tpu.memory_space<hbm>>
          tpu.wait_dma2 semaphore(%arg13 : memref<!tpu.dma_semaphore, #tpu.memory_space<semaphore_mem>>) src(%dma_wait3A_132 : memref<16x128xf32, #tpu.memory_space<hbm>>) dst(%arg6 : memref<16x128xf32, #tpu.memory_space<vmem>>)
          %dma_wait3A_133 = arith.constant 0 : i32
          %dma_wait3A_134 = tpu.memref_slice %arg3[%add3A_127, %dma_wait3A_133, %add3A_124] : memref<12x16x25088xi32, #tpu.memory_space<hbm>> -> memref<1x16x128xi32, #tpu.memory_space<hbm>>
          %dma_wait3A_135 = tpu.memref_squeeze %dma_wait3A_134 : memref<1x16x128xi32, #tpu.memory_space<hbm>> -> memref<16x128xi32, #tpu.memory_space<hbm>>
          %dma_wait3A_136 = arith.constant 0 : i32
          %dma_wait3A_137 = tpu.memref_slice %arg3[%add3A_127, %dma_wait3A_136, %add3A_124] : memref<12x16x25088xi32, #tpu.memory_space<hbm>> -> memref<1x16x128xi32, #tpu.memory_space<hbm>>
          %dma_wait3A_138 = tpu.memref_squeeze %dma_wait3A_137 : memref<1x16x128xi32, #tpu.memory_space<hbm>> -> memref<16x128xi32, #tpu.memory_space<hbm>>
          tpu.wait_dma2 semaphore(%arg15 : memref<!tpu.dma_semaphore, #tpu.memory_space<semaphore_mem>>) src(%dma_wait3A_138 : memref<16x128xi32, #tpu.memory_space<hbm>>) dst(%arg8 : memref<16x128xi32, #tpu.memory_space<vmem>>)
          %ge3A_139 = arith.constant 98 : i32
          %ge3A_140 = arith.cmpi sge, %add3A_99, %ge3A_139 : i32
          %convert_element_type3A_141 = arith.extui %ge3A_140 : i1 to i32
          %mul3A_142 = arith.constant 12544 : i32
          %mul3A_143 = arith.muli %and3A_25, %mul3A_142 : i32
          %mul3A_144 = arith.constant 98 : i32
          %mul3A_145 = arith.muli %mul3A_144, %convert_element_type3A_141 : i32
          %sub3A_146 = arith.subi %add3A_99, %mul3A_145 : i32
          %mul3A_147 = arith.constant 128 : i32
          %mul3A_148 = arith.muli %sub3A_146, %mul3A_147 : i32
          %add3A_149 = arith.addi %mul3A_143, %mul3A_148 : i32
          %mul3A_150 = arith.constant 802816 : i32
          %mul3A_151 = arith.muli %convert_element_type3A_141, %mul3A_150 : i32
          %parallel_loop3A_152 = arith.constant 0 : i32
          %parallel_loop3A_153 = arith.constant 128 : i32
          %parallel_loop3A_154 = arith.constant 1 : i32
          scf.for %parallel_loop3A_170 = %parallel_loop3A_152 to %parallel_loop3A_153 step %parallel_loop3A_154  : i32 {
            %parallel_loop3A_171 = arith.constant 3 : i32
            %parallel_loop3A_172 = arith.shrsi %parallel_loop3A_170, %parallel_loop3A_171 : i32
            %parallel_loop3A_173 = arith.constant 7 : i32
            %parallel_loop3A_174 = arith.andi %parallel_loop3A_170, %parallel_loop3A_173 : i32
            %parallel_loop3A_175 = arith.constant 16 : i32
            %parallel_loop3A_176 = arith.muli %parallel_loop3A_174, %parallel_loop3A_175 : i32
            %parallel_loop3A_177 = arith.index_cast %parallel_loop3A_172 : i32 to index
            %parallel_loop3A_178 = arith.index_cast %parallel_loop3A_176 : i32 to index
            %parallel_loop3A_179 = tpu.vector_load %arg8[%parallel_loop3A_177, %parallel_loop3A_178] {strides = array<i32>} : memref<16x128xi32, #tpu.memory_space<vmem>>, vector<1x16xi32>,
            %parallel_loop3A_180 = vector.shape_cast %parallel_loop3A_179 : vector<1x16xi32> to vector<16xi32>
            %parallel_loop3A_181 = arith.sitofp %parallel_loop3A_180 : vector<16xi32> to vector<16xf32>
            %parallel_loop3A_182 = arith.constant 0.00520833349 : f32
            %parallel_loop3A_183 = vector.broadcast %parallel_loop3A_182 : f32 to vector<16xf32>
            %parallel_loop3A_184 = arith.mulf %parallel_loop3A_181, %parallel_loop3A_183 : vector<16xf32>
            %parallel_loop3A_185 = arith.constant 5.000000e-01 : f32
            %parallel_loop3A_186 = vector.broadcast %parallel_loop3A_185 : f32 to vector<16xf32>
            %parallel_loop3A_187 = arith.addf %parallel_loop3A_184, %parallel_loop3A_186 : vector<16xf32>
            %parallel_loop3A_188 = arith.fptosi %parallel_loop3A_187 : vector<16xf32> to vector<16xi32>
            %parallel_loop3A_189 = arith.constant 192 : i32
            %parallel_loop3A_190 = vector.broadcast %parallel_loop3A_189 : i32 to vector<16xi32>
            %parallel_loop3A_191 = arith.muli %parallel_loop3A_188, %parallel_loop3A_190 : vector<16xi32>
            %parallel_loop3A_192 = arith.subi %parallel_loop3A_180, %parallel_loop3A_191 : vector<16xi32>
            %parallel_loop3A_193 = arith.constant 31 : i32
            %parallel_loop3A_194 = vector.broadcast %parallel_loop3A_193 : i32 to vector<16xi32>
            %parallel_loop3A_195 = arith.shrsi %parallel_loop3A_192, %parallel_loop3A_194 : vector<16xi32>
            %parallel_loop3A_196 = arith.addi %parallel_loop3A_188, %parallel_loop3A_195 : vector<16xi32>
            %parallel_loop3A_197 = arith.constant 50176 : i32
            %parallel_loop3A_198 = arith.muli %parallel_loop3A_172, %parallel_loop3A_197 : i32
            %parallel_loop3A_199 = arith.addi %mul3A_151, %parallel_loop3A_198 : i32
            %parallel_loop3A_200 = vector.broadcast %parallel_loop3A_199 : i32 to vector<16xi32>
            %parallel_loop3A_201 = arith.addi %parallel_loop3A_196, %parallel_loop3A_200 : vector<16xi32>
            %parallel_loop3A_202 = arith.constant 16 : i32
            %parallel_loop3A_203 = arith.muli %parallel_loop3A_174, %parallel_loop3A_202 : i32
            %parallel_loop3A_204 = arith.index_cast %parallel_loop3A_172 : i32 to index
            %parallel_loop3A_205 = arith.index_cast %parallel_loop3A_203 : i32 to index
            %parallel_loop3A_206 = tpu.vector_load %arg10[%parallel_loop3A_204, %parallel_loop3A_205] {strides = array<i32>} : memref<16x128xi32, #tpu.memory_space<vmem>>, vector<1x16xi32>,
            %parallel_loop3A_207 = vector.shape_cast %parallel_loop3A_206 : vector<1x16xi32> to vector<16xi32>
            %parallel_loop3A_208 = vector.shape_cast %parallel_loop3A_201 : vector<16xi32> to vector<1x16xi32>
            tpu.vector_store %arg10[%parallel_loop3A_204, %parallel_loop3A_205], %parallel_loop3A_208 {strides = array<i32>} : memref<16x128xi32, #tpu.memory_space<vmem>>, vector<1x16xi32>,
          } {sc.loop_unroll_factor = 8 : i64, sc.parallel_access}
          %gt3A = arith.constant 0 : i32
          %gt3A_155 = arith.cmpi sgt, %while3A_98, %gt3A : i32
          %convert_element_type3A_156 = arith.extui %gt3A_155 : i1 to i32
          %cond3A_157 = arith.constant 0 : i32
          %cond3A_158 = arith.cmpi ne, %convert_element_type3A_156, %cond3A_157 : i32
          scf.if %cond3A_158 {
            %scan3A_170 = arith.constant 0 : i32
            %scan3A_171 = arith.constant 0 : i32
            %scan3A_172 = arith.constant 16 : i32
            %scan3A_173 = arith.addi %scan3A_171, %scan3A_172 : i32
            %scan3A_174 = arith.constant 1 : i32
            scf.for %scan3A_176 = %scan3A_171 to %scan3A_173 step %scan3A_174  : i32 {
              %dma_wait3A_177 = arith.constant 0 : i32
              %dma_wait3A_178 = tpu.memref_slice %arg7[%scan3A_176, %dma_wait3A_177] : memref<16x128xf32, #tpu.memory_space<vmem>> -> memref<1x128xf32, #tpu.memory_space<vmem>>
              %dma_wait3A_179 = tpu.memref_squeeze %dma_wait3A_178 : memref<1x128xf32, #tpu.memory_space<vmem>> -> memref<128xf32, #tpu.memory_space<vmem>>
              %dma_wait3A_180 = arith.constant 0 : i32
              %dma_wait3A_181 = tpu.memref_slice %arg11[%scan3A_176, %dma_wait3A_180] : memref<16x128xi32, #tpu.memory_space<vmem>> -> memref<1x128xi32, #tpu.memory_space<vmem>>
              %dma_wait3A_182 = tpu.memref_squeeze %dma_wait3A_181 : memref<1x128xi32, #tpu.memory_space<vmem>> -> memref<128xi32, #tpu.memory_space<vmem>>
              %dma_wait3A_183 = arith.constant 0 : i32
              %dma_wait3A_184 = tpu.memref_slice %arg5[%dma_wait3A_183] : memref<1605632xf32, #tpu.memory_space<vmem_shared>> -> memref<1605632xf32, #tpu.memory_space<vmem_shared>>
              tpu.wait_indirect_dma semaphore(%arg18 : memref<!tpu.dma_semaphore, #tpu.memory_space<semaphore_mem>>) src(%dma_wait3A_179 : memref<128xf32, #tpu.memory_space<vmem>>) dst(%dma_wait3A_184 : memref<1605632xf32, #tpu.memory_space<vmem_shared>>)
            }
            %scan3A_175 = arith.constant 16 : i32
          } else {
          }
          %add3A_159 = arith.constant 1 : i32
          %add3A_160 = arith.addi %while3A_98, %add3A_159 : i32
          %lt3A = arith.cmpi slt, %add3A_160, %add3A_8 : i32
          %convert_element_type3A_161 = arith.extui %lt3A : i1 to i32
          %cond3A_162 = arith.constant 0 : i32
          %cond3A_163 = arith.cmpi ne, %convert_element_type3A_161, %cond3A_162 : i32
          scf.if %cond3A_163 {
            %add3A_170 = arith.constant 1 : i32
            %add3A_171 = arith.addi %add3A_99, %add3A_170 : i32
            %ge3A_172 = arith.constant 98 : i32
            %ge3A_173 = arith.cmpi sge, %add3A_171, %ge3A_172 : i32
            %convert_element_type3A_174 = arith.extui %ge3A_173 : i1 to i32
            %mul3A_175 = arith.constant 12544 : i32
            %mul3A_176 = arith.muli %and3A_25, %mul3A_175 : i32
            %mul3A_177 = arith.constant 98 : i32
            %mul3A_178 = arith.muli %mul3A_177, %convert_element_type3A_174 : i32
            %sub3A_179 = arith.subi %add3A_171, %mul3A_178 : i32
            %mul3A_180 = arith.constant 128 : i32
            %mul3A_181 = arith.muli %sub3A_179, %mul3A_180 : i32
            %add3A_182 = arith.addi %mul3A_176, %mul3A_181 : i32
            %mul3A_183 = arith.constant 2 : i32
            %mul3A_184 = arith.muli %add3A_23, %mul3A_183 : i32
            %add3A_185 = arith.addi %mul3A_184, %convert_element_type3A_174 : i32
            %dma_start3A_186 = arith.constant 0 : i32
            %dma_start3A_187 = tpu.memref_slice %arg2[%add3A_185, %dma_start3A_186, %add3A_182] : memref<12x16x25088xf32, #tpu.memory_space<hbm>> -> memref<1x16x128xf32, #tpu.memory_space<hbm>>
            %dma_start3A_188 = tpu.memref_squeeze %dma_start3A_187 : memref<1x16x128xf32, #tpu.memory_space<hbm>> -> memref<16x128xf32, #tpu.memory_space<hbm>>
            %dma_start3A_189 = arith.constant 0 : i32
            %dma_start3A_190 = tpu.memref_slice %arg2[%add3A_185, %dma_start3A_189, %add3A_182] : memref<12x16x25088xf32, #tpu.memory_space<hbm>> -> memref<1x16x128xf32, #tpu.memory_space<hbm>>
            %dma_start3A_191 = tpu.memref_squeeze %dma_start3A_190 : memref<1x16x128xf32, #tpu.memory_space<hbm>> -> memref<16x128xf32, #tpu.memory_space<hbm>>
            tpu.enqueue_dma source(%dma_start3A_191 : memref<16x128xf32, #tpu.memory_space<hbm>>) target(%arg7 : memref<16x128xf32, #tpu.memory_space<vmem>>) target_semaphore(%arg14 : memref<!tpu.dma_semaphore, #tpu.memory_space<semaphore_mem>>)
            %dma_start3A_192 = arith.constant 0 : i32
            %dma_start3A_193 = tpu.memref_slice %arg3[%add3A_185, %dma_start3A_192, %add3A_182] : memref<12x16x25088xi32, #tpu.memory_space<hbm>> -> memref<1x16x128xi32, #tpu.memory_space<hbm>>
            %dma_start3A_194 = tpu.memref_squeeze %dma_start3A_193 : memref<1x16x128xi32, #tpu.memory_space<hbm>> -> memref<16x128xi32, #tpu.memory_space<hbm>>
            %dma_start3A_195 = arith.constant 0 : i32
            %dma_start3A_196 = tpu.memref_slice %arg3[%add3A_185, %dma_start3A_195, %add3A_182] : memref<12x16x25088xi32, #tpu.memory_space<hbm>> -> memref<1x16x128xi32, #tpu.memory_space<hbm>>
            %dma_start3A_197 = tpu.memref_squeeze %dma_start3A_196 : memref<1x16x128xi32, #tpu.memory_space<hbm>> -> memref<16x128xi32, #tpu.memory_space<hbm>>
            tpu.enqueue_dma source(%dma_start3A_197 : memref<16x128xi32, #tpu.memory_space<hbm>>) target(%arg9 : memref<16x128xi32, #tpu.memory_space<vmem>>) target_semaphore(%arg16 : memref<!tpu.dma_semaphore, #tpu.memory_space<semaphore_mem>>)
          } else {
          }
          %scan3A_164 = arith.constant 0 : i32
          %scan3A_165 = arith.constant 0 : i32
          %scan3A_166 = arith.constant 16 : i32
          %scan3A_167 = arith.addi %scan3A_165, %scan3A_166 : i32
          %scan3A_168 = arith.constant 1 : i32
          scf.for %scan3A_170 = %scan3A_165 to %scan3A_167 step %scan3A_168  : i32 {
            %dma_start3A_171 = arith.constant 0 : i32
            %dma_start3A_172 = tpu.memref_slice %arg6[%scan3A_170, %dma_start3A_171] : memref<16x128xf32, #tpu.memory_space<vmem>> -> memref<1x128xf32, #tpu.memory_space<vmem>>
            %dma_start3A_173 = tpu.memref_squeeze %dma_start3A_172 : memref<1x128xf32, #tpu.memory_space<vmem>> -> memref<128xf32, #tpu.memory_space<vmem>>
            %dma_start3A_174 = arith.constant 0 : i32
            %dma_start3A_175 = tpu.memref_slice %arg10[%scan3A_170, %dma_start3A_174] : memref<16x128xi32, #tpu.memory_space<vmem>> -> memref<1x128xi32, #tpu.memory_space<vmem>>
            %dma_start3A_176 = tpu.memref_squeeze %dma_start3A_175 : memref<1x128xi32, #tpu.memory_space<vmem>> -> memref<128xi32, #tpu.memory_space<vmem>>
            %dma_start3A_177 = arith.constant 0 : i32
            %dma_start3A_178 = tpu.memref_slice %arg5[%dma_start3A_177] : memref<1605632xf32, #tpu.memory_space<vmem_shared>> -> memref<1605632xf32, #tpu.memory_space<vmem_shared>>
            tpu.enqueue_indirect_dma source(%dma_start3A_173 : memref<128xf32, #tpu.memory_space<vmem>>) target(%dma_start3A_178 : memref<1605632xf32, #tpu.memory_space<vmem_shared>>) offsets(%dma_start3A_176 : memref<128xi32, #tpu.memory_space<vmem>>) semaphore(%arg17 : memref<!tpu.dma_semaphore, #tpu.memory_space<semaphore_mem>>) {add = true}
          }
          %scan3A_169 = arith.constant 16 : i32
        } else {
        }
        %and3A_107 = arith.constant 1 : i32
        %and3A_108 = arith.andi %while3A_98, %and3A_107 : i32
        %eq3A_109 = arith.constant 1 : i32
        %eq3A_110 = arith.cmpi eq, %and3A_108, %eq3A_109 : i32
        %convert_element_type3A_111 = arith.extui %eq3A_110 : i1 to i32
        %cond3A_112 = arith.constant 0 : i32
        %cond3A_113 = arith.cmpi ne, %convert_element_type3A_111, %cond3A_112 : i32
        scf.if %cond3A_113 {
          %ge3A_114 = arith.constant 98 : i32
          %ge3A_115 = arith.cmpi sge, %add3A_99, %ge3A_114 : i32
          %convert_element_type3A_116 = arith.extui %ge3A_115 : i1 to i32
          %mul3A_117 = arith.constant 12544 : i32
          %mul3A_118 = arith.muli %and3A_25, %mul3A_117 : i32
          %mul3A_119 = arith.constant 98 : i32
          %mul3A_120 = arith.muli %mul3A_119, %convert_element_type3A_116 : i32
          %sub3A_121 = arith.subi %add3A_99, %mul3A_120 : i32
          %mul3A_122 = arith.constant 128 : i32
          %mul3A_123 = arith.muli %sub3A_121, %mul3A_122 : i32
          %add3A_124 = arith.addi %mul3A_118, %mul3A_123 : i32
          %mul3A_125 = arith.constant 2 : i32
          %mul3A_126 = arith.muli %add3A_23, %mul3A_125 : i32
          %add3A_127 = arith.addi %mul3A_126, %convert_element_type3A_116 : i32
          %dma_wait3A = arith.constant 0 : i32
          %dma_wait3A_128 = tpu.memref_slice %arg2[%add3A_127, %dma_wait3A, %add3A_124] : memref<12x16x25088xf32, #tpu.memory_space<hbm>> -> memref<1x16x128xf32, #tpu.memory_space<hbm>>
          %dma_wait3A_129 = tpu.memref_squeeze %dma_wait3A_128 : memref<1x16x128xf32, #tpu.memory_space<hbm>> -> memref<16x128xf32, #tpu.memory_space<hbm>>
          %dma_wait3A_130 = arith.constant 0 : i32
          %dma_wait3A_131 = tpu.memref_slice %arg2[%add3A_127, %dma_wait3A_130, %add3A_124] : memref<12x16x25088xf32, #tpu.memory_space<hbm>> -> memref<1x16x128xf32, #tpu.memory_space<hbm>>
          %dma_wait3A_132 = tpu.memref_squeeze %dma_wait3A_131 : memref<1x16x128xf32, #tpu.memory_space<hbm>> -> memref<16x128xf32, #tpu.memory_space<hbm>>
          tpu.wait_dma2 semaphore(%arg14 : memref<!tpu.dma_semaphore, #tpu.memory_space<semaphore_mem>>) src(%dma_wait3A_132 : memref<16x128xf32, #tpu.memory_space<hbm>>) dst(%arg7 : memref<16x128xf32, #tpu.memory_space<vmem>>)
          %dma_wait3A_133 = arith.constant 0 : i32
          %dma_wait3A_134 = tpu.memref_slice %arg3[%add3A_127, %dma_wait3A_133, %add3A_124] : memref<12x16x25088xi32, #tpu.memory_space<hbm>> -> memref<1x16x128xi32, #tpu.memory_space<hbm>>
          %dma_wait3A_135 = tpu.memref_squeeze %dma_wait3A_134 : memref<1x16x128xi32, #tpu.memory_space<hbm>> -> memref<16x128xi32, #tpu.memory_space<hbm>>
          %dma_wait3A_136 = arith.constant 0 : i32
          %dma_wait3A_137 = tpu.memref_slice %arg3[%add3A_127, %dma_wait3A_136, %add3A_124] : memref<12x16x25088xi32, #tpu.memory_space<hbm>> -> memref<1x16x128xi32, #tpu.memory_space<hbm>>
          %dma_wait3A_138 = tpu.memref_squeeze %dma_wait3A_137 : memref<1x16x128xi32, #tpu.memory_space<hbm>> -> memref<16x128xi32, #tpu.memory_space<hbm>>
          tpu.wait_dma2 semaphore(%arg16 : memref<!tpu.dma_semaphore, #tpu.memory_space<semaphore_mem>>) src(%dma_wait3A_138 : memref<16x128xi32, #tpu.memory_space<hbm>>) dst(%arg9 : memref<16x128xi32, #tpu.memory_space<vmem>>)
          %ge3A_139 = arith.constant 98 : i32
          %ge3A_140 = arith.cmpi sge, %add3A_99, %ge3A_139 : i32
          %convert_element_type3A_141 = arith.extui %ge3A_140 : i1 to i32
          %mul3A_142 = arith.constant 12544 : i32
          %mul3A_143 = arith.muli %and3A_25, %mul3A_142 : i32
          %mul3A_144 = arith.constant 98 : i32
          %mul3A_145 = arith.muli %mul3A_144, %convert_element_type3A_141 : i32
          %sub3A_146 = arith.subi %add3A_99, %mul3A_145 : i32
          %mul3A_147 = arith.constant 128 : i32
          %mul3A_148 = arith.muli %sub3A_146, %mul3A_147 : i32
          %add3A_149 = arith.addi %mul3A_143, %mul3A_148 : i32
          %mul3A_150 = arith.constant 802816 : i32
          %mul3A_151 = arith.muli %convert_element_type3A_141, %mul3A_150 : i32
          %parallel_loop3A_152 = arith.constant 0 : i32
          %parallel_loop3A_153 = arith.constant 128 : i32
          %parallel_loop3A_154 = arith.constant 1 : i32
          scf.for %parallel_loop3A_172 = %parallel_loop3A_152 to %parallel_loop3A_153 step %parallel_loop3A_154  : i32 {
            %parallel_loop3A_173 = arith.constant 3 : i32
            %parallel_loop3A_174 = arith.shrsi %parallel_loop3A_172, %parallel_loop3A_173 : i32
            %parallel_loop3A_175 = arith.constant 7 : i32
            %parallel_loop3A_176 = arith.andi %parallel_loop3A_172, %parallel_loop3A_175 : i32
            %parallel_loop3A_177 = arith.constant 16 : i32
            %parallel_loop3A_178 = arith.muli %parallel_loop3A_176, %parallel_loop3A_177 : i32
            %parallel_loop3A_179 = arith.index_cast %parallel_loop3A_174 : i32 to index
            %parallel_loop3A_180 = arith.index_cast %parallel_loop3A_178 : i32 to index
            %parallel_loop3A_181 = tpu.vector_load %arg9[%parallel_loop3A_179, %parallel_loop3A_180] {strides = array<i32>} : memref<16x128xi32, #tpu.memory_space<vmem>>, vector<1x16xi32>,
            %parallel_loop3A_182 = vector.shape_cast %parallel_loop3A_181 : vector<1x16xi32> to vector<16xi32>
            %parallel_loop3A_183 = arith.sitofp %parallel_loop3A_182 : vector<16xi32> to vector<16xf32>
            %parallel_loop3A_184 = arith.constant 0.00520833349 : f32
            %parallel_loop3A_185 = vector.broadcast %parallel_loop3A_184 : f32 to vector<16xf32>
            %parallel_loop3A_186 = arith.mulf %parallel_loop3A_183, %parallel_loop3A_185 : vector<16xf32>
            %parallel_loop3A_187 = arith.constant 5.000000e-01 : f32
            %parallel_loop3A_188 = vector.broadcast %parallel_loop3A_187 : f32 to vector<16xf32>
            %parallel_loop3A_189 = arith.addf %parallel_loop3A_186, %parallel_loop3A_188 : vector<16xf32>
            %parallel_loop3A_190 = arith.fptosi %parallel_loop3A_189 : vector<16xf32> to vector<16xi32>
            %parallel_loop3A_191 = arith.constant 192 : i32
            %parallel_loop3A_192 = vector.broadcast %parallel_loop3A_191 : i32 to vector<16xi32>
            %parallel_loop3A_193 = arith.muli %parallel_loop3A_190, %parallel_loop3A_192 : vector<16xi32>
            %parallel_loop3A_194 = arith.subi %parallel_loop3A_182, %parallel_loop3A_193 : vector<16xi32>
            %parallel_loop3A_195 = arith.constant 31 : i32
            %parallel_loop3A_196 = vector.broadcast %parallel_loop3A_195 : i32 to vector<16xi32>
            %parallel_loop3A_197 = arith.shrsi %parallel_loop3A_194, %parallel_loop3A_196 : vector<16xi32>
            %parallel_loop3A_198 = arith.addi %parallel_loop3A_190, %parallel_loop3A_197 : vector<16xi32>
            %parallel_loop3A_199 = arith.constant 50176 : i32
            %parallel_loop3A_200 = arith.muli %parallel_loop3A_174, %parallel_loop3A_199 : i32
            %parallel_loop3A_201 = arith.addi %mul3A_151, %parallel_loop3A_200 : i32
            %parallel_loop3A_202 = vector.broadcast %parallel_loop3A_201 : i32 to vector<16xi32>
            %parallel_loop3A_203 = arith.addi %parallel_loop3A_198, %parallel_loop3A_202 : vector<16xi32>
            %parallel_loop3A_204 = arith.constant 16 : i32
            %parallel_loop3A_205 = arith.muli %parallel_loop3A_176, %parallel_loop3A_204 : i32
            %parallel_loop3A_206 = arith.index_cast %parallel_loop3A_174 : i32 to index
            %parallel_loop3A_207 = arith.index_cast %parallel_loop3A_205 : i32 to index
            %parallel_loop3A_208 = tpu.vector_load %arg11[%parallel_loop3A_206, %parallel_loop3A_207] {strides = array<i32>} : memref<16x128xi32, #tpu.memory_space<vmem>>, vector<1x16xi32>,
            %parallel_loop3A_209 = vector.shape_cast %parallel_loop3A_208 : vector<1x16xi32> to vector<16xi32>
            %parallel_loop3A_210 = vector.shape_cast %parallel_loop3A_203 : vector<16xi32> to vector<1x16xi32>
            tpu.vector_store %arg11[%parallel_loop3A_206, %parallel_loop3A_207], %parallel_loop3A_210 {strides = array<i32>} : memref<16x128xi32, #tpu.memory_space<vmem>>, vector<1x16xi32>,
          } {sc.loop_unroll_factor = 8 : i64, sc.parallel_access}
          %scan3A_155 = arith.constant 0 : i32
          %scan3A_156 = arith.constant 0 : i32
          %scan3A_157 = arith.constant 16 : i32
          %scan3A_158 = arith.addi %scan3A_156, %scan3A_157 : i32
          %scan3A_159 = arith.constant 1 : i32
          scf.for %scan3A_172 = %scan3A_156 to %scan3A_158 step %scan3A_159  : i32 {
            %dma_wait3A_173 = arith.constant 0 : i32
            %dma_wait3A_174 = tpu.memref_slice %arg6[%scan3A_172, %dma_wait3A_173] : memref<16x128xf32, #tpu.memory_space<vmem>> -> memref<1x128xf32, #tpu.memory_space<vmem>>
            %dma_wait3A_175 = tpu.memref_squeeze %dma_wait3A_174 : memref<1x128xf32, #tpu.memory_space<vmem>> -> memref<128xf32, #tpu.memory_space<vmem>>
            %dma_wait3A_176 = arith.constant 0 : i32
            %dma_wait3A_177 = tpu.memref_slice %arg10[%scan3A_172, %dma_wait3A_176] : memref<16x128xi32, #tpu.memory_space<vmem>> -> memref<1x128xi32, #tpu.memory_space<vmem>>
            %dma_wait3A_178 = tpu.memref_squeeze %dma_wait3A_177 : memref<1x128xi32, #tpu.memory_space<vmem>> -> memref<128xi32, #tpu.memory_space<vmem>>
            %dma_wait3A_179 = arith.constant 0 : i32
            %dma_wait3A_180 = tpu.memref_slice %arg5[%dma_wait3A_179] : memref<1605632xf32, #tpu.memory_space<vmem_shared>> -> memref<1605632xf32, #tpu.memory_space<vmem_shared>>
            tpu.wait_indirect_dma semaphore(%arg17 : memref<!tpu.dma_semaphore, #tpu.memory_space<semaphore_mem>>) src(%dma_wait3A_175 : memref<128xf32, #tpu.memory_space<vmem>>) dst(%dma_wait3A_180 : memref<1605632xf32, #tpu.memory_space<vmem_shared>>)
          }
          %scan3A_160 = arith.constant 16 : i32
          %add3A_161 = arith.constant 1 : i32
          %add3A_162 = arith.addi %while3A_98, %add3A_161 : i32
          %lt3A = arith.cmpi slt, %add3A_162, %add3A_8 : i32
          %convert_element_type3A_163 = arith.extui %lt3A : i1 to i32
          %cond3A_164 = arith.constant 0 : i32
          %cond3A_165 = arith.cmpi ne, %convert_element_type3A_163, %cond3A_164 : i32
          scf.if %cond3A_165 {
            %add3A_172 = arith.constant 1 : i32
            %add3A_173 = arith.addi %add3A_99, %add3A_172 : i32
            %ge3A_174 = arith.constant 98 : i32
            %ge3A_175 = arith.cmpi sge, %add3A_173, %ge3A_174 : i32
            %convert_element_type3A_176 = arith.extui %ge3A_175 : i1 to i32
            %mul3A_177 = arith.constant 12544 : i32
            %mul3A_178 = arith.muli %and3A_25, %mul3A_177 : i32
            %mul3A_179 = arith.constant 98 : i32
            %mul3A_180 = arith.muli %mul3A_179, %convert_element_type3A_176 : i32
            %sub3A_181 = arith.subi %add3A_173, %mul3A_180 : i32
            %mul3A_182 = arith.constant 128 : i32
            %mul3A_183 = arith.muli %sub3A_181, %mul3A_182 : i32
            %add3A_184 = arith.addi %mul3A_178, %mul3A_183 : i32
            %mul3A_185 = arith.constant 2 : i32
            %mul3A_186 = arith.muli %add3A_23, %mul3A_185 : i32
            %add3A_187 = arith.addi %mul3A_186, %convert_element_type3A_176 : i32
            %dma_start3A_188 = arith.constant 0 : i32
            %dma_start3A_189 = tpu.memref_slice %arg2[%add3A_187, %dma_start3A_188, %add3A_184] : memref<12x16x25088xf32, #tpu.memory_space<hbm>> -> memref<1x16x128xf32, #tpu.memory_space<hbm>>
            %dma_start3A_190 = tpu.memref_squeeze %dma_start3A_189 : memref<1x16x128xf32, #tpu.memory_space<hbm>> -> memref<16x128xf32, #tpu.memory_space<hbm>>
            %dma_start3A_191 = arith.constant 0 : i32
            %dma_start3A_192 = tpu.memref_slice %arg2[%add3A_187, %dma_start3A_191, %add3A_184] : memref<12x16x25088xf32, #tpu.memory_space<hbm>> -> memref<1x16x128xf32, #tpu.memory_space<hbm>>
            %dma_start3A_193 = tpu.memref_squeeze %dma_start3A_192 : memref<1x16x128xf32, #tpu.memory_space<hbm>> -> memref<16x128xf32, #tpu.memory_space<hbm>>
            tpu.enqueue_dma source(%dma_start3A_193 : memref<16x128xf32, #tpu.memory_space<hbm>>) target(%arg6 : memref<16x128xf32, #tpu.memory_space<vmem>>) target_semaphore(%arg13 : memref<!tpu.dma_semaphore, #tpu.memory_space<semaphore_mem>>)
            %dma_start3A_194 = arith.constant 0 : i32
            %dma_start3A_195 = tpu.memref_slice %arg3[%add3A_187, %dma_start3A_194, %add3A_184] : memref<12x16x25088xi32, #tpu.memory_space<hbm>> -> memref<1x16x128xi32, #tpu.memory_space<hbm>>
            %dma_start3A_196 = tpu.memref_squeeze %dma_start3A_195 : memref<1x16x128xi32, #tpu.memory_space<hbm>> -> memref<16x128xi32, #tpu.memory_space<hbm>>
            %dma_start3A_197 = arith.constant 0 : i32
            %dma_start3A_198 = tpu.memref_slice %arg3[%add3A_187, %dma_start3A_197, %add3A_184] : memref<12x16x25088xi32, #tpu.memory_space<hbm>> -> memref<1x16x128xi32, #tpu.memory_space<hbm>>
            %dma_start3A_199 = tpu.memref_squeeze %dma_start3A_198 : memref<1x16x128xi32, #tpu.memory_space<hbm>> -> memref<16x128xi32, #tpu.memory_space<hbm>>
            tpu.enqueue_dma source(%dma_start3A_199 : memref<16x128xi32, #tpu.memory_space<hbm>>) target(%arg8 : memref<16x128xi32, #tpu.memory_space<vmem>>) target_semaphore(%arg15 : memref<!tpu.dma_semaphore, #tpu.memory_space<semaphore_mem>>)
          } else {
          }
          %scan3A_166 = arith.constant 0 : i32
          %scan3A_167 = arith.constant 0 : i32
          %scan3A_168 = arith.constant 16 : i32
          %scan3A_169 = arith.addi %scan3A_167, %scan3A_168 : i32
          %scan3A_170 = arith.constant 1 : i32
          scf.for %scan3A_172 = %scan3A_167 to %scan3A_169 step %scan3A_170  : i32 {
            %dma_start3A_173 = arith.constant 0 : i32
            %dma_start3A_174 = tpu.memref_slice %arg7[%scan3A_172, %dma_start3A_173] : memref<16x128xf32, #tpu.memory_space<vmem>> -> memref<1x128xf32, #tpu.memory_space<vmem>>
            %dma_start3A_175 = tpu.memref_squeeze %dma_start3A_174 : memref<1x128xf32, #tpu.memory_space<vmem>> -> memref<128xf32, #tpu.memory_space<vmem>>
            %dma_start3A_176 = arith.constant 0 : i32
            %dma_start3A_177 = tpu.memref_slice %arg11[%scan3A_172, %dma_start3A_176] : memref<16x128xi32, #tpu.memory_space<vmem>> -> memref<1x128xi32, #tpu.memory_space<vmem>>
            %dma_start3A_178 = tpu.memref_squeeze %dma_start3A_177 : memref<1x128xi32, #tpu.memory_space<vmem>> -> memref<128xi32, #tpu.memory_space<vmem>>
            %dma_start3A_179 = arith.constant 0 : i32
            %dma_start3A_180 = tpu.memref_slice %arg5[%dma_start3A_179] : memref<1605632xf32, #tpu.memory_space<vmem_shared>> -> memref<1605632xf32, #tpu.memory_space<vmem_shared>>
            tpu.enqueue_indirect_dma source(%dma_start3A_175 : memref<128xf32, #tpu.memory_space<vmem>>) target(%dma_start3A_180 : memref<1605632xf32, #tpu.memory_space<vmem_shared>>) offsets(%dma_start3A_178 : memref<128xi32, #tpu.memory_space<vmem>>) semaphore(%arg18 : memref<!tpu.dma_semaphore, #tpu.memory_space<semaphore_mem>>) {add = true}
          }
          %scan3A_171 = arith.constant 16 : i32
        } else {
        }
      }
      %sub3A_66 = arith.constant 1 : i32
      %sub3A_67 = arith.subi %add3A_8, %sub3A_66 : i32
      %and3A_68 = arith.constant 1 : i32
      %and3A_69 = arith.andi %sub3A_67, %and3A_68 : i32
      %eq3A = arith.constant 0 : i32
      %eq3A_70 = arith.cmpi eq, %and3A_69, %eq3A : i32
      %convert_element_type3A_71 = arith.extui %eq3A_70 : i1 to i32
      %cond3A = arith.constant 0 : i32
      %cond3A_72 = arith.cmpi ne, %convert_element_type3A_71, %cond3A : i32
      scf.if %cond3A_72 {
        %scan3A_98 = arith.constant 0 : i32
        %scan3A_99 = arith.constant 0 : i32
        %scan3A_100 = arith.constant 16 : i32
        %scan3A_101 = arith.addi %scan3A_99, %scan3A_100 : i32
        %scan3A_102 = arith.constant 1 : i32
        scf.for %scan3A_104 = %scan3A_99 to %scan3A_101 step %scan3A_102  : i32 {
          %dma_wait3A = arith.constant 0 : i32
          %dma_wait3A_105 = tpu.memref_slice %arg6[%scan3A_104, %dma_wait3A] : memref<16x128xf32, #tpu.memory_space<vmem>> -> memref<1x128xf32, #tpu.memory_space<vmem>>
          %dma_wait3A_106 = tpu.memref_squeeze %dma_wait3A_105 : memref<1x128xf32, #tpu.memory_space<vmem>> -> memref<128xf32, #tpu.memory_space<vmem>>
          %dma_wait3A_107 = arith.constant 0 : i32
          %dma_wait3A_108 = tpu.memref_slice %arg10[%scan3A_104, %dma_wait3A_107] : memref<16x128xi32, #tpu.memory_space<vmem>> -> memref<1x128xi32, #tpu.memory_space<vmem>>
          %dma_wait3A_109 = tpu.memref_squeeze %dma_wait3A_108 : memref<1x128xi32, #tpu.memory_space<vmem>> -> memref<128xi32, #tpu.memory_space<vmem>>
          %dma_wait3A_110 = arith.constant 0 : i32
          %dma_wait3A_111 = tpu.memref_slice %arg5[%dma_wait3A_110] : memref<1605632xf32, #tpu.memory_space<vmem_shared>> -> memref<1605632xf32, #tpu.memory_space<vmem_shared>>
          tpu.wait_indirect_dma semaphore(%arg17 : memref<!tpu.dma_semaphore, #tpu.memory_space<semaphore_mem>>) src(%dma_wait3A_106 : memref<128xf32, #tpu.memory_space<vmem>>) dst(%dma_wait3A_111 : memref<1605632xf32, #tpu.memory_space<vmem_shared>>)
        }
        %scan3A_103 = arith.constant 16 : i32
      } else {
      }
      %sub3A_73 = arith.constant 1 : i32
      %sub3A_74 = arith.subi %add3A_8, %sub3A_73 : i32
      %and3A_75 = arith.constant 1 : i32
      %and3A_76 = arith.andi %sub3A_74, %and3A_75 : i32
      %eq3A_77 = arith.constant 1 : i32
      %eq3A_78 = arith.cmpi eq, %and3A_76, %eq3A_77 : i32
      %convert_element_type3A_79 = arith.extui %eq3A_78 : i1 to i32
      %cond3A_80 = arith.constant 0 : i32
      %cond3A_81 = arith.cmpi ne, %convert_element_type3A_79, %cond3A_80 : i32
      scf.if %cond3A_81 {
        %scan3A_98 = arith.constant 0 : i32
        %scan3A_99 = arith.constant 0 : i32
        %scan3A_100 = arith.constant 16 : i32
        %scan3A_101 = arith.addi %scan3A_99, %scan3A_100 : i32
        %scan3A_102 = arith.constant 1 : i32
        scf.for %scan3A_104 = %scan3A_99 to %scan3A_101 step %scan3A_102  : i32 {
          %dma_wait3A = arith.constant 0 : i32
          %dma_wait3A_105 = tpu.memref_slice %arg7[%scan3A_104, %dma_wait3A] : memref<16x128xf32, #tpu.memory_space<vmem>> -> memref<1x128xf32, #tpu.memory_space<vmem>>
          %dma_wait3A_106 = tpu.memref_squeeze %dma_wait3A_105 : memref<1x128xf32, #tpu.memory_space<vmem>> -> memref<128xf32, #tpu.memory_space<vmem>>
          %dma_wait3A_107 = arith.constant 0 : i32
          %dma_wait3A_108 = tpu.memref_slice %arg11[%scan3A_104, %dma_wait3A_107] : memref<16x128xi32, #tpu.memory_space<vmem>> -> memref<1x128xi32, #tpu.memory_space<vmem>>
          %dma_wait3A_109 = tpu.memref_squeeze %dma_wait3A_108 : memref<1x128xi32, #tpu.memory_space<vmem>> -> memref<128xi32, #tpu.memory_space<vmem>>
          %dma_wait3A_110 = arith.constant 0 : i32
          %dma_wait3A_111 = tpu.memref_slice %arg5[%dma_wait3A_110] : memref<1605632xf32, #tpu.memory_space<vmem_shared>> -> memref<1605632xf32, #tpu.memory_space<vmem_shared>>
          tpu.wait_indirect_dma semaphore(%arg18 : memref<!tpu.dma_semaphore, #tpu.memory_space<semaphore_mem>>) src(%dma_wait3A_106 : memref<128xf32, #tpu.memory_space<vmem>>) dst(%dma_wait3A_111 : memref<1605632xf32, #tpu.memory_space<vmem_shared>>)
        }
        %scan3A_103 = arith.constant 16 : i32
      } else {
      }
      %barrier3A_82 = arith.constant 0 : index
      tpu.barrier barrier_id(%barrier3A_82)
      %mul3A_83 = arith.constant 2 : i32
      %mul3A_84 = arith.muli %add3A_23, %mul3A_83 : i32
      %add3A_85 = arith.addi %mul3A_84, %shift_right_arithmetic3A_9 : i32
      %scan3A_86 = arith.constant 0 : i32
      %scan3A_87 = arith.constant 0 : i32
      %scan3A_88 = arith.constant 16 : i32
      %scan3A_89 = arith.addi %scan3A_87, %scan3A_88 : i32
      %scan3A_90 = arith.constant 1 : i32
      scf.for %scan3A_98 = %scan3A_87 to %scan3A_89 step %scan3A_90  : i32 {
        %mul3A_99 = arith.constant 16 : i32
        %mul3A_100 = arith.muli %shift_right_arithmetic3A_9, %mul3A_99 : i32
        %add3A_101 = arith.addi %mul3A_100, %scan3A_98 : i32
        %mul3A_102 = arith.constant 50176 : i32
        %mul3A_103 = arith.muli %add3A_101, %mul3A_102 : i32
        %add3A_104 = arith.addi %mul3A_103, %mul3A_12 : i32
        %mul3A_105 = arith.constant 50176 : i32
        %mul3A_106 = arith.muli %and3A_25, %mul3A_105 : i32
        %add3A_107 = arith.addi %mul3A_106, %mul3A_12 : i32
        %dma_start3A_108 = tpu.memref_slice %arg4[%add3A_85, %scan3A_98, %add3A_107] : memref<12x16x100352xf32, #tpu.memory_space<hbm>> -> memref<1x1x6272xf32, #tpu.memory_space<hbm>>
        %dma_start3A_109 = tpu.memref_squeeze %dma_start3A_108 : memref<1x1x6272xf32, #tpu.memory_space<hbm>> -> memref<6272xf32, #tpu.memory_space<hbm>>
        %dma_start3A_110 = tpu.memref_slice %arg5[%add3A_104] : memref<1605632xf32, #tpu.memory_space<vmem_shared>> -> memref<6272xf32, #tpu.memory_space<vmem_shared>>
        tpu.enqueue_dma source(%dma_start3A_110 : memref<6272xf32, #tpu.memory_space<vmem_shared>>) target(%dma_start3A_109 : memref<6272xf32, #tpu.memory_space<hbm>>) target_semaphore(%arg13 : memref<!tpu.dma_semaphore, #tpu.memory_space<semaphore_mem>>)
      }
      %scan3A_91 = arith.constant 16 : i32
      %scan3A_92 = arith.constant 0 : i32
      %scan3A_93 = arith.constant 0 : i32
      %scan3A_94 = arith.constant 16 : i32
      %scan3A_95 = arith.addi %scan3A_93, %scan3A_94 : i32
      %scan3A_96 = arith.constant 1 : i32
      scf.for %scan3A_98 = %scan3A_93 to %scan3A_95 step %scan3A_96  : i32 {
        %mul3A_99 = arith.constant 16 : i32
        %mul3A_100 = arith.muli %shift_right_arithmetic3A_9, %mul3A_99 : i32
        %add3A_101 = arith.addi %mul3A_100, %scan3A_98 : i32
        %mul3A_102 = arith.constant 50176 : i32
        %mul3A_103 = arith.muli %add3A_101, %mul3A_102 : i32
        %add3A_104 = arith.addi %mul3A_103, %mul3A_12 : i32
        %mul3A_105 = arith.constant 50176 : i32
        %mul3A_106 = arith.muli %and3A_25, %mul3A_105 : i32
        %add3A_107 = arith.addi %mul3A_106, %mul3A_12 : i32
        %dma_wait3A = tpu.memref_slice %arg4[%add3A_85, %scan3A_98, %add3A_107] : memref<12x16x100352xf32, #tpu.memory_space<hbm>> -> memref<1x1x6272xf32, #tpu.memory_space<hbm>>
        %dma_wait3A_108 = tpu.memref_squeeze %dma_wait3A : memref<1x1x6272xf32, #tpu.memory_space<hbm>> -> memref<6272xf32, #tpu.memory_space<hbm>>
        %dma_wait3A_109 = tpu.memref_slice %arg5[%add3A_104] : memref<1605632xf32, #tpu.memory_space<vmem_shared>> -> memref<6272xf32, #tpu.memory_space<vmem_shared>>
        tpu.wait_dma2 semaphore(%arg13 : memref<!tpu.dma_semaphore, #tpu.memory_space<semaphore_mem>>) src(%dma_wait3A_109 : memref<6272xf32, #tpu.memory_space<vmem_shared>>) dst(%dma_wait3A_108 : memref<6272xf32, #tpu.memory_space<hbm>>)
      }
      %scan3A_97 = arith.constant 16 : i32
    }
    %scan3A_17 = arith.constant 6 : i32
    return
  }
}

#map = affine_map<(d0, d1) -> (0, 0, 0)>
module attributes {stable_mosaic.version = 14 : i64} {
  func.func @_sc_body(%arg0: i32, %arg1: i32, %arg2: memref<12x16x25088xf32, #tpu.memory_space<hbm>>, %arg3: memref<12x16x25088xi32, #tpu.memory_space<hbm>>, %arg4: memref<12x16x100352xf32, #tpu.memory_space<hbm>>, %arg5: memref<1605632xf32, #tpu.memory_space<vmem_shared>>, %arg6: memref<16x128xf32, #tpu.memory_space<vmem>>, %arg7: memref<16x128xf32, #tpu.memory_space<vmem>>, %arg8: memref<16x128xi32, #tpu.memory_space<vmem>>, %arg9: memref<16x128xi32, #tpu.memory_space<vmem>>, %arg10: memref<16x128xi32, #tpu.memory_space<vmem>>, %arg11: memref<16x128xi32, #tpu.memory_space<vmem>>, %arg12: memref<14336xf32, #tpu.memory_space<vmem>>, %arg13: memref<!tpu.dma_semaphore, #tpu.memory_space<semaphore_mem>>, %arg14: memref<!tpu.dma_semaphore, #tpu.memory_space<semaphore_mem>>, %arg15: memref<!tpu.dma_semaphore, #tpu.memory_space<semaphore_mem>>, %arg16: memref<!tpu.dma_semaphore, #tpu.memory_space<semaphore_mem>>, %arg17: memref<!tpu.dma_semaphore, #tpu.memory_space<semaphore_mem>>, %arg18: memref<!tpu.dma_semaphore, #tpu.memory_space<semaphore_mem>>) attributes {dimension_semantics = [#tpu.dimension_semantics<core_parallel>, #tpu.dimension_semantics<subcore_parallel>], iteration_bounds = array<i64: 2, 16>, scalar_prefetch = 0 : i64, scratch_operands = 14 : i64, tpu.core_type = #tpu.core_type<sc_vector_subcore>, window_params = [{transform_indices = #map}, {transform_indices = #map}, {transform_indices = #map}]} {
    %broadcast_in_dim3A = arith.constant 0.000000e+00 : f32
    %broadcast_in_dim3A_0 = vector.broadcast %broadcast_in_dim3A : f32 to vector<16xf32>
    %parallel_loop3A = arith.constant 0 : i32
    %parallel_loop3A_1 = arith.constant 896 : i32
    %parallel_loop3A_2 = arith.constant 1 : i32
    scf.for %parallel_loop3A_18 = %parallel_loop3A to %parallel_loop3A_1 step %parallel_loop3A_2  : i32 {
      %parallel_loop3A_19 = arith.constant 16 : i32
      %parallel_loop3A_20 = arith.muli %parallel_loop3A_18, %parallel_loop3A_19 : i32
      %parallel_loop3A_21 = arith.index_cast %parallel_loop3A_20 : i32 to index
      %parallel_loop3A_22 = tpu.vector_load %arg12[%parallel_loop3A_21] {strides = array<i32>} : memref<14336xf32, #tpu.memory_space<vmem>>, vector<16xf32>,
      %parallel_loop3A_23 = vector.shape_cast %parallel_loop3A_22 : vector<16xf32> to vector<16xf32>
      %parallel_loop3A_24 = vector.shape_cast %broadcast_in_dim3A_0 : vector<16xf32> to vector<16xf32>
      tpu.vector_store %arg12[%parallel_loop3A_21], %parallel_loop3A_24 {strides = array<i32>} : memref<14336xf32, #tpu.memory_space<vmem>>, vector<16xf32>,
    } {sc.loop_unroll_factor = 8 : i64, sc.parallel_access}
    %mul3A = arith.constant 12 : i32
    %mul3A_3 = arith.muli %mul3A, %arg1 : i32
    %sub3A = arith.constant 12 : i32
    %sub3A_4 = arith.subi %arg1, %sub3A : i32
    %max3A = arith.constant 0 : i32
    %max3A_5 = arith.maxsi %sub3A_4, %max3A : i32
    %add3A = arith.addi %mul3A_3, %max3A_5 : i32
    %ge3A = arith.constant 12 : i32
    %ge3A_6 = arith.cmpi sge, %arg1, %ge3A : i32
    %convert_element_type3A = arith.extui %ge3A_6 : i1 to i32
    %add3A_7 = arith.constant 12 : i32
    %add3A_8 = arith.addi %add3A_7, %convert_element_type3A : i32
    %shift_right_arithmetic3A = arith.constant 3 : i32
    %shift_right_arithmetic3A_9 = arith.shrsi %arg1, %shift_right_arithmetic3A : i32
    %and3A = arith.constant 7 : i32
    %and3A_10 = arith.andi %arg1, %and3A : i32
    %mul3A_11 = arith.constant 6272 : i32
    %mul3A_12 = arith.muli %mul3A_11, %and3A_10 : i32
    %scan3A = arith.constant 0 : i32
    %scan3A_13 = arith.constant 0 : i32
    %scan3A_14 = arith.constant 6 : i32
    %scan3A_15 = arith.addi %scan3A_13, %scan3A_14 : i32
    %scan3A_16 = arith.constant 1 : i32
    scf.for %scan3A_18 = %scan3A_13 to %scan3A_15 step %scan3A_16  : i32 {
      %mul3A_19 = arith.constant 3 : i32
      %mul3A_20 = arith.muli %arg0, %mul3A_19 : i32
      %shift_right_arithmetic3A_21 = arith.constant 1 : i32
      %shift_right_arithmetic3A_22 = arith.shrsi %scan3A_18, %shift_right_arithmetic3A_21 : i32
      %add3A_23 = arith.addi %mul3A_20, %shift_right_arithmetic3A_22 : i32
      %and3A_24 = arith.constant 1 : i32
      %and3A_25 = arith.andi %scan3A_18, %and3A_24 : i32
      %scan3A_26 = arith.constant 0 : i32
      %scan3A_27 = arith.constant 0 : i32
      %scan3A_28 = arith.constant 7 : i32
      %scan3A_29 = arith.addi %scan3A_27, %scan3A_28 : i32
      %scan3A_30 = arith.constant 1 : i32
      scf.for %scan3A_98 = %scan3A_27 to %scan3A_29 step %scan3A_30  : i32 {
        %mul3A_99 = arith.constant 100352 : i32
        %mul3A_100 = arith.muli %arg1, %mul3A_99 : i32
        %mul3A_101 = arith.constant 14336 : i32
        %mul3A_102 = arith.muli %scan3A_98, %mul3A_101 : i32
        %add3A_103 = arith.addi %mul3A_100, %mul3A_102 : i32
        "tpu.region"() ({
          %run_scoped3A = tpu.sem_alloc : memref<!tpu.dma_semaphore, #tpu.memory_space<semaphore_mem>>
          %dma_start3A_104 = tpu.memref_slice %arg5[%add3A_103] : memref<1605632xf32, #tpu.memory_space<vmem_shared>> -> memref<14336xf32, #tpu.memory_space<vmem_shared>>
          %dma_start3A_105 = tpu.memref_slice %arg5[%add3A_103] : memref<1605632xf32, #tpu.memory_space<vmem_shared>> -> memref<14336xf32, #tpu.memory_space<vmem_shared>>
          tpu.enqueue_dma source(%arg12 : memref<14336xf32, #tpu.memory_space<vmem>>) target(%dma_start3A_105 : memref<14336xf32, #tpu.memory_space<vmem_shared>>) target_semaphore(%run_scoped3A : memref<!tpu.dma_semaphore, #tpu.memory_space<semaphore_mem>>)
          %dma_wait3A = tpu.memref_slice %arg5[%add3A_103] : memref<1605632xf32, #tpu.memory_space<vmem_shared>> -> memref<14336xf32, #tpu.memory_space<vmem_shared>>
          %dma_wait3A_106 = tpu.memref_slice %arg5[%add3A_103] : memref<1605632xf32, #tpu.memory_space<vmem_shared>> -> memref<14336xf32, #tpu.memory_space<vmem_shared>>
          tpu.wait_dma2 semaphore(%run_scoped3A : memref<!tpu.dma_semaphore, #tpu.memory_space<semaphore_mem>>) src(%arg12 : memref<14336xf32, #tpu.memory_space<vmem>>) dst(%dma_wait3A_106 : memref<14336xf32, #tpu.memory_space<vmem_shared>>)
          tpu.yield
        }) : () -> ()
      }
      %scan3A_31 = arith.constant 7 : i32
      %barrier3A = arith.constant 0 : index
      tpu.barrier barrier_id(%barrier3A)
      %ge3A_32 = arith.constant 98 : i32
      %ge3A_33 = arith.cmpi sge, %add3A, %ge3A_32 : i32
      %convert_element_type3A_34 = arith.extui %ge3A_33 : i1 to i32
      %mul3A_35 = arith.constant 12544 : i32
      %mul3A_36 = arith.muli %and3A_25, %mul3A_35 : i32
      %mul3A_37 = arith.constant 98 : i32
      %mul3A_38 = arith.muli %mul3A_37, %convert_element_type3A_34 : i32
      %sub3A_39 = arith.subi %add3A, %mul3A_38 : i32
      %mul3A_40 = arith.constant 128 : i32
      %mul3A_41 = arith.muli %sub3A_39, %mul3A_40 : i32
      %add3A_42 = arith.addi %mul3A_36, %mul3A_41 : i32
      %mul3A_43 = arith.constant 2 : i32
      %mul3A_44 = arith.muli %add3A_23, %mul3A_43 : i32
      %add3A_45 = arith.addi %mul3A_44, %convert_element_type3A_34 : i32
      %dma_start3A = arith.constant 0 : i32
      %dma_start3A_46 = tpu.memref_slice %arg2[%add3A_45, %dma_start3A, %add3A_42] : memref<12x16x25088xf32, #tpu.memory_space<hbm>> -> memref<1x16x128xf32, #tpu.memory_space<hbm>>
      %dma_start3A_47 = tpu.memref_squeeze %dma_start3A_46 : memref<1x16x128xf32, #tpu.memory_space<hbm>> -> memref<16x128xf32, #tpu.memory_space<hbm>>
      %dma_start3A_48 = arith.constant 0 : i32
      %dma_start3A_49 = tpu.memref_slice %arg2[%add3A_45, %dma_start3A_48, %add3A_42] : memref<12x16x25088xf32, #tpu.memory_space<hbm>> -> memref<1x16x128xf32, #tpu.memory_space<hbm>>
      %dma_start3A_50 = tpu.memref_squeeze %dma_start3A_49 : memref<1x16x128xf32, #tpu.memory_space<hbm>> -> memref<16x128xf32, #tpu.memory_space<hbm>>
      tpu.enqueue_dma source(%dma_start3A_50 : memref<16x128xf32, #tpu.memory_space<hbm>>) target(%arg6 : memref<16x128xf32, #tpu.memory_space<vmem>>) target_semaphore(%arg13 : memref<!tpu.dma_semaphore, #tpu.memory_space<semaphore_mem>>)
      %dma_start3A_51 = arith.constant 0 : i32
      %dma_start3A_52 = tpu.memref_slice %arg3[%add3A_45, %dma_start3A_51, %add3A_42] : memref<12x16x25088xi32, #tpu.memory_space<hbm>> -> memref<1x16x128xi32, #tpu.memory_space<hbm>>
      %dma_start3A_53 = tpu.memref_squeeze %dma_start3A_52 : memref<1x16x128xi32, #tpu.memory_space<hbm>> -> memref<16x128xi32, #tpu.memory_space<hbm>>
      %dma_start3A_54 = arith.constant 0 : i32
      %dma_start3A_55 = tpu.memref_slice %arg3[%add3A_45, %dma_start3A_54, %add3A_42] : memref<12x16x25088xi32, #tpu.memory_space<hbm>> -> memref<1x16x128xi32, #tpu.memory_space<hbm>>
      %dma_start3A_56 = tpu.memref_squeeze %dma_start3A_55 : memref<1x16x128xi32, #tpu.memory_space<hbm>> -> memref<16x128xi32, #tpu.memory_space<hbm>>
      tpu.enqueue_dma source(%dma_start3A_56 : memref<16x128xi32, #tpu.memory_space<hbm>>) target(%arg8 : memref<16x128xi32, #tpu.memory_space<vmem>>) target_semaphore(%arg15 : memref<!tpu.dma_semaphore, #tpu.memory_space<semaphore_mem>>)
      %while3A = arith.constant 0 : i32
      %while3A_57 = arith.constant 0 : i32
      %while3A_58 = arith.subi %add3A_8, %while3A_57 : i32
      %while3A_59 = arith.addi %while3A_57, %while3A_58 : i32
      %while3A_60 = arith.constant 1 : i32
      %while3A_61 = arith.divsi %while3A_58, %while3A_60 : i32
      %while3A_62 = arith.muli %while3A_61, %while3A_60 : i32
      %while3A_63 = arith.addi %while3A_57, %while3A_62 : i32
      %while3A_64 = arith.constant 1 : i32
      scf.for %while3A_98 = %while3A_57 to %while3A_63 step %while3A_64  : i32 {
        %add3A_99 = arith.addi %add3A, %while3A_98 : i32
        %and3A_100 = arith.constant 1 : i32
        %and3A_101 = arith.andi %while3A_98, %and3A_100 : i32
        %eq3A_102 = arith.constant 0 : i32
        %eq3A_103 = arith.cmpi eq, %and3A_101, %eq3A_102 : i32
        %convert_element_type3A_104 = arith.extui %eq3A_103 : i1 to i32
        %cond3A_105 = arith.constant 0 : i32
        %cond3A_106 = arith.cmpi ne, %convert_element_type3A_104, %cond3A_105 : i32
        scf.if %cond3A_106 {
          %ge3A_114 = arith.constant 98 : i32
          %ge3A_115 = arith.cmpi sge, %add3A_99, %ge3A_114 : i32
          %convert_element_type3A_116 = arith.extui %ge3A_115 : i1 to i32
          %mul3A_117 = arith.constant 12544 : i32
          %mul3A_118 = arith.muli %and3A_25, %mul3A_117 : i32
          %mul3A_119 = arith.constant 98 : i32
          %mul3A_120 = arith.muli %mul3A_119, %convert_element_type3A_116 : i32
          %sub3A_121 = arith.subi %add3A_99, %mul3A_120 : i32
          %mul3A_122 = arith.constant 128 : i32
          %mul3A_123 = arith.muli %sub3A_121, %mul3A_122 : i32
          %add3A_124 = arith.addi %mul3A_118, %mul3A_123 : i32
          %mul3A_125 = arith.constant 2 : i32
          %mul3A_126 = arith.muli %add3A_23, %mul3A_125 : i32
          %add3A_127 = arith.addi %mul3A_126, %convert_element_type3A_116 : i32
          %dma_wait3A = arith.constant 0 : i32
          %dma_wait3A_128 = tpu.memref_slice %arg2[%add3A_127, %dma_wait3A, %add3A_124] : memref<12x16x25088xf32, #tpu.memory_space<hbm>> -> memref<1x16x128xf32, #tpu.memory_space<hbm>>
          %dma_wait3A_129 = tpu.memref_squeeze %dma_wait3A_128 : memref<1x16x128xf32, #tpu.memory_space<hbm>> -> memref<16x128xf32, #tpu.memory_space<hbm>>
          %dma_wait3A_130 = arith.constant 0 : i32
          %dma_wait3A_131 = tpu.memref_slice %arg2[%add3A_127, %dma_wait3A_130, %add3A_124] : memref<12x16x25088xf32, #tpu.memory_space<hbm>> -> memref<1x16x128xf32, #tpu.memory_space<hbm>>
          %dma_wait3A_132 = tpu.memref_squeeze %dma_wait3A_131 : memref<1x16x128xf32, #tpu.memory_space<hbm>> -> memref<16x128xf32, #tpu.memory_space<hbm>>
          tpu.wait_dma2 semaphore(%arg13 : memref<!tpu.dma_semaphore, #tpu.memory_space<semaphore_mem>>) src(%dma_wait3A_132 : memref<16x128xf32, #tpu.memory_space<hbm>>) dst(%arg6 : memref<16x128xf32, #tpu.memory_space<vmem>>)
          %dma_wait3A_133 = arith.constant 0 : i32
          %dma_wait3A_134 = tpu.memref_slice %arg3[%add3A_127, %dma_wait3A_133, %add3A_124] : memref<12x16x25088xi32, #tpu.memory_space<hbm>> -> memref<1x16x128xi32, #tpu.memory_space<hbm>>
          %dma_wait3A_135 = tpu.memref_squeeze %dma_wait3A_134 : memref<1x16x128xi32, #tpu.memory_space<hbm>> -> memref<16x128xi32, #tpu.memory_space<hbm>>
          %dma_wait3A_136 = arith.constant 0 : i32
          %dma_wait3A_137 = tpu.memref_slice %arg3[%add3A_127, %dma_wait3A_136, %add3A_124] : memref<12x16x25088xi32, #tpu.memory_space<hbm>> -> memref<1x16x128xi32, #tpu.memory_space<hbm>>
          %dma_wait3A_138 = tpu.memref_squeeze %dma_wait3A_137 : memref<1x16x128xi32, #tpu.memory_space<hbm>> -> memref<16x128xi32, #tpu.memory_space<hbm>>
          tpu.wait_dma2 semaphore(%arg15 : memref<!tpu.dma_semaphore, #tpu.memory_space<semaphore_mem>>) src(%dma_wait3A_138 : memref<16x128xi32, #tpu.memory_space<hbm>>) dst(%arg8 : memref<16x128xi32, #tpu.memory_space<vmem>>)
          %ge3A_139 = arith.constant 98 : i32
          %ge3A_140 = arith.cmpi sge, %add3A_99, %ge3A_139 : i32
          %convert_element_type3A_141 = arith.extui %ge3A_140 : i1 to i32
          %mul3A_142 = arith.constant 12544 : i32
          %mul3A_143 = arith.muli %and3A_25, %mul3A_142 : i32
          %mul3A_144 = arith.constant 98 : i32
          %mul3A_145 = arith.muli %mul3A_144, %convert_element_type3A_141 : i32
          %sub3A_146 = arith.subi %add3A_99, %mul3A_145 : i32
          %mul3A_147 = arith.constant 128 : i32
          %mul3A_148 = arith.muli %sub3A_146, %mul3A_147 : i32
          %add3A_149 = arith.addi %mul3A_143, %mul3A_148 : i32
          %mul3A_150 = arith.constant 802816 : i32
          %mul3A_151 = arith.muli %convert_element_type3A_141, %mul3A_150 : i32
          %parallel_loop3A_152 = arith.constant 0 : i32
          %parallel_loop3A_153 = arith.constant 128 : i32
          %parallel_loop3A_154 = arith.constant 1 : i32
          scf.for %parallel_loop3A_170 = %parallel_loop3A_152 to %parallel_loop3A_153 step %parallel_loop3A_154  : i32 {
            %parallel_loop3A_171 = arith.constant 3 : i32
            %parallel_loop3A_172 = arith.shrsi %parallel_loop3A_170, %parallel_loop3A_171 : i32
            %parallel_loop3A_173 = arith.constant 7 : i32
            %parallel_loop3A_174 = arith.andi %parallel_loop3A_170, %parallel_loop3A_173 : i32
            %parallel_loop3A_175 = arith.constant 16 : i32
            %parallel_loop3A_176 = arith.muli %parallel_loop3A_174, %parallel_loop3A_175 : i32
            %parallel_loop3A_177 = arith.index_cast %parallel_loop3A_172 : i32 to index
            %parallel_loop3A_178 = arith.index_cast %parallel_loop3A_176 : i32 to index
            %parallel_loop3A_179 = tpu.vector_load %arg8[%parallel_loop3A_177, %parallel_loop3A_178] {strides = array<i32>} : memref<16x128xi32, #tpu.memory_space<vmem>>, vector<1x16xi32>,
            %parallel_loop3A_180 = vector.shape_cast %parallel_loop3A_179 : vector<1x16xi32> to vector<16xi32>
            %parallel_loop3A_181 = arith.sitofp %parallel_loop3A_180 : vector<16xi32> to vector<16xf32>
            %parallel_loop3A_182 = arith.constant 0.00520833349 : f32
            %parallel_loop3A_183 = vector.broadcast %parallel_loop3A_182 : f32 to vector<16xf32>
            %parallel_loop3A_184 = arith.mulf %parallel_loop3A_181, %parallel_loop3A_183 : vector<16xf32>
            %parallel_loop3A_185 = arith.constant 5.000000e-01 : f32
            %parallel_loop3A_186 = vector.broadcast %parallel_loop3A_185 : f32 to vector<16xf32>
            %parallel_loop3A_187 = arith.addf %parallel_loop3A_184, %parallel_loop3A_186 : vector<16xf32>
            %parallel_loop3A_188 = arith.fptosi %parallel_loop3A_187 : vector<16xf32> to vector<16xi32>
            %parallel_loop3A_189 = arith.constant 192 : i32
            %parallel_loop3A_190 = vector.broadcast %parallel_loop3A_189 : i32 to vector<16xi32>
            %parallel_loop3A_191 = arith.muli %parallel_loop3A_188, %parallel_loop3A_190 : vector<16xi32>
            %parallel_loop3A_192 = arith.subi %parallel_loop3A_180, %parallel_loop3A_191 : vector<16xi32>
            %parallel_loop3A_193 = arith.constant 31 : i32
            %parallel_loop3A_194 = vector.broadcast %parallel_loop3A_193 : i32 to vector<16xi32>
            %parallel_loop3A_195 = arith.shrsi %parallel_loop3A_192, %parallel_loop3A_194 : vector<16xi32>
            %parallel_loop3A_196 = arith.addi %parallel_loop3A_188, %parallel_loop3A_195 : vector<16xi32>
            %parallel_loop3A_197 = arith.constant 50176 : i32
            %parallel_loop3A_198 = arith.muli %parallel_loop3A_172, %parallel_loop3A_197 : i32
            %parallel_loop3A_199 = arith.addi %mul3A_151, %parallel_loop3A_198 : i32
            %parallel_loop3A_200 = vector.broadcast %parallel_loop3A_199 : i32 to vector<16xi32>
            %parallel_loop3A_201 = arith.addi %parallel_loop3A_196, %parallel_loop3A_200 : vector<16xi32>
            %parallel_loop3A_202 = arith.constant 16 : i32
            %parallel_loop3A_203 = arith.muli %parallel_loop3A_174, %parallel_loop3A_202 : i32
            %parallel_loop3A_204 = arith.index_cast %parallel_loop3A_172 : i32 to index
            %parallel_loop3A_205 = arith.index_cast %parallel_loop3A_203 : i32 to index
            %parallel_loop3A_206 = tpu.vector_load %arg10[%parallel_loop3A_204, %parallel_loop3A_205] {strides = array<i32>} : memref<16x128xi32, #tpu.memory_space<vmem>>, vector<1x16xi32>,
            %parallel_loop3A_207 = vector.shape_cast %parallel_loop3A_206 : vector<1x16xi32> to vector<16xi32>
            %parallel_loop3A_208 = vector.shape_cast %parallel_loop3A_201 : vector<16xi32> to vector<1x16xi32>
            tpu.vector_store %arg10[%parallel_loop3A_204, %parallel_loop3A_205], %parallel_loop3A_208 {strides = array<i32>} : memref<16x128xi32, #tpu.memory_space<vmem>>, vector<1x16xi32>,
          } {sc.loop_unroll_factor = 8 : i64, sc.parallel_access}
          %gt3A = arith.constant 0 : i32
          %gt3A_155 = arith.cmpi sgt, %while3A_98, %gt3A : i32
          %convert_element_type3A_156 = arith.extui %gt3A_155 : i1 to i32
          %cond3A_157 = arith.constant 0 : i32
          %cond3A_158 = arith.cmpi ne, %convert_element_type3A_156, %cond3A_157 : i32
          scf.if %cond3A_158 {
            %scan3A_170 = arith.constant 0 : i32
            %scan3A_171 = arith.constant 0 : i32
            %scan3A_172 = arith.constant 16 : i32
            %scan3A_173 = arith.addi %scan3A_171, %scan3A_172 : i32
            %scan3A_174 = arith.constant 1 : i32
            scf.for %scan3A_176 = %scan3A_171 to %scan3A_173 step %scan3A_174  : i32 {
              %dma_wait3A_177 = arith.constant 0 : i32
              %dma_wait3A_178 = tpu.memref_slice %arg7[%scan3A_176, %dma_wait3A_177] : memref<16x128xf32, #tpu.memory_space<vmem>> -> memref<1x128xf32, #tpu.memory_space<vmem>>
              %dma_wait3A_179 = tpu.memref_squeeze %dma_wait3A_178 : memref<1x128xf32, #tpu.memory_space<vmem>> -> memref<128xf32, #tpu.memory_space<vmem>>
              %dma_wait3A_180 = arith.constant 0 : i32
              %dma_wait3A_181 = tpu.memref_slice %arg11[%scan3A_176, %dma_wait3A_180] : memref<16x128xi32, #tpu.memory_space<vmem>> -> memref<1x128xi32, #tpu.memory_space<vmem>>
              %dma_wait3A_182 = tpu.memref_squeeze %dma_wait3A_181 : memref<1x128xi32, #tpu.memory_space<vmem>> -> memref<128xi32, #tpu.memory_space<vmem>>
              %dma_wait3A_183 = arith.constant 0 : i32
              %dma_wait3A_184 = tpu.memref_slice %arg5[%dma_wait3A_183] : memref<1605632xf32, #tpu.memory_space<vmem_shared>> -> memref<1605632xf32, #tpu.memory_space<vmem_shared>>
              tpu.wait_indirect_dma semaphore(%arg18 : memref<!tpu.dma_semaphore, #tpu.memory_space<semaphore_mem>>) src(%dma_wait3A_179 : memref<128xf32, #tpu.memory_space<vmem>>) dst(%dma_wait3A_184 : memref<1605632xf32, #tpu.memory_space<vmem_shared>>)
            }
            %scan3A_175 = arith.constant 16 : i32
          } else {
          }
          %add3A_159 = arith.constant 1 : i32
          %add3A_160 = arith.addi %while3A_98, %add3A_159 : i32
          %lt3A = arith.cmpi slt, %add3A_160, %add3A_8 : i32
          %convert_element_type3A_161 = arith.extui %lt3A : i1 to i32
          %cond3A_162 = arith.constant 0 : i32
          %cond3A_163 = arith.cmpi ne, %convert_element_type3A_161, %cond3A_162 : i32
          scf.if %cond3A_163 {
            %add3A_170 = arith.constant 1 : i32
            %add3A_171 = arith.addi %add3A_99, %add3A_170 : i32
            %ge3A_172 = arith.constant 98 : i32
            %ge3A_173 = arith.cmpi sge, %add3A_171, %ge3A_172 : i32
            %convert_element_type3A_174 = arith.extui %ge3A_173 : i1 to i32
            %mul3A_175 = arith.constant 12544 : i32
            %mul3A_176 = arith.muli %and3A_25, %mul3A_175 : i32
            %mul3A_177 = arith.constant 98 : i32
            %mul3A_178 = arith.muli %mul3A_177, %convert_element_type3A_174 : i32
            %sub3A_179 = arith.subi %add3A_171, %mul3A_178 : i32
            %mul3A_180 = arith.constant 128 : i32
            %mul3A_181 = arith.muli %sub3A_179, %mul3A_180 : i32
            %add3A_182 = arith.addi %mul3A_176, %mul3A_181 : i32
            %mul3A_183 = arith.constant 2 : i32
            %mul3A_184 = arith.muli %add3A_23, %mul3A_183 : i32
            %add3A_185 = arith.addi %mul3A_184, %convert_element_type3A_174 : i32
            %dma_start3A_186 = arith.constant 0 : i32
            %dma_start3A_187 = tpu.memref_slice %arg2[%add3A_185, %dma_start3A_186, %add3A_182] : memref<12x16x25088xf32, #tpu.memory_space<hbm>> -> memref<1x16x128xf32, #tpu.memory_space<hbm>>
            %dma_start3A_188 = tpu.memref_squeeze %dma_start3A_187 : memref<1x16x128xf32, #tpu.memory_space<hbm>> -> memref<16x128xf32, #tpu.memory_space<hbm>>
            %dma_start3A_189 = arith.constant 0 : i32
            %dma_start3A_190 = tpu.memref_slice %arg2[%add3A_185, %dma_start3A_189, %add3A_182] : memref<12x16x25088xf32, #tpu.memory_space<hbm>> -> memref<1x16x128xf32, #tpu.memory_space<hbm>>
            %dma_start3A_191 = tpu.memref_squeeze %dma_start3A_190 : memref<1x16x128xf32, #tpu.memory_space<hbm>> -> memref<16x128xf32, #tpu.memory_space<hbm>>
            tpu.enqueue_dma source(%dma_start3A_191 : memref<16x128xf32, #tpu.memory_space<hbm>>) target(%arg7 : memref<16x128xf32, #tpu.memory_space<vmem>>) target_semaphore(%arg14 : memref<!tpu.dma_semaphore, #tpu.memory_space<semaphore_mem>>)
            %dma_start3A_192 = arith.constant 0 : i32
            %dma_start3A_193 = tpu.memref_slice %arg3[%add3A_185, %dma_start3A_192, %add3A_182] : memref<12x16x25088xi32, #tpu.memory_space<hbm>> -> memref<1x16x128xi32, #tpu.memory_space<hbm>>
            %dma_start3A_194 = tpu.memref_squeeze %dma_start3A_193 : memref<1x16x128xi32, #tpu.memory_space<hbm>> -> memref<16x128xi32, #tpu.memory_space<hbm>>
            %dma_start3A_195 = arith.constant 0 : i32
            %dma_start3A_196 = tpu.memref_slice %arg3[%add3A_185, %dma_start3A_195, %add3A_182] : memref<12x16x25088xi32, #tpu.memory_space<hbm>> -> memref<1x16x128xi32, #tpu.memory_space<hbm>>
            %dma_start3A_197 = tpu.memref_squeeze %dma_start3A_196 : memref<1x16x128xi32, #tpu.memory_space<hbm>> -> memref<16x128xi32, #tpu.memory_space<hbm>>
            tpu.enqueue_dma source(%dma_start3A_197 : memref<16x128xi32, #tpu.memory_space<hbm>>) target(%arg9 : memref<16x128xi32, #tpu.memory_space<vmem>>) target_semaphore(%arg16 : memref<!tpu.dma_semaphore, #tpu.memory_space<semaphore_mem>>)
          } else {
          }
          %scan3A_164 = arith.constant 0 : i32
          %scan3A_165 = arith.constant 0 : i32
          %scan3A_166 = arith.constant 16 : i32
          %scan3A_167 = arith.addi %scan3A_165, %scan3A_166 : i32
          %scan3A_168 = arith.constant 1 : i32
          scf.for %scan3A_170 = %scan3A_165 to %scan3A_167 step %scan3A_168  : i32 {
            %dma_start3A_171 = arith.constant 0 : i32
            %dma_start3A_172 = tpu.memref_slice %arg6[%scan3A_170, %dma_start3A_171] : memref<16x128xf32, #tpu.memory_space<vmem>> -> memref<1x128xf32, #tpu.memory_space<vmem>>
            %dma_start3A_173 = tpu.memref_squeeze %dma_start3A_172 : memref<1x128xf32, #tpu.memory_space<vmem>> -> memref<128xf32, #tpu.memory_space<vmem>>
            %dma_start3A_174 = arith.constant 0 : i32
            %dma_start3A_175 = tpu.memref_slice %arg10[%scan3A_170, %dma_start3A_174] : memref<16x128xi32, #tpu.memory_space<vmem>> -> memref<1x128xi32, #tpu.memory_space<vmem>>
            %dma_start3A_176 = tpu.memref_squeeze %dma_start3A_175 : memref<1x128xi32, #tpu.memory_space<vmem>> -> memref<128xi32, #tpu.memory_space<vmem>>
            %dma_start3A_177 = arith.constant 0 : i32
            %dma_start3A_178 = tpu.memref_slice %arg5[%dma_start3A_177] : memref<1605632xf32, #tpu.memory_space<vmem_shared>> -> memref<1605632xf32, #tpu.memory_space<vmem_shared>>
            tpu.enqueue_indirect_dma source(%dma_start3A_173 : memref<128xf32, #tpu.memory_space<vmem>>) target(%dma_start3A_178 : memref<1605632xf32, #tpu.memory_space<vmem_shared>>) offsets(%dma_start3A_176 : memref<128xi32, #tpu.memory_space<vmem>>) semaphore(%arg17 : memref<!tpu.dma_semaphore, #tpu.memory_space<semaphore_mem>>) {add = true}
          }
          %scan3A_169 = arith.constant 16 : i32
        } else {
        }
        %and3A_107 = arith.constant 1 : i32
        %and3A_108 = arith.andi %while3A_98, %and3A_107 : i32
        %eq3A_109 = arith.constant 1 : i32
        %eq3A_110 = arith.cmpi eq, %and3A_108, %eq3A_109 : i32
        %convert_element_type3A_111 = arith.extui %eq3A_110 : i1 to i32
        %cond3A_112 = arith.constant 0 : i32
        %cond3A_113 = arith.cmpi ne, %convert_element_type3A_111, %cond3A_112 : i32
        scf.if %cond3A_113 {
          %ge3A_114 = arith.constant 98 : i32
          %ge3A_115 = arith.cmpi sge, %add3A_99, %ge3A_114 : i32
          %convert_element_type3A_116 = arith.extui %ge3A_115 : i1 to i32
          %mul3A_117 = arith.constant 12544 : i32
          %mul3A_118 = arith.muli %and3A_25, %mul3A_117 : i32
          %mul3A_119 = arith.constant 98 : i32
          %mul3A_120 = arith.muli %mul3A_119, %convert_element_type3A_116 : i32
          %sub3A_121 = arith.subi %add3A_99, %mul3A_120 : i32
          %mul3A_122 = arith.constant 128 : i32
          %mul3A_123 = arith.muli %sub3A_121, %mul3A_122 : i32
          %add3A_124 = arith.addi %mul3A_118, %mul3A_123 : i32
          %mul3A_125 = arith.constant 2 : i32
          %mul3A_126 = arith.muli %add3A_23, %mul3A_125 : i32
          %add3A_127 = arith.addi %mul3A_126, %convert_element_type3A_116 : i32
          %dma_wait3A = arith.constant 0 : i32
          %dma_wait3A_128 = tpu.memref_slice %arg2[%add3A_127, %dma_wait3A, %add3A_124] : memref<12x16x25088xf32, #tpu.memory_space<hbm>> -> memref<1x16x128xf32, #tpu.memory_space<hbm>>
          %dma_wait3A_129 = tpu.memref_squeeze %dma_wait3A_128 : memref<1x16x128xf32, #tpu.memory_space<hbm>> -> memref<16x128xf32, #tpu.memory_space<hbm>>
          %dma_wait3A_130 = arith.constant 0 : i32
          %dma_wait3A_131 = tpu.memref_slice %arg2[%add3A_127, %dma_wait3A_130, %add3A_124] : memref<12x16x25088xf32, #tpu.memory_space<hbm>> -> memref<1x16x128xf32, #tpu.memory_space<hbm>>
          %dma_wait3A_132 = tpu.memref_squeeze %dma_wait3A_131 : memref<1x16x128xf32, #tpu.memory_space<hbm>> -> memref<16x128xf32, #tpu.memory_space<hbm>>
          tpu.wait_dma2 semaphore(%arg14 : memref<!tpu.dma_semaphore, #tpu.memory_space<semaphore_mem>>) src(%dma_wait3A_132 : memref<16x128xf32, #tpu.memory_space<hbm>>) dst(%arg7 : memref<16x128xf32, #tpu.memory_space<vmem>>)
          %dma_wait3A_133 = arith.constant 0 : i32
          %dma_wait3A_134 = tpu.memref_slice %arg3[%add3A_127, %dma_wait3A_133, %add3A_124] : memref<12x16x25088xi32, #tpu.memory_space<hbm>> -> memref<1x16x128xi32, #tpu.memory_space<hbm>>
          %dma_wait3A_135 = tpu.memref_squeeze %dma_wait3A_134 : memref<1x16x128xi32, #tpu.memory_space<hbm>> -> memref<16x128xi32, #tpu.memory_space<hbm>>
          %dma_wait3A_136 = arith.constant 0 : i32
          %dma_wait3A_137 = tpu.memref_slice %arg3[%add3A_127, %dma_wait3A_136, %add3A_124] : memref<12x16x25088xi32, #tpu.memory_space<hbm>> -> memref<1x16x128xi32, #tpu.memory_space<hbm>>
          %dma_wait3A_138 = tpu.memref_squeeze %dma_wait3A_137 : memref<1x16x128xi32, #tpu.memory_space<hbm>> -> memref<16x128xi32, #tpu.memory_space<hbm>>
          tpu.wait_dma2 semaphore(%arg16 : memref<!tpu.dma_semaphore, #tpu.memory_space<semaphore_mem>>) src(%dma_wait3A_138 : memref<16x128xi32, #tpu.memory_space<hbm>>) dst(%arg9 : memref<16x128xi32, #tpu.memory_space<vmem>>)
          %ge3A_139 = arith.constant 98 : i32
          %ge3A_140 = arith.cmpi sge, %add3A_99, %ge3A_139 : i32
          %convert_element_type3A_141 = arith.extui %ge3A_140 : i1 to i32
          %mul3A_142 = arith.constant 12544 : i32
          %mul3A_143 = arith.muli %and3A_25, %mul3A_142 : i32
          %mul3A_144 = arith.constant 98 : i32
          %mul3A_145 = arith.muli %mul3A_144, %convert_element_type3A_141 : i32
          %sub3A_146 = arith.subi %add3A_99, %mul3A_145 : i32
          %mul3A_147 = arith.constant 128 : i32
          %mul3A_148 = arith.muli %sub3A_146, %mul3A_147 : i32
          %add3A_149 = arith.addi %mul3A_143, %mul3A_148 : i32
          %mul3A_150 = arith.constant 802816 : i32
          %mul3A_151 = arith.muli %convert_element_type3A_141, %mul3A_150 : i32
          %parallel_loop3A_152 = arith.constant 0 : i32
          %parallel_loop3A_153 = arith.constant 128 : i32
          %parallel_loop3A_154 = arith.constant 1 : i32
          scf.for %parallel_loop3A_172 = %parallel_loop3A_152 to %parallel_loop3A_153 step %parallel_loop3A_154  : i32 {
            %parallel_loop3A_173 = arith.constant 3 : i32
            %parallel_loop3A_174 = arith.shrsi %parallel_loop3A_172, %parallel_loop3A_173 : i32
            %parallel_loop3A_175 = arith.constant 7 : i32
            %parallel_loop3A_176 = arith.andi %parallel_loop3A_172, %parallel_loop3A_175 : i32
            %parallel_loop3A_177 = arith.constant 16 : i32
            %parallel_loop3A_178 = arith.muli %parallel_loop3A_176, %parallel_loop3A_177 : i32
            %parallel_loop3A_179 = arith.index_cast %parallel_loop3A_174 : i32 to index
            %parallel_loop3A_180 = arith.index_cast %parallel_loop3A_178 : i32 to index
            %parallel_loop3A_181 = tpu.vector_load %arg9[%parallel_loop3A_179, %parallel_loop3A_180] {strides = array<i32>} : memref<16x128xi32, #tpu.memory_space<vmem>>, vector<1x16xi32>,
            %parallel_loop3A_182 = vector.shape_cast %parallel_loop3A_181 : vector<1x16xi32> to vector<16xi32>
            %parallel_loop3A_183 = arith.sitofp %parallel_loop3A_182 : vector<16xi32> to vector<16xf32>
            %parallel_loop3A_184 = arith.constant 0.00520833349 : f32
            %parallel_loop3A_185 = vector.broadcast %parallel_loop3A_184 : f32 to vector<16xf32>
            %parallel_loop3A_186 = arith.mulf %parallel_loop3A_183, %parallel_loop3A_185 : vector<16xf32>
            %parallel_loop3A_187 = arith.constant 5.000000e-01 : f32
            %parallel_loop3A_188 = vector.broadcast %parallel_loop3A_187 : f32 to vector<16xf32>
            %parallel_loop3A_189 = arith.addf %parallel_loop3A_186, %parallel_loop3A_188 : vector<16xf32>
            %parallel_loop3A_190 = arith.fptosi %parallel_loop3A_189 : vector<16xf32> to vector<16xi32>
            %parallel_loop3A_191 = arith.constant 192 : i32
            %parallel_loop3A_192 = vector.broadcast %parallel_loop3A_191 : i32 to vector<16xi32>
            %parallel_loop3A_193 = arith.muli %parallel_loop3A_190, %parallel_loop3A_192 : vector<16xi32>
            %parallel_loop3A_194 = arith.subi %parallel_loop3A_182, %parallel_loop3A_193 : vector<16xi32>
            %parallel_loop3A_195 = arith.constant 31 : i32
            %parallel_loop3A_196 = vector.broadcast %parallel_loop3A_195 : i32 to vector<16xi32>
            %parallel_loop3A_197 = arith.shrsi %parallel_loop3A_194, %parallel_loop3A_196 : vector<16xi32>
            %parallel_loop3A_198 = arith.addi %parallel_loop3A_190, %parallel_loop3A_197 : vector<16xi32>
            %parallel_loop3A_199 = arith.constant 50176 : i32
            %parallel_loop3A_200 = arith.muli %parallel_loop3A_174, %parallel_loop3A_199 : i32
            %parallel_loop3A_201 = arith.addi %mul3A_151, %parallel_loop3A_200 : i32
            %parallel_loop3A_202 = vector.broadcast %parallel_loop3A_201 : i32 to vector<16xi32>
            %parallel_loop3A_203 = arith.addi %parallel_loop3A_198, %parallel_loop3A_202 : vector<16xi32>
            %parallel_loop3A_204 = arith.constant 16 : i32
            %parallel_loop3A_205 = arith.muli %parallel_loop3A_176, %parallel_loop3A_204 : i32
            %parallel_loop3A_206 = arith.index_cast %parallel_loop3A_174 : i32 to index
            %parallel_loop3A_207 = arith.index_cast %parallel_loop3A_205 : i32 to index
            %parallel_loop3A_208 = tpu.vector_load %arg11[%parallel_loop3A_206, %parallel_loop3A_207] {strides = array<i32>} : memref<16x128xi32, #tpu.memory_space<vmem>>, vector<1x16xi32>,
            %parallel_loop3A_209 = vector.shape_cast %parallel_loop3A_208 : vector<1x16xi32> to vector<16xi32>
            %parallel_loop3A_210 = vector.shape_cast %parallel_loop3A_203 : vector<16xi32> to vector<1x16xi32>
            tpu.vector_store %arg11[%parallel_loop3A_206, %parallel_loop3A_207], %parallel_loop3A_210 {strides = array<i32>} : memref<16x128xi32, #tpu.memory_space<vmem>>, vector<1x16xi32>,
          } {sc.loop_unroll_factor = 8 : i64, sc.parallel_access}
          %scan3A_155 = arith.constant 0 : i32
          %scan3A_156 = arith.constant 0 : i32
          %scan3A_157 = arith.constant 16 : i32
          %scan3A_158 = arith.addi %scan3A_156, %scan3A_157 : i32
          %scan3A_159 = arith.constant 1 : i32
          scf.for %scan3A_172 = %scan3A_156 to %scan3A_158 step %scan3A_159  : i32 {
            %dma_wait3A_173 = arith.constant 0 : i32
            %dma_wait3A_174 = tpu.memref_slice %arg6[%scan3A_172, %dma_wait3A_173] : memref<16x128xf32, #tpu.memory_space<vmem>> -> memref<1x128xf32, #tpu.memory_space<vmem>>
            %dma_wait3A_175 = tpu.memref_squeeze %dma_wait3A_174 : memref<1x128xf32, #tpu.memory_space<vmem>> -> memref<128xf32, #tpu.memory_space<vmem>>
            %dma_wait3A_176 = arith.constant 0 : i32
            %dma_wait3A_177 = tpu.memref_slice %arg10[%scan3A_172, %dma_wait3A_176] : memref<16x128xi32, #tpu.memory_space<vmem>> -> memref<1x128xi32, #tpu.memory_space<vmem>>
            %dma_wait3A_178 = tpu.memref_squeeze %dma_wait3A_177 : memref<1x128xi32, #tpu.memory_space<vmem>> -> memref<128xi32, #tpu.memory_space<vmem>>
            %dma_wait3A_179 = arith.constant 0 : i32
            %dma_wait3A_180 = tpu.memref_slice %arg5[%dma_wait3A_179] : memref<1605632xf32, #tpu.memory_space<vmem_shared>> -> memref<1605632xf32, #tpu.memory_space<vmem_shared>>
            tpu.wait_indirect_dma semaphore(%arg17 : memref<!tpu.dma_semaphore, #tpu.memory_space<semaphore_mem>>) src(%dma_wait3A_175 : memref<128xf32, #tpu.memory_space<vmem>>) dst(%dma_wait3A_180 : memref<1605632xf32, #tpu.memory_space<vmem_shared>>)
          }
          %scan3A_160 = arith.constant 16 : i32
          %add3A_161 = arith.constant 1 : i32
          %add3A_162 = arith.addi %while3A_98, %add3A_161 : i32
          %lt3A = arith.cmpi slt, %add3A_162, %add3A_8 : i32
          %convert_element_type3A_163 = arith.extui %lt3A : i1 to i32
          %cond3A_164 = arith.constant 0 : i32
          %cond3A_165 = arith.cmpi ne, %convert_element_type3A_163, %cond3A_164 : i32
          scf.if %cond3A_165 {
            %add3A_172 = arith.constant 1 : i32
            %add3A_173 = arith.addi %add3A_99, %add3A_172 : i32
            %ge3A_174 = arith.constant 98 : i32
            %ge3A_175 = arith.cmpi sge, %add3A_173, %ge3A_174 : i32
            %convert_element_type3A_176 = arith.extui %ge3A_175 : i1 to i32
            %mul3A_177 = arith.constant 12544 : i32
            %mul3A_178 = arith.muli %and3A_25, %mul3A_177 : i32
            %mul3A_179 = arith.constant 98 : i32
            %mul3A_180 = arith.muli %mul3A_179, %convert_element_type3A_176 : i32
            %sub3A_181 = arith.subi %add3A_173, %mul3A_180 : i32
            %mul3A_182 = arith.constant 128 : i32
            %mul3A_183 = arith.muli %sub3A_181, %mul3A_182 : i32
            %add3A_184 = arith.addi %mul3A_178, %mul3A_183 : i32
            %mul3A_185 = arith.constant 2 : i32
            %mul3A_186 = arith.muli %add3A_23, %mul3A_185 : i32
            %add3A_187 = arith.addi %mul3A_186, %convert_element_type3A_176 : i32
            %dma_start3A_188 = arith.constant 0 : i32
            %dma_start3A_189 = tpu.memref_slice %arg2[%add3A_187, %dma_start3A_188, %add3A_184] : memref<12x16x25088xf32, #tpu.memory_space<hbm>> -> memref<1x16x128xf32, #tpu.memory_space<hbm>>
            %dma_start3A_190 = tpu.memref_squeeze %dma_start3A_189 : memref<1x16x128xf32, #tpu.memory_space<hbm>> -> memref<16x128xf32, #tpu.memory_space<hbm>>
            %dma_start3A_191 = arith.constant 0 : i32
            %dma_start3A_192 = tpu.memref_slice %arg2[%add3A_187, %dma_start3A_191, %add3A_184] : memref<12x16x25088xf32, #tpu.memory_space<hbm>> -> memref<1x16x128xf32, #tpu.memory_space<hbm>>
            %dma_start3A_193 = tpu.memref_squeeze %dma_start3A_192 : memref<1x16x128xf32, #tpu.memory_space<hbm>> -> memref<16x128xf32, #tpu.memory_space<hbm>>
            tpu.enqueue_dma source(%dma_start3A_193 : memref<16x128xf32, #tpu.memory_space<hbm>>) target(%arg6 : memref<16x128xf32, #tpu.memory_space<vmem>>) target_semaphore(%arg13 : memref<!tpu.dma_semaphore, #tpu.memory_space<semaphore_mem>>)
            %dma_start3A_194 = arith.constant 0 : i32
            %dma_start3A_195 = tpu.memref_slice %arg3[%add3A_187, %dma_start3A_194, %add3A_184] : memref<12x16x25088xi32, #tpu.memory_space<hbm>> -> memref<1x16x128xi32, #tpu.memory_space<hbm>>
            %dma_start3A_196 = tpu.memref_squeeze %dma_start3A_195 : memref<1x16x128xi32, #tpu.memory_space<hbm>> -> memref<16x128xi32, #tpu.memory_space<hbm>>
            %dma_start3A_197 = arith.constant 0 : i32
            %dma_start3A_198 = tpu.memref_slice %arg3[%add3A_187, %dma_start3A_197, %add3A_184] : memref<12x16x25088xi32, #tpu.memory_space<hbm>> -> memref<1x16x128xi32, #tpu.memory_space<hbm>>
            %dma_start3A_199 = tpu.memref_squeeze %dma_start3A_198 : memref<1x16x128xi32, #tpu.memory_space<hbm>> -> memref<16x128xi32, #tpu.memory_space<hbm>>
            tpu.enqueue_dma source(%dma_start3A_199 : memref<16x128xi32, #tpu.memory_space<hbm>>) target(%arg8 : memref<16x128xi32, #tpu.memory_space<vmem>>) target_semaphore(%arg15 : memref<!tpu.dma_semaphore, #tpu.memory_space<semaphore_mem>>)
          } else {
          }
          %scan3A_166 = arith.constant 0 : i32
          %scan3A_167 = arith.constant 0 : i32
          %scan3A_168 = arith.constant 16 : i32
          %scan3A_169 = arith.addi %scan3A_167, %scan3A_168 : i32
          %scan3A_170 = arith.constant 1 : i32
          scf.for %scan3A_172 = %scan3A_167 to %scan3A_169 step %scan3A_170  : i32 {
            %dma_start3A_173 = arith.constant 0 : i32
            %dma_start3A_174 = tpu.memref_slice %arg7[%scan3A_172, %dma_start3A_173] : memref<16x128xf32, #tpu.memory_space<vmem>> -> memref<1x128xf32, #tpu.memory_space<vmem>>
            %dma_start3A_175 = tpu.memref_squeeze %dma_start3A_174 : memref<1x128xf32, #tpu.memory_space<vmem>> -> memref<128xf32, #tpu.memory_space<vmem>>
            %dma_start3A_176 = arith.constant 0 : i32
            %dma_start3A_177 = tpu.memref_slice %arg11[%scan3A_172, %dma_start3A_176] : memref<16x128xi32, #tpu.memory_space<vmem>> -> memref<1x128xi32, #tpu.memory_space<vmem>>
            %dma_start3A_178 = tpu.memref_squeeze %dma_start3A_177 : memref<1x128xi32, #tpu.memory_space<vmem>> -> memref<128xi32, #tpu.memory_space<vmem>>
            %dma_start3A_179 = arith.constant 0 : i32
            %dma_start3A_180 = tpu.memref_slice %arg5[%dma_start3A_179] : memref<1605632xf32, #tpu.memory_space<vmem_shared>> -> memref<1605632xf32, #tpu.memory_space<vmem_shared>>
            tpu.enqueue_indirect_dma source(%dma_start3A_175 : memref<128xf32, #tpu.memory_space<vmem>>) target(%dma_start3A_180 : memref<1605632xf32, #tpu.memory_space<vmem_shared>>) offsets(%dma_start3A_178 : memref<128xi32, #tpu.memory_space<vmem>>) semaphore(%arg18 : memref<!tpu.dma_semaphore, #tpu.memory_space<semaphore_mem>>) {add = true}
          }
          %scan3A_171 = arith.constant 16 : i32
        } else {
        }
      }
      %while3A_65 = arith.constant 1 : i32
      scf.for %while3A_98 = %while3A_63 to %while3A_59 step %while3A_65  : i32 {
        %add3A_99 = arith.addi %add3A, %while3A_98 : i32
        %and3A_100 = arith.constant 1 : i32
        %and3A_101 = arith.andi %while3A_98, %and3A_100 : i32
        %eq3A_102 = arith.constant 0 : i32
        %eq3A_103 = arith.cmpi eq, %and3A_101, %eq3A_102 : i32
        %convert_element_type3A_104 = arith.extui %eq3A_103 : i1 to i32
        %cond3A_105 = arith.constant 0 : i32
        %cond3A_106 = arith.cmpi ne, %convert_element_type3A_104, %cond3A_105 : i32
        scf.if %cond3A_106 {
          %ge3A_114 = arith.constant 98 : i32
          %ge3A_115 = arith.cmpi sge, %add3A_99, %ge3A_114 : i32
          %convert_element_type3A_116 = arith.extui %ge3A_115 : i1 to i32
          %mul3A_117 = arith.constant 12544 : i32
          %mul3A_118 = arith.muli %and3A_25, %mul3A_117 : i32
          %mul3A_119 = arith.constant 98 : i32
          %mul3A_120 = arith.muli %mul3A_119, %convert_element_type3A_116 : i32
          %sub3A_121 = arith.subi %add3A_99, %mul3A_120 : i32
          %mul3A_122 = arith.constant 128 : i32
          %mul3A_123 = arith.muli %sub3A_121, %mul3A_122 : i32
          %add3A_124 = arith.addi %mul3A_118, %mul3A_123 : i32
          %mul3A_125 = arith.constant 2 : i32
          %mul3A_126 = arith.muli %add3A_23, %mul3A_125 : i32
          %add3A_127 = arith.addi %mul3A_126, %convert_element_type3A_116 : i32
          %dma_wait3A = arith.constant 0 : i32
          %dma_wait3A_128 = tpu.memref_slice %arg2[%add3A_127, %dma_wait3A, %add3A_124] : memref<12x16x25088xf32, #tpu.memory_space<hbm>> -> memref<1x16x128xf32, #tpu.memory_space<hbm>>
          %dma_wait3A_129 = tpu.memref_squeeze %dma_wait3A_128 : memref<1x16x128xf32, #tpu.memory_space<hbm>> -> memref<16x128xf32, #tpu.memory_space<hbm>>
          %dma_wait3A_130 = arith.constant 0 : i32
          %dma_wait3A_131 = tpu.memref_slice %arg2[%add3A_127, %dma_wait3A_130, %add3A_124] : memref<12x16x25088xf32, #tpu.memory_space<hbm>> -> memref<1x16x128xf32, #tpu.memory_space<hbm>>
          %dma_wait3A_132 = tpu.memref_squeeze %dma_wait3A_131 : memref<1x16x128xf32, #tpu.memory_space<hbm>> -> memref<16x128xf32, #tpu.memory_space<hbm>>
          tpu.wait_dma2 semaphore(%arg13 : memref<!tpu.dma_semaphore, #tpu.memory_space<semaphore_mem>>) src(%dma_wait3A_132 : memref<16x128xf32, #tpu.memory_space<hbm>>) dst(%arg6 : memref<16x128xf32, #tpu.memory_space<vmem>>)
          %dma_wait3A_133 = arith.constant 0 : i32
          %dma_wait3A_134 = tpu.memref_slice %arg3[%add3A_127, %dma_wait3A_133, %add3A_124] : memref<12x16x25088xi32, #tpu.memory_space<hbm>> -> memref<1x16x128xi32, #tpu.memory_space<hbm>>
          %dma_wait3A_135 = tpu.memref_squeeze %dma_wait3A_134 : memref<1x16x128xi32, #tpu.memory_space<hbm>> -> memref<16x128xi32, #tpu.memory_space<hbm>>
          %dma_wait3A_136 = arith.constant 0 : i32
          %dma_wait3A_137 = tpu.memref_slice %arg3[%add3A_127, %dma_wait3A_136, %add3A_124] : memref<12x16x25088xi32, #tpu.memory_space<hbm>> -> memref<1x16x128xi32, #tpu.memory_space<hbm>>
          %dma_wait3A_138 = tpu.memref_squeeze %dma_wait3A_137 : memref<1x16x128xi32, #tpu.memory_space<hbm>> -> memref<16x128xi32, #tpu.memory_space<hbm>>
          tpu.wait_dma2 semaphore(%arg15 : memref<!tpu.dma_semaphore, #tpu.memory_space<semaphore_mem>>) src(%dma_wait3A_138 : memref<16x128xi32, #tpu.memory_space<hbm>>) dst(%arg8 : memref<16x128xi32, #tpu.memory_space<vmem>>)
          %ge3A_139 = arith.constant 98 : i32
          %ge3A_140 = arith.cmpi sge, %add3A_99, %ge3A_139 : i32
          %convert_element_type3A_141 = arith.extui %ge3A_140 : i1 to i32
          %mul3A_142 = arith.constant 12544 : i32
          %mul3A_143 = arith.muli %and3A_25, %mul3A_142 : i32
          %mul3A_144 = arith.constant 98 : i32
          %mul3A_145 = arith.muli %mul3A_144, %convert_element_type3A_141 : i32
          %sub3A_146 = arith.subi %add3A_99, %mul3A_145 : i32
          %mul3A_147 = arith.constant 128 : i32
          %mul3A_148 = arith.muli %sub3A_146, %mul3A_147 : i32
          %add3A_149 = arith.addi %mul3A_143, %mul3A_148 : i32
          %mul3A_150 = arith.constant 802816 : i32
          %mul3A_151 = arith.muli %convert_element_type3A_141, %mul3A_150 : i32
          %parallel_loop3A_152 = arith.constant 0 : i32
          %parallel_loop3A_153 = arith.constant 128 : i32
          %parallel_loop3A_154 = arith.constant 1 : i32
          scf.for %parallel_loop3A_170 = %parallel_loop3A_152 to %parallel_loop3A_153 step %parallel_loop3A_154  : i32 {
            %parallel_loop3A_171 = arith.constant 3 : i32
            %parallel_loop3A_172 = arith.shrsi %parallel_loop3A_170, %parallel_loop3A_171 : i32
            %parallel_loop3A_173 = arith.constant 7 : i32
            %parallel_loop3A_174 = arith.andi %parallel_loop3A_170, %parallel_loop3A_173 : i32
            %parallel_loop3A_175 = arith.constant 16 : i32
            %parallel_loop3A_176 = arith.muli %parallel_loop3A_174, %parallel_loop3A_175 : i32
            %parallel_loop3A_177 = arith.index_cast %parallel_loop3A_172 : i32 to index
            %parallel_loop3A_178 = arith.index_cast %parallel_loop3A_176 : i32 to index
            %parallel_loop3A_179 = tpu.vector_load %arg8[%parallel_loop3A_177, %parallel_loop3A_178] {strides = array<i32>} : memref<16x128xi32, #tpu.memory_space<vmem>>, vector<1x16xi32>,
            %parallel_loop3A_180 = vector.shape_cast %parallel_loop3A_179 : vector<1x16xi32> to vector<16xi32>
            %parallel_loop3A_181 = arith.sitofp %parallel_loop3A_180 : vector<16xi32> to vector<16xf32>
            %parallel_loop3A_182 = arith.constant 0.00520833349 : f32
            %parallel_loop3A_183 = vector.broadcast %parallel_loop3A_182 : f32 to vector<16xf32>
            %parallel_loop3A_184 = arith.mulf %parallel_loop3A_181, %parallel_loop3A_183 : vector<16xf32>
            %parallel_loop3A_185 = arith.constant 5.000000e-01 : f32
            %parallel_loop3A_186 = vector.broadcast %parallel_loop3A_185 : f32 to vector<16xf32>
            %parallel_loop3A_187 = arith.addf %parallel_loop3A_184, %parallel_loop3A_186 : vector<16xf32>
            %parallel_loop3A_188 = arith.fptosi %parallel_loop3A_187 : vector<16xf32> to vector<16xi32>
            %parallel_loop3A_189 = arith.constant 192 : i32
            %parallel_loop3A_190 = vector.broadcast %parallel_loop3A_189 : i32 to vector<16xi32>
            %parallel_loop3A_191 = arith.muli %parallel_loop3A_188, %parallel_loop3A_190 : vector<16xi32>
            %parallel_loop3A_192 = arith.subi %parallel_loop3A_180, %parallel_loop3A_191 : vector<16xi32>
            %parallel_loop3A_193 = arith.constant 31 : i32
            %parallel_loop3A_194 = vector.broadcast %parallel_loop3A_193 : i32 to vector<16xi32>
            %parallel_loop3A_195 = arith.shrsi %parallel_loop3A_192, %parallel_loop3A_194 : vector<16xi32>
            %parallel_loop3A_196 = arith.addi %parallel_loop3A_188, %parallel_loop3A_195 : vector<16xi32>
            %parallel_loop3A_197 = arith.constant 50176 : i32
            %parallel_loop3A_198 = arith.muli %parallel_loop3A_172, %parallel_loop3A_197 : i32
            %parallel_loop3A_199 = arith.addi %mul3A_151, %parallel_loop3A_198 : i32
            %parallel_loop3A_200 = vector.broadcast %parallel_loop3A_199 : i32 to vector<16xi32>
            %parallel_loop3A_201 = arith.addi %parallel_loop3A_196, %parallel_loop3A_200 : vector<16xi32>
            %parallel_loop3A_202 = arith.constant 16 : i32
            %parallel_loop3A_203 = arith.muli %parallel_loop3A_174, %parallel_loop3A_202 : i32
            %parallel_loop3A_204 = arith.index_cast %parallel_loop3A_172 : i32 to index
            %parallel_loop3A_205 = arith.index_cast %parallel_loop3A_203 : i32 to index
            %parallel_loop3A_206 = tpu.vector_load %arg10[%parallel_loop3A_204, %parallel_loop3A_205] {strides = array<i32>} : memref<16x128xi32, #tpu.memory_space<vmem>>, vector<1x16xi32>,
            %parallel_loop3A_207 = vector.shape_cast %parallel_loop3A_206 : vector<1x16xi32> to vector<16xi32>
            %parallel_loop3A_208 = vector.shape_cast %parallel_loop3A_201 : vector<16xi32> to vector<1x16xi32>
            tpu.vector_store %arg10[%parallel_loop3A_204, %parallel_loop3A_205], %parallel_loop3A_208 {strides = array<i32>} : memref<16x128xi32, #tpu.memory_space<vmem>>, vector<1x16xi32>,
          } {sc.loop_unroll_factor = 8 : i64, sc.parallel_access}
          %gt3A = arith.constant 0 : i32
          %gt3A_155 = arith.cmpi sgt, %while3A_98, %gt3A : i32
          %convert_element_type3A_156 = arith.extui %gt3A_155 : i1 to i32
          %cond3A_157 = arith.constant 0 : i32
          %cond3A_158 = arith.cmpi ne, %convert_element_type3A_156, %cond3A_157 : i32
          scf.if %cond3A_158 {
            %scan3A_170 = arith.constant 0 : i32
            %scan3A_171 = arith.constant 0 : i32
            %scan3A_172 = arith.constant 16 : i32
            %scan3A_173 = arith.addi %scan3A_171, %scan3A_172 : i32
            %scan3A_174 = arith.constant 1 : i32
            scf.for %scan3A_176 = %scan3A_171 to %scan3A_173 step %scan3A_174  : i32 {
              %dma_wait3A_177 = arith.constant 0 : i32
              %dma_wait3A_178 = tpu.memref_slice %arg7[%scan3A_176, %dma_wait3A_177] : memref<16x128xf32, #tpu.memory_space<vmem>> -> memref<1x128xf32, #tpu.memory_space<vmem>>
              %dma_wait3A_179 = tpu.memref_squeeze %dma_wait3A_178 : memref<1x128xf32, #tpu.memory_space<vmem>> -> memref<128xf32, #tpu.memory_space<vmem>>
              %dma_wait3A_180 = arith.constant 0 : i32
              %dma_wait3A_181 = tpu.memref_slice %arg11[%scan3A_176, %dma_wait3A_180] : memref<16x128xi32, #tpu.memory_space<vmem>> -> memref<1x128xi32, #tpu.memory_space<vmem>>
              %dma_wait3A_182 = tpu.memref_squeeze %dma_wait3A_181 : memref<1x128xi32, #tpu.memory_space<vmem>> -> memref<128xi32, #tpu.memory_space<vmem>>
              %dma_wait3A_183 = arith.constant 0 : i32
              %dma_wait3A_184 = tpu.memref_slice %arg5[%dma_wait3A_183] : memref<1605632xf32, #tpu.memory_space<vmem_shared>> -> memref<1605632xf32, #tpu.memory_space<vmem_shared>>
              tpu.wait_indirect_dma semaphore(%arg18 : memref<!tpu.dma_semaphore, #tpu.memory_space<semaphore_mem>>) src(%dma_wait3A_179 : memref<128xf32, #tpu.memory_space<vmem>>) dst(%dma_wait3A_184 : memref<1605632xf32, #tpu.memory_space<vmem_shared>>)
            }
            %scan3A_175 = arith.constant 16 : i32
          } else {
          }
          %add3A_159 = arith.constant 1 : i32
          %add3A_160 = arith.addi %while3A_98, %add3A_159 : i32
          %lt3A = arith.cmpi slt, %add3A_160, %add3A_8 : i32
          %convert_element_type3A_161 = arith.extui %lt3A : i1 to i32
          %cond3A_162 = arith.constant 0 : i32
          %cond3A_163 = arith.cmpi ne, %convert_element_type3A_161, %cond3A_162 : i32
          scf.if %cond3A_163 {
            %add3A_170 = arith.constant 1 : i32
            %add3A_171 = arith.addi %add3A_99, %add3A_170 : i32
            %ge3A_172 = arith.constant 98 : i32
            %ge3A_173 = arith.cmpi sge, %add3A_171, %ge3A_172 : i32
            %convert_element_type3A_174 = arith.extui %ge3A_173 : i1 to i32
            %mul3A_175 = arith.constant 12544 : i32
            %mul3A_176 = arith.muli %and3A_25, %mul3A_175 : i32
            %mul3A_177 = arith.constant 98 : i32
            %mul3A_178 = arith.muli %mul3A_177, %convert_element_type3A_174 : i32
            %sub3A_179 = arith.subi %add3A_171, %mul3A_178 : i32
            %mul3A_180 = arith.constant 128 : i32
            %mul3A_181 = arith.muli %sub3A_179, %mul3A_180 : i32
            %add3A_182 = arith.addi %mul3A_176, %mul3A_181 : i32
            %mul3A_183 = arith.constant 2 : i32
            %mul3A_184 = arith.muli %add3A_23, %mul3A_183 : i32
            %add3A_185 = arith.addi %mul3A_184, %convert_element_type3A_174 : i32
            %dma_start3A_186 = arith.constant 0 : i32
            %dma_start3A_187 = tpu.memref_slice %arg2[%add3A_185, %dma_start3A_186, %add3A_182] : memref<12x16x25088xf32, #tpu.memory_space<hbm>> -> memref<1x16x128xf32, #tpu.memory_space<hbm>>
            %dma_start3A_188 = tpu.memref_squeeze %dma_start3A_187 : memref<1x16x128xf32, #tpu.memory_space<hbm>> -> memref<16x128xf32, #tpu.memory_space<hbm>>
            %dma_start3A_189 = arith.constant 0 : i32
            %dma_start3A_190 = tpu.memref_slice %arg2[%add3A_185, %dma_start3A_189, %add3A_182] : memref<12x16x25088xf32, #tpu.memory_space<hbm>> -> memref<1x16x128xf32, #tpu.memory_space<hbm>>
            %dma_start3A_191 = tpu.memref_squeeze %dma_start3A_190 : memref<1x16x128xf32, #tpu.memory_space<hbm>> -> memref<16x128xf32, #tpu.memory_space<hbm>>
            tpu.enqueue_dma source(%dma_start3A_191 : memref<16x128xf32, #tpu.memory_space<hbm>>) target(%arg7 : memref<16x128xf32, #tpu.memory_space<vmem>>) target_semaphore(%arg14 : memref<!tpu.dma_semaphore, #tpu.memory_space<semaphore_mem>>)
            %dma_start3A_192 = arith.constant 0 : i32
            %dma_start3A_193 = tpu.memref_slice %arg3[%add3A_185, %dma_start3A_192, %add3A_182] : memref<12x16x25088xi32, #tpu.memory_space<hbm>> -> memref<1x16x128xi32, #tpu.memory_space<hbm>>
            %dma_start3A_194 = tpu.memref_squeeze %dma_start3A_193 : memref<1x16x128xi32, #tpu.memory_space<hbm>> -> memref<16x128xi32, #tpu.memory_space<hbm>>
            %dma_start3A_195 = arith.constant 0 : i32
            %dma_start3A_196 = tpu.memref_slice %arg3[%add3A_185, %dma_start3A_195, %add3A_182] : memref<12x16x25088xi32, #tpu.memory_space<hbm>> -> memref<1x16x128xi32, #tpu.memory_space<hbm>>
            %dma_start3A_197 = tpu.memref_squeeze %dma_start3A_196 : memref<1x16x128xi32, #tpu.memory_space<hbm>> -> memref<16x128xi32, #tpu.memory_space<hbm>>
            tpu.enqueue_dma source(%dma_start3A_197 : memref<16x128xi32, #tpu.memory_space<hbm>>) target(%arg9 : memref<16x128xi32, #tpu.memory_space<vmem>>) target_semaphore(%arg16 : memref<!tpu.dma_semaphore, #tpu.memory_space<semaphore_mem>>)
          } else {
          }
          %scan3A_164 = arith.constant 0 : i32
          %scan3A_165 = arith.constant 0 : i32
          %scan3A_166 = arith.constant 16 : i32
          %scan3A_167 = arith.addi %scan3A_165, %scan3A_166 : i32
          %scan3A_168 = arith.constant 1 : i32
          scf.for %scan3A_170 = %scan3A_165 to %scan3A_167 step %scan3A_168  : i32 {
            %dma_start3A_171 = arith.constant 0 : i32
            %dma_start3A_172 = tpu.memref_slice %arg6[%scan3A_170, %dma_start3A_171] : memref<16x128xf32, #tpu.memory_space<vmem>> -> memref<1x128xf32, #tpu.memory_space<vmem>>
            %dma_start3A_173 = tpu.memref_squeeze %dma_start3A_172 : memref<1x128xf32, #tpu.memory_space<vmem>> -> memref<128xf32, #tpu.memory_space<vmem>>
            %dma_start3A_174 = arith.constant 0 : i32
            %dma_start3A_175 = tpu.memref_slice %arg10[%scan3A_170, %dma_start3A_174] : memref<16x128xi32, #tpu.memory_space<vmem>> -> memref<1x128xi32, #tpu.memory_space<vmem>>
            %dma_start3A_176 = tpu.memref_squeeze %dma_start3A_175 : memref<1x128xi32, #tpu.memory_space<vmem>> -> memref<128xi32, #tpu.memory_space<vmem>>
            %dma_start3A_177 = arith.constant 0 : i32
            %dma_start3A_178 = tpu.memref_slice %arg5[%dma_start3A_177] : memref<1605632xf32, #tpu.memory_space<vmem_shared>> -> memref<1605632xf32, #tpu.memory_space<vmem_shared>>
            tpu.enqueue_indirect_dma source(%dma_start3A_173 : memref<128xf32, #tpu.memory_space<vmem>>) target(%dma_start3A_178 : memref<1605632xf32, #tpu.memory_space<vmem_shared>>) offsets(%dma_start3A_176 : memref<128xi32, #tpu.memory_space<vmem>>) semaphore(%arg17 : memref<!tpu.dma_semaphore, #tpu.memory_space<semaphore_mem>>) {add = true}
          }
          %scan3A_169 = arith.constant 16 : i32
        } else {
        }
        %and3A_107 = arith.constant 1 : i32
        %and3A_108 = arith.andi %while3A_98, %and3A_107 : i32
        %eq3A_109 = arith.constant 1 : i32
        %eq3A_110 = arith.cmpi eq, %and3A_108, %eq3A_109 : i32
        %convert_element_type3A_111 = arith.extui %eq3A_110 : i1 to i32
        %cond3A_112 = arith.constant 0 : i32
        %cond3A_113 = arith.cmpi ne, %convert_element_type3A_111, %cond3A_112 : i32
        scf.if %cond3A_113 {
          %ge3A_114 = arith.constant 98 : i32
          %ge3A_115 = arith.cmpi sge, %add3A_99, %ge3A_114 : i32
          %convert_element_type3A_116 = arith.extui %ge3A_115 : i1 to i32
          %mul3A_117 = arith.constant 12544 : i32
          %mul3A_118 = arith.muli %and3A_25, %mul3A_117 : i32
          %mul3A_119 = arith.constant 98 : i32
          %mul3A_120 = arith.muli %mul3A_119, %convert_element_type3A_116 : i32
          %sub3A_121 = arith.subi %add3A_99, %mul3A_120 : i32
          %mul3A_122 = arith.constant 128 : i32
          %mul3A_123 = arith.muli %sub3A_121, %mul3A_122 : i32
          %add3A_124 = arith.addi %mul3A_118, %mul3A_123 : i32
          %mul3A_125 = arith.constant 2 : i32
          %mul3A_126 = arith.muli %add3A_23, %mul3A_125 : i32
          %add3A_127 = arith.addi %mul3A_126, %convert_element_type3A_116 : i32
          %dma_wait3A = arith.constant 0 : i32
          %dma_wait3A_128 = tpu.memref_slice %arg2[%add3A_127, %dma_wait3A, %add3A_124] : memref<12x16x25088xf32, #tpu.memory_space<hbm>> -> memref<1x16x128xf32, #tpu.memory_space<hbm>>
          %dma_wait3A_129 = tpu.memref_squeeze %dma_wait3A_128 : memref<1x16x128xf32, #tpu.memory_space<hbm>> -> memref<16x128xf32, #tpu.memory_space<hbm>>
          %dma_wait3A_130 = arith.constant 0 : i32
          %dma_wait3A_131 = tpu.memref_slice %arg2[%add3A_127, %dma_wait3A_130, %add3A_124] : memref<12x16x25088xf32, #tpu.memory_space<hbm>> -> memref<1x16x128xf32, #tpu.memory_space<hbm>>
          %dma_wait3A_132 = tpu.memref_squeeze %dma_wait3A_131 : memref<1x16x128xf32, #tpu.memory_space<hbm>> -> memref<16x128xf32, #tpu.memory_space<hbm>>
          tpu.wait_dma2 semaphore(%arg14 : memref<!tpu.dma_semaphore, #tpu.memory_space<semaphore_mem>>) src(%dma_wait3A_132 : memref<16x128xf32, #tpu.memory_space<hbm>>) dst(%arg7 : memref<16x128xf32, #tpu.memory_space<vmem>>)
          %dma_wait3A_133 = arith.constant 0 : i32
          %dma_wait3A_134 = tpu.memref_slice %arg3[%add3A_127, %dma_wait3A_133, %add3A_124] : memref<12x16x25088xi32, #tpu.memory_space<hbm>> -> memref<1x16x128xi32, #tpu.memory_space<hbm>>
          %dma_wait3A_135 = tpu.memref_squeeze %dma_wait3A_134 : memref<1x16x128xi32, #tpu.memory_space<hbm>> -> memref<16x128xi32, #tpu.memory_space<hbm>>
          %dma_wait3A_136 = arith.constant 0 : i32
          %dma_wait3A_137 = tpu.memref_slice %arg3[%add3A_127, %dma_wait3A_136, %add3A_124] : memref<12x16x25088xi32, #tpu.memory_space<hbm>> -> memref<1x16x128xi32, #tpu.memory_space<hbm>>
          %dma_wait3A_138 = tpu.memref_squeeze %dma_wait3A_137 : memref<1x16x128xi32, #tpu.memory_space<hbm>> -> memref<16x128xi32, #tpu.memory_space<hbm>>
          tpu.wait_dma2 semaphore(%arg16 : memref<!tpu.dma_semaphore, #tpu.memory_space<semaphore_mem>>) src(%dma_wait3A_138 : memref<16x128xi32, #tpu.memory_space<hbm>>) dst(%arg9 : memref<16x128xi32, #tpu.memory_space<vmem>>)
          %ge3A_139 = arith.constant 98 : i32
          %ge3A_140 = arith.cmpi sge, %add3A_99, %ge3A_139 : i32
          %convert_element_type3A_141 = arith.extui %ge3A_140 : i1 to i32
          %mul3A_142 = arith.constant 12544 : i32
          %mul3A_143 = arith.muli %and3A_25, %mul3A_142 : i32
          %mul3A_144 = arith.constant 98 : i32
          %mul3A_145 = arith.muli %mul3A_144, %convert_element_type3A_141 : i32
          %sub3A_146 = arith.subi %add3A_99, %mul3A_145 : i32
          %mul3A_147 = arith.constant 128 : i32
          %mul3A_148 = arith.muli %sub3A_146, %mul3A_147 : i32
          %add3A_149 = arith.addi %mul3A_143, %mul3A_148 : i32
          %mul3A_150 = arith.constant 802816 : i32
          %mul3A_151 = arith.muli %convert_element_type3A_141, %mul3A_150 : i32
          %parallel_loop3A_152 = arith.constant 0 : i32
          %parallel_loop3A_153 = arith.constant 128 : i32
          %parallel_loop3A_154 = arith.constant 1 : i32
          scf.for %parallel_loop3A_172 = %parallel_loop3A_152 to %parallel_loop3A_153 step %parallel_loop3A_154  : i32 {
            %parallel_loop3A_173 = arith.constant 3 : i32
            %parallel_loop3A_174 = arith.shrsi %parallel_loop3A_172, %parallel_loop3A_173 : i32
            %parallel_loop3A_175 = arith.constant 7 : i32
            %parallel_loop3A_176 = arith.andi %parallel_loop3A_172, %parallel_loop3A_175 : i32
            %parallel_loop3A_177 = arith.constant 16 : i32
            %parallel_loop3A_178 = arith.muli %parallel_loop3A_176, %parallel_loop3A_177 : i32
            %parallel_loop3A_179 = arith.index_cast %parallel_loop3A_174 : i32 to index
            %parallel_loop3A_180 = arith.index_cast %parallel_loop3A_178 : i32 to index
            %parallel_loop3A_181 = tpu.vector_load %arg9[%parallel_loop3A_179, %parallel_loop3A_180] {strides = array<i32>} : memref<16x128xi32, #tpu.memory_space<vmem>>, vector<1x16xi32>,
            %parallel_loop3A_182 = vector.shape_cast %parallel_loop3A_181 : vector<1x16xi32> to vector<16xi32>
            %parallel_loop3A_183 = arith.sitofp %parallel_loop3A_182 : vector<16xi32> to vector<16xf32>
            %parallel_loop3A_184 = arith.constant 0.00520833349 : f32
            %parallel_loop3A_185 = vector.broadcast %parallel_loop3A_184 : f32 to vector<16xf32>
            %parallel_loop3A_186 = arith.mulf %parallel_loop3A_183, %parallel_loop3A_185 : vector<16xf32>
            %parallel_loop3A_187 = arith.constant 5.000000e-01 : f32
            %parallel_loop3A_188 = vector.broadcast %parallel_loop3A_187 : f32 to vector<16xf32>
            %parallel_loop3A_189 = arith.addf %parallel_loop3A_186, %parallel_loop3A_188 : vector<16xf32>
            %parallel_loop3A_190 = arith.fptosi %parallel_loop3A_189 : vector<16xf32> to vector<16xi32>
            %parallel_loop3A_191 = arith.constant 192 : i32
            %parallel_loop3A_192 = vector.broadcast %parallel_loop3A_191 : i32 to vector<16xi32>
            %parallel_loop3A_193 = arith.muli %parallel_loop3A_190, %parallel_loop3A_192 : vector<16xi32>
            %parallel_loop3A_194 = arith.subi %parallel_loop3A_182, %parallel_loop3A_193 : vector<16xi32>
            %parallel_loop3A_195 = arith.constant 31 : i32
            %parallel_loop3A_196 = vector.broadcast %parallel_loop3A_195 : i32 to vector<16xi32>
            %parallel_loop3A_197 = arith.shrsi %parallel_loop3A_194, %parallel_loop3A_196 : vector<16xi32>
            %parallel_loop3A_198 = arith.addi %parallel_loop3A_190, %parallel_loop3A_197 : vector<16xi32>
            %parallel_loop3A_199 = arith.constant 50176 : i32
            %parallel_loop3A_200 = arith.muli %parallel_loop3A_174, %parallel_loop3A_199 : i32
            %parallel_loop3A_201 = arith.addi %mul3A_151, %parallel_loop3A_200 : i32
            %parallel_loop3A_202 = vector.broadcast %parallel_loop3A_201 : i32 to vector<16xi32>
            %parallel_loop3A_203 = arith.addi %parallel_loop3A_198, %parallel_loop3A_202 : vector<16xi32>
            %parallel_loop3A_204 = arith.constant 16 : i32
            %parallel_loop3A_205 = arith.muli %parallel_loop3A_176, %parallel_loop3A_204 : i32
            %parallel_loop3A_206 = arith.index_cast %parallel_loop3A_174 : i32 to index
            %parallel_loop3A_207 = arith.index_cast %parallel_loop3A_205 : i32 to index
            %parallel_loop3A_208 = tpu.vector_load %arg11[%parallel_loop3A_206, %parallel_loop3A_207] {strides = array<i32>} : memref<16x128xi32, #tpu.memory_space<vmem>>, vector<1x16xi32>,
            %parallel_loop3A_209 = vector.shape_cast %parallel_loop3A_208 : vector<1x16xi32> to vector<16xi32>
            %parallel_loop3A_210 = vector.shape_cast %parallel_loop3A_203 : vector<16xi32> to vector<1x16xi32>
            tpu.vector_store %arg11[%parallel_loop3A_206, %parallel_loop3A_207], %parallel_loop3A_210 {strides = array<i32>} : memref<16x128xi32, #tpu.memory_space<vmem>>, vector<1x16xi32>,
          } {sc.loop_unroll_factor = 8 : i64, sc.parallel_access}
          %scan3A_155 = arith.constant 0 : i32
          %scan3A_156 = arith.constant 0 : i32
          %scan3A_157 = arith.constant 16 : i32
          %scan3A_158 = arith.addi %scan3A_156, %scan3A_157 : i32
          %scan3A_159 = arith.constant 1 : i32
          scf.for %scan3A_172 = %scan3A_156 to %scan3A_158 step %scan3A_159  : i32 {
            %dma_wait3A_173 = arith.constant 0 : i32
            %dma_wait3A_174 = tpu.memref_slice %arg6[%scan3A_172, %dma_wait3A_173] : memref<16x128xf32, #tpu.memory_space<vmem>> -> memref<1x128xf32, #tpu.memory_space<vmem>>
            %dma_wait3A_175 = tpu.memref_squeeze %dma_wait3A_174 : memref<1x128xf32, #tpu.memory_space<vmem>> -> memref<128xf32, #tpu.memory_space<vmem>>
            %dma_wait3A_176 = arith.constant 0 : i32
            %dma_wait3A_177 = tpu.memref_slice %arg10[%scan3A_172, %dma_wait3A_176] : memref<16x128xi32, #tpu.memory_space<vmem>> -> memref<1x128xi32, #tpu.memory_space<vmem>>
            %dma_wait3A_178 = tpu.memref_squeeze %dma_wait3A_177 : memref<1x128xi32, #tpu.memory_space<vmem>> -> memref<128xi32, #tpu.memory_space<vmem>>
            %dma_wait3A_179 = arith.constant 0 : i32
            %dma_wait3A_180 = tpu.memref_slice %arg5[%dma_wait3A_179] : memref<1605632xf32, #tpu.memory_space<vmem_shared>> -> memref<1605632xf32, #tpu.memory_space<vmem_shared>>
            tpu.wait_indirect_dma semaphore(%arg17 : memref<!tpu.dma_semaphore, #tpu.memory_space<semaphore_mem>>) src(%dma_wait3A_175 : memref<128xf32, #tpu.memory_space<vmem>>) dst(%dma_wait3A_180 : memref<1605632xf32, #tpu.memory_space<vmem_shared>>)
          }
          %scan3A_160 = arith.constant 16 : i32
          %add3A_161 = arith.constant 1 : i32
          %add3A_162 = arith.addi %while3A_98, %add3A_161 : i32
          %lt3A = arith.cmpi slt, %add3A_162, %add3A_8 : i32
          %convert_element_type3A_163 = arith.extui %lt3A : i1 to i32
          %cond3A_164 = arith.constant 0 : i32
          %cond3A_165 = arith.cmpi ne, %convert_element_type3A_163, %cond3A_164 : i32
          scf.if %cond3A_165 {
            %add3A_172 = arith.constant 1 : i32
            %add3A_173 = arith.addi %add3A_99, %add3A_172 : i32
            %ge3A_174 = arith.constant 98 : i32
            %ge3A_175 = arith.cmpi sge, %add3A_173, %ge3A_174 : i32
            %convert_element_type3A_176 = arith.extui %ge3A_175 : i1 to i32
            %mul3A_177 = arith.constant 12544 : i32
            %mul3A_178 = arith.muli %and3A_25, %mul3A_177 : i32
            %mul3A_179 = arith.constant 98 : i32
            %mul3A_180 = arith.muli %mul3A_179, %convert_element_type3A_176 : i32
            %sub3A_181 = arith.subi %add3A_173, %mul3A_180 : i32
            %mul3A_182 = arith.constant 128 : i32
            %mul3A_183 = arith.muli %sub3A_181, %mul3A_182 : i32
            %add3A_184 = arith.addi %mul3A_178, %mul3A_183 : i32
            %mul3A_185 = arith.constant 2 : i32
            %mul3A_186 = arith.muli %add3A_23, %mul3A_185 : i32
            %add3A_187 = arith.addi %mul3A_186, %convert_element_type3A_176 : i32
            %dma_start3A_188 = arith.constant 0 : i32
            %dma_start3A_189 = tpu.memref_slice %arg2[%add3A_187, %dma_start3A_188, %add3A_184] : memref<12x16x25088xf32, #tpu.memory_space<hbm>> -> memref<1x16x128xf32, #tpu.memory_space<hbm>>
            %dma_start3A_190 = tpu.memref_squeeze %dma_start3A_189 : memref<1x16x128xf32, #tpu.memory_space<hbm>> -> memref<16x128xf32, #tpu.memory_space<hbm>>
            %dma_start3A_191 = arith.constant 0 : i32
            %dma_start3A_192 = tpu.memref_slice %arg2[%add3A_187, %dma_start3A_191, %add3A_184] : memref<12x16x25088xf32, #tpu.memory_space<hbm>> -> memref<1x16x128xf32, #tpu.memory_space<hbm>>
            %dma_start3A_193 = tpu.memref_squeeze %dma_start3A_192 : memref<1x16x128xf32, #tpu.memory_space<hbm>> -> memref<16x128xf32, #tpu.memory_space<hbm>>
            tpu.enqueue_dma source(%dma_start3A_193 : memref<16x128xf32, #tpu.memory_space<hbm>>) target(%arg6 : memref<16x128xf32, #tpu.memory_space<vmem>>) target_semaphore(%arg13 : memref<!tpu.dma_semaphore, #tpu.memory_space<semaphore_mem>>)
            %dma_start3A_194 = arith.constant 0 : i32
            %dma_start3A_195 = tpu.memref_slice %arg3[%add3A_187, %dma_start3A_194, %add3A_184] : memref<12x16x25088xi32, #tpu.memory_space<hbm>> -> memref<1x16x128xi32, #tpu.memory_space<hbm>>
            %dma_start3A_196 = tpu.memref_squeeze %dma_start3A_195 : memref<1x16x128xi32, #tpu.memory_space<hbm>> -> memref<16x128xi32, #tpu.memory_space<hbm>>
            %dma_start3A_197 = arith.constant 0 : i32
            %dma_start3A_198 = tpu.memref_slice %arg3[%add3A_187, %dma_start3A_197, %add3A_184] : memref<12x16x25088xi32, #tpu.memory_space<hbm>> -> memref<1x16x128xi32, #tpu.memory_space<hbm>>
            %dma_start3A_199 = tpu.memref_squeeze %dma_start3A_198 : memref<1x16x128xi32, #tpu.memory_space<hbm>> -> memref<16x128xi32, #tpu.memory_space<hbm>>
            tpu.enqueue_dma source(%dma_start3A_199 : memref<16x128xi32, #tpu.memory_space<hbm>>) target(%arg8 : memref<16x128xi32, #tpu.memory_space<vmem>>) target_semaphore(%arg15 : memref<!tpu.dma_semaphore, #tpu.memory_space<semaphore_mem>>)
          } else {
          }
          %scan3A_166 = arith.constant 0 : i32
          %scan3A_167 = arith.constant 0 : i32
          %scan3A_168 = arith.constant 16 : i32
          %scan3A_169 = arith.addi %scan3A_167, %scan3A_168 : i32
          %scan3A_170 = arith.constant 1 : i32
          scf.for %scan3A_172 = %scan3A_167 to %scan3A_169 step %scan3A_170  : i32 {
            %dma_start3A_173 = arith.constant 0 : i32
            %dma_start3A_174 = tpu.memref_slice %arg7[%scan3A_172, %dma_start3A_173] : memref<16x128xf32, #tpu.memory_space<vmem>> -> memref<1x128xf32, #tpu.memory_space<vmem>>
            %dma_start3A_175 = tpu.memref_squeeze %dma_start3A_174 : memref<1x128xf32, #tpu.memory_space<vmem>> -> memref<128xf32, #tpu.memory_space<vmem>>
            %dma_start3A_176 = arith.constant 0 : i32
            %dma_start3A_177 = tpu.memref_slice %arg11[%scan3A_172, %dma_start3A_176] : memref<16x128xi32, #tpu.memory_space<vmem>> -> memref<1x128xi32, #tpu.memory_space<vmem>>
            %dma_start3A_178 = tpu.memref_squeeze %dma_start3A_177 : memref<1x128xi32, #tpu.memory_space<vmem>> -> memref<128xi32, #tpu.memory_space<vmem>>
            %dma_start3A_179 = arith.constant 0 : i32
            %dma_start3A_180 = tpu.memref_slice %arg5[%dma_start3A_179] : memref<1605632xf32, #tpu.memory_space<vmem_shared>> -> memref<1605632xf32, #tpu.memory_space<vmem_shared>>
            tpu.enqueue_indirect_dma source(%dma_start3A_175 : memref<128xf32, #tpu.memory_space<vmem>>) target(%dma_start3A_180 : memref<1605632xf32, #tpu.memory_space<vmem_shared>>) offsets(%dma_start3A_178 : memref<128xi32, #tpu.memory_space<vmem>>) semaphore(%arg18 : memref<!tpu.dma_semaphore, #tpu.memory_space<semaphore_mem>>) {add = true}
          }
          %scan3A_171 = arith.constant 16 : i32
        } else {
        }
      }
      %sub3A_66 = arith.constant 1 : i32
      %sub3A_67 = arith.subi %add3A_8, %sub3A_66 : i32
      %and3A_68 = arith.constant 1 : i32
      %and3A_69 = arith.andi %sub3A_67, %and3A_68 : i32
      %eq3A = arith.constant 0 : i32
      %eq3A_70 = arith.cmpi eq, %and3A_69, %eq3A : i32
      %convert_element_type3A_71 = arith.extui %eq3A_70 : i1 to i32
      %cond3A = arith.constant 0 : i32
      %cond3A_72 = arith.cmpi ne, %convert_element_type3A_71, %cond3A : i32
      scf.if %cond3A_72 {
        %scan3A_98 = arith.constant 0 : i32
        %scan3A_99 = arith.constant 0 : i32
        %scan3A_100 = arith.constant 16 : i32
        %scan3A_101 = arith.addi %scan3A_99, %scan3A_100 : i32
        %scan3A_102 = arith.constant 1 : i32
        scf.for %scan3A_104 = %scan3A_99 to %scan3A_101 step %scan3A_102  : i32 {
          %dma_wait3A = arith.constant 0 : i32
          %dma_wait3A_105 = tpu.memref_slice %arg6[%scan3A_104, %dma_wait3A] : memref<16x128xf32, #tpu.memory_space<vmem>> -> memref<1x128xf32, #tpu.memory_space<vmem>>
          %dma_wait3A_106 = tpu.memref_squeeze %dma_wait3A_105 : memref<1x128xf32, #tpu.memory_space<vmem>> -> memref<128xf32, #tpu.memory_space<vmem>>
          %dma_wait3A_107 = arith.constant 0 : i32
          %dma_wait3A_108 = tpu.memref_slice %arg10[%scan3A_104, %dma_wait3A_107] : memref<16x128xi32, #tpu.memory_space<vmem>> -> memref<1x128xi32, #tpu.memory_space<vmem>>
          %dma_wait3A_109 = tpu.memref_squeeze %dma_wait3A_108 : memref<1x128xi32, #tpu.memory_space<vmem>> -> memref<128xi32, #tpu.memory_space<vmem>>
          %dma_wait3A_110 = arith.constant 0 : i32
          %dma_wait3A_111 = tpu.memref_slice %arg5[%dma_wait3A_110] : memref<1605632xf32, #tpu.memory_space<vmem_shared>> -> memref<1605632xf32, #tpu.memory_space<vmem_shared>>
          tpu.wait_indirect_dma semaphore(%arg17 : memref<!tpu.dma_semaphore, #tpu.memory_space<semaphore_mem>>) src(%dma_wait3A_106 : memref<128xf32, #tpu.memory_space<vmem>>) dst(%dma_wait3A_111 : memref<1605632xf32, #tpu.memory_space<vmem_shared>>)
        }
        %scan3A_103 = arith.constant 16 : i32
      } else {
      }
      %sub3A_73 = arith.constant 1 : i32
      %sub3A_74 = arith.subi %add3A_8, %sub3A_73 : i32
      %and3A_75 = arith.constant 1 : i32
      %and3A_76 = arith.andi %sub3A_74, %and3A_75 : i32
      %eq3A_77 = arith.constant 1 : i32
      %eq3A_78 = arith.cmpi eq, %and3A_76, %eq3A_77 : i32
      %convert_element_type3A_79 = arith.extui %eq3A_78 : i1 to i32
      %cond3A_80 = arith.constant 0 : i32
      %cond3A_81 = arith.cmpi ne, %convert_element_type3A_79, %cond3A_80 : i32
      scf.if %cond3A_81 {
        %scan3A_98 = arith.constant 0 : i32
        %scan3A_99 = arith.constant 0 : i32
        %scan3A_100 = arith.constant 16 : i32
        %scan3A_101 = arith.addi %scan3A_99, %scan3A_100 : i32
        %scan3A_102 = arith.constant 1 : i32
        scf.for %scan3A_104 = %scan3A_99 to %scan3A_101 step %scan3A_102  : i32 {
          %dma_wait3A = arith.constant 0 : i32
          %dma_wait3A_105 = tpu.memref_slice %arg7[%scan3A_104, %dma_wait3A] : memref<16x128xf32, #tpu.memory_space<vmem>> -> memref<1x128xf32, #tpu.memory_space<vmem>>
          %dma_wait3A_106 = tpu.memref_squeeze %dma_wait3A_105 : memref<1x128xf32, #tpu.memory_space<vmem>> -> memref<128xf32, #tpu.memory_space<vmem>>
          %dma_wait3A_107 = arith.constant 0 : i32
          %dma_wait3A_108 = tpu.memref_slice %arg11[%scan3A_104, %dma_wait3A_107] : memref<16x128xi32, #tpu.memory_space<vmem>> -> memref<1x128xi32, #tpu.memory_space<vmem>>
          %dma_wait3A_109 = tpu.memref_squeeze %dma_wait3A_108 : memref<1x128xi32, #tpu.memory_space<vmem>> -> memref<128xi32, #tpu.memory_space<vmem>>
          %dma_wait3A_110 = arith.constant 0 : i32
          %dma_wait3A_111 = tpu.memref_slice %arg5[%dma_wait3A_110] : memref<1605632xf32, #tpu.memory_space<vmem_shared>> -> memref<1605632xf32, #tpu.memory_space<vmem_shared>>
          tpu.wait_indirect_dma semaphore(%arg18 : memref<!tpu.dma_semaphore, #tpu.memory_space<semaphore_mem>>) src(%dma_wait3A_106 : memref<128xf32, #tpu.memory_space<vmem>>) dst(%dma_wait3A_111 : memref<1605632xf32, #tpu.memory_space<vmem_shared>>)
        }
        %scan3A_103 = arith.constant 16 : i32
      } else {
      }
      %barrier3A_82 = arith.constant 0 : index
      tpu.barrier barrier_id(%barrier3A_82)
      %mul3A_83 = arith.constant 2 : i32
      %mul3A_84 = arith.muli %add3A_23, %mul3A_83 : i32
      %add3A_85 = arith.addi %mul3A_84, %shift_right_arithmetic3A_9 : i32
      %scan3A_86 = arith.constant 0 : i32
      %scan3A_87 = arith.constant 0 : i32
      %scan3A_88 = arith.constant 16 : i32
      %scan3A_89 = arith.addi %scan3A_87, %scan3A_88 : i32
      %scan3A_90 = arith.constant 1 : i32
      scf.for %scan3A_98 = %scan3A_87 to %scan3A_89 step %scan3A_90  : i32 {
        %mul3A_99 = arith.constant 16 : i32
        %mul3A_100 = arith.muli %shift_right_arithmetic3A_9, %mul3A_99 : i32
        %add3A_101 = arith.addi %mul3A_100, %scan3A_98 : i32
        %mul3A_102 = arith.constant 50176 : i32
        %mul3A_103 = arith.muli %add3A_101, %mul3A_102 : i32
        %add3A_104 = arith.addi %mul3A_103, %mul3A_12 : i32
        %mul3A_105 = arith.constant 50176 : i32
        %mul3A_106 = arith.muli %and3A_25, %mul3A_105 : i32
        %add3A_107 = arith.addi %mul3A_106, %mul3A_12 : i32
        %dma_start3A_108 = tpu.memref_slice %arg4[%add3A_85, %scan3A_98, %add3A_107] : memref<12x16x100352xf32, #tpu.memory_space<hbm>> -> memref<1x1x6272xf32, #tpu.memory_space<hbm>>
        %dma_start3A_109 = tpu.memref_squeeze %dma_start3A_108 : memref<1x1x6272xf32, #tpu.memory_space<hbm>> -> memref<6272xf32, #tpu.memory_space<hbm>>
        %dma_start3A_110 = tpu.memref_slice %arg5[%add3A_104] : memref<1605632xf32, #tpu.memory_space<vmem_shared>> -> memref<6272xf32, #tpu.memory_space<vmem_shared>>
        tpu.enqueue_dma source(%dma_start3A_110 : memref<6272xf32, #tpu.memory_space<vmem_shared>>) target(%dma_start3A_109 : memref<6272xf32, #tpu.memory_space<hbm>>) target_semaphore(%arg13 : memref<!tpu.dma_semaphore, #tpu.memory_space<semaphore_mem>>)
      }
      %scan3A_91 = arith.constant 16 : i32
      %scan3A_92 = arith.constant 0 : i32
      %scan3A_93 = arith.constant 0 : i32
      %scan3A_94 = arith.constant 16 : i32
      %scan3A_95 = arith.addi %scan3A_93, %scan3A_94 : i32
      %scan3A_96 = arith.constant 1 : i32
      scf.for %scan3A_98 = %scan3A_93 to %scan3A_95 step %scan3A_96  : i32 {
        %mul3A_99 = arith.constant 16 : i32
        %mul3A_100 = arith.muli %shift_right_arithmetic3A_9, %mul3A_99 : i32
        %add3A_101 = arith.addi %mul3A_100, %scan3A_98 : i32
        %mul3A_102 = arith.constant 50176 : i32
        %mul3A_103 = arith.muli %add3A_101, %mul3A_102 : i32
        %add3A_104 = arith.addi %mul3A_103, %mul3A_12 : i32
        %mul3A_105 = arith.constant 50176 : i32
        %mul3A_106 = arith.muli %and3A_25, %mul3A_105 : i32
        %add3A_107 = arith.addi %mul3A_106, %mul3A_12 : i32
        %dma_wait3A = tpu.memref_slice %arg4[%add3A_85, %scan3A_98, %add3A_107] : memref<12x16x100352xf32, #tpu.memory_space<hbm>> -> memref<1x1x6272xf32, #tpu.memory_space<hbm>>
        %dma_wait3A_108 = tpu.memref_squeeze %dma_wait3A : memref<1x1x6272xf32, #tpu.memory_space<hbm>> -> memref<6272xf32, #tpu.memory_space<hbm>>
        %dma_wait3A_109 = tpu.memref_slice %arg5[%add3A_104] : memref<1605632xf32, #tpu.memory_space<vmem_shared>> -> memref<6272xf32, #tpu.memory_space<vmem_shared>>
        tpu.wait_dma2 semaphore(%arg13 : memref<!tpu.dma_semaphore, #tpu.memory_space<semaphore_mem>>) src(%dma_wait3A_109 : memref<6272xf32, #tpu.memory_space<vmem_shared>>) dst(%dma_wait3A_108 : memref<6272xf32, #tpu.memory_space<hbm>>)
      }
      %scan3A_97 = arith.constant 16 : i32
    }
    %scan3A_17 = arith.constant 6 : i32
    return
  }
}

module attributes {stable_mosaic.version = 14 : i64} {
  func.func @_pack_body(%arg0: i32, %arg1: i32, %arg2: memref<1x16x112x192xf32, #tpu.memory_space<vmem>>, %arg3: memref<1x16x112x192xi32, #tpu.memory_space<vmem>>, %arg4: memref<12x16x1792xf32, #tpu.memory_space<vmem>>, %arg5: memref<12x16x1792xi32, #tpu.memory_space<vmem>>) attributes {dimension_semantics = [#tpu.dimension_semantics<arbitrary>, #tpu.dimension_semantics<arbitrary>], iteration_bounds = array<i64: 2, 7>, scalar_prefetch = 0 : i64, scratch_operands = 0 : i64, tpu.core_type = #tpu.core_type<tc>, window_params = [{transform_indices = @transform_0, window_bounds = array<i64: 1, 16, 112, 192>}, {transform_indices = @transform_1, window_bounds = array<i64: 1, 16, 112, 192>}, {transform_indices = @transform_2, window_bounds = array<i64: 12, 16, 1792>}, {transform_indices = @transform_3, window_bounds = array<i64: 12, 16, 1792>}]} {
    %get3A = arith.constant 0 : index
    %get3A_0 = arith.constant 0 : index
    %get3A_1 = arith.constant 0 : index
    %get3A_2 = arith.constant 0 : index
    %get3A_3 = vector.load %arg2[%get3A, %get3A_0, %get3A_1, %get3A_2] : memref<1x16x112x192xf32, #tpu.memory_space<vmem>>, vector<1x16x112x192xf32>
    %get3A_4 = vector.shape_cast %get3A_3 : vector<1x16x112x192xf32> to vector<16x112x192xf32>
    %reshape3A = vector.shape_cast %get3A_4 : vector<16x112x192xf32> to vector<1792x192xf32>
    %transpose3A = tpu.transpose %reshape3A, [1, 0] : vector<1792x192xf32> -> vector<192x1792xf32>
    %reshape3A_5 = vector.shape_cast %transpose3A : vector<192x1792xf32> to vector<12x16x1792xf32>
    %swap3A = arith.constant 0 : index
    %swap3A_6 = arith.constant 0 : index
    %swap3A_7 = arith.constant 0 : index
    %swap3A_8 = vector.load %arg4[%swap3A, %swap3A_6, %swap3A_7] : memref<12x16x1792xf32, #tpu.memory_space<vmem>>, vector<12x16x1792xf32>
    tpu.vector_store %arg4[%swap3A, %swap3A_6, %swap3A_7], %reshape3A_5 {strides = array<i32>} : memref<12x16x1792xf32, #tpu.memory_space<vmem>>, vector<12x16x1792xf32>,
    %get3A_9 = arith.constant 0 : index
    %get3A_10 = arith.constant 0 : index
    %get3A_11 = arith.constant 0 : index
    %get3A_12 = arith.constant 0 : index
    %get3A_13 = vector.load %arg3[%get3A_9, %get3A_10, %get3A_11, %get3A_12] : memref<1x16x112x192xi32, #tpu.memory_space<vmem>>, vector<1x16x112x192xi32>
    %get3A_14 = vector.shape_cast %get3A_13 : vector<1x16x112x192xi32> to vector<16x112x192xi32>
    %reshape3A_15 = vector.shape_cast %get3A_14 : vector<16x112x192xi32> to vector<1792x192xi32>
    %transpose3A_16 = tpu.transpose %reshape3A_15, [1, 0] : vector<1792x192xi32> -> vector<192x1792xi32>
    %reshape3A_17 = vector.shape_cast %transpose3A_16 : vector<192x1792xi32> to vector<12x16x1792xi32>
    %swap3A_18 = arith.constant 0 : index
    %swap3A_19 = arith.constant 0 : index
    %swap3A_20 = arith.constant 0 : index
    %swap3A_21 = vector.load %arg5[%swap3A_18, %swap3A_19, %swap3A_20] : memref<12x16x1792xi32, #tpu.memory_space<vmem>>, vector<12x16x1792xi32>
    tpu.vector_store %arg5[%swap3A_18, %swap3A_19, %swap3A_20], %reshape3A_17 {strides = array<i32>} : memref<12x16x1792xi32, #tpu.memory_space<vmem>>, vector<12x16x1792xi32>,
    return
  }
  func.func @transform_0(%arg0: i32, %arg1: i32) -> (i32, i32, i32, i32) {
    %add3A = arith.constant 2 : i32
    %add3A_0 = arith.addi %add3A, %arg0 : i32
    %c0_i32 = arith.constant 0 : i32
    %c0_i32_1 = arith.constant 0 : i32
    %c0_i32_2 = arith.constant 0 : i32
    return %add3A_0, %arg1, %c0_i32, %c0_i32_1 : i32, i32, i32, i32
  }
  func.func @transform_1(%arg0: i32, %arg1: i32) -> (i32, i32, i32, i32) {
    %add3A = arith.constant 2 : i32
    %add3A_0 = arith.addi %add3A, %arg0 : i32
    %c0_i32 = arith.constant 0 : i32
    %c0_i32_1 = arith.constant 0 : i32
    %c0_i32_2 = arith.constant 0 : i32
    return %add3A_0, %arg1, %c0_i32, %c0_i32_1 : i32, i32, i32, i32
  }
  func.func @transform_2(%arg0: i32, %arg1: i32) -> (i32, i32, i32) {
    %mul3A = arith.constant 7 : i32
    %mul3A_0 = arith.muli %arg0, %mul3A : i32
    %add3A = arith.addi %mul3A_0, %arg1 : i32
    %c0_i32 = arith.constant 0 : i32
    %c0_i32_1 = arith.constant 0 : i32
    %c0_i32_2 = arith.constant 0 : i32
    return %c0_i32, %c0_i32_1, %add3A : i32, i32, i32
  }
  func.func @transform_3(%arg0: i32, %arg1: i32) -> (i32, i32, i32) {
    %mul3A = arith.constant 7 : i32
    %mul3A_0 = arith.muli %arg0, %mul3A : i32
    %add3A = arith.addi %mul3A_0, %arg1 : i32
    %c0_i32 = arith.constant 0 : i32
    %c0_i32_1 = arith.constant 0 : i32
    %c0_i32_2 = arith.constant 0 : i32
    return %c0_i32, %c0_i32_1, %add3A : i32, i32, i32
  }
}

module attributes {stable_mosaic.version = 14 : i64} {
  func.func @_pack_body(%arg0: i32, %arg1: i32, %arg2: memref<1x16x112x192xf32, #tpu.memory_space<vmem>>, %arg3: memref<1x16x112x192xi32, #tpu.memory_space<vmem>>, %arg4: memref<12x16x1792xf32, #tpu.memory_space<vmem>>, %arg5: memref<12x16x1792xi32, #tpu.memory_space<vmem>>) attributes {dimension_semantics = [#tpu.dimension_semantics<arbitrary>, #tpu.dimension_semantics<arbitrary>], iteration_bounds = array<i64: 2, 7>, scalar_prefetch = 0 : i64, scratch_operands = 0 : i64, tpu.core_type = #tpu.core_type<tc>, window_params = [{transform_indices = @transform_0, window_bounds = array<i64: 1, 16, 112, 192>}, {transform_indices = @transform_1, window_bounds = array<i64: 1, 16, 112, 192>}, {transform_indices = @transform_2, window_bounds = array<i64: 12, 16, 1792>}, {transform_indices = @transform_3, window_bounds = array<i64: 12, 16, 1792>}]} {
    %get3A = arith.constant 0 : index
    %get3A_0 = arith.constant 0 : index
    %get3A_1 = arith.constant 0 : index
    %get3A_2 = arith.constant 0 : index
    %get3A_3 = vector.load %arg2[%get3A, %get3A_0, %get3A_1, %get3A_2] : memref<1x16x112x192xf32, #tpu.memory_space<vmem>>, vector<1x16x112x192xf32>
    %get3A_4 = vector.shape_cast %get3A_3 : vector<1x16x112x192xf32> to vector<16x112x192xf32>
    %reshape3A = vector.shape_cast %get3A_4 : vector<16x112x192xf32> to vector<1792x192xf32>
    %transpose3A = tpu.transpose %reshape3A, [1, 0] : vector<1792x192xf32> -> vector<192x1792xf32>
    %reshape3A_5 = vector.shape_cast %transpose3A : vector<192x1792xf32> to vector<12x16x1792xf32>
    %swap3A = arith.constant 0 : index
    %swap3A_6 = arith.constant 0 : index
    %swap3A_7 = arith.constant 0 : index
    %swap3A_8 = vector.load %arg4[%swap3A, %swap3A_6, %swap3A_7] : memref<12x16x1792xf32, #tpu.memory_space<vmem>>, vector<12x16x1792xf32>
    tpu.vector_store %arg4[%swap3A, %swap3A_6, %swap3A_7], %reshape3A_5 {strides = array<i32>} : memref<12x16x1792xf32, #tpu.memory_space<vmem>>, vector<12x16x1792xf32>,
    %get3A_9 = arith.constant 0 : index
    %get3A_10 = arith.constant 0 : index
    %get3A_11 = arith.constant 0 : index
    %get3A_12 = arith.constant 0 : index
    %get3A_13 = vector.load %arg3[%get3A_9, %get3A_10, %get3A_11, %get3A_12] : memref<1x16x112x192xi32, #tpu.memory_space<vmem>>, vector<1x16x112x192xi32>
    %get3A_14 = vector.shape_cast %get3A_13 : vector<1x16x112x192xi32> to vector<16x112x192xi32>
    %reshape3A_15 = vector.shape_cast %get3A_14 : vector<16x112x192xi32> to vector<1792x192xi32>
    %transpose3A_16 = tpu.transpose %reshape3A_15, [1, 0] : vector<1792x192xi32> -> vector<192x1792xi32>
    %reshape3A_17 = vector.shape_cast %transpose3A_16 : vector<192x1792xi32> to vector<12x16x1792xi32>
    %swap3A_18 = arith.constant 0 : index
    %swap3A_19 = arith.constant 0 : index
    %swap3A_20 = arith.constant 0 : index
    %swap3A_21 = vector.load %arg5[%swap3A_18, %swap3A_19, %swap3A_20] : memref<12x16x1792xi32, #tpu.memory_space<vmem>>, vector<12x16x1792xi32>
    tpu.vector_store %arg5[%swap3A_18, %swap3A_19, %swap3A_20], %reshape3A_17 {strides = array<i32>} : memref<12x16x1792xi32, #tpu.memory_space<vmem>>, vector<12x16x1792xi32>,
    return
  }
  func.func @transform_0(%arg0: i32, %arg1: i32) -> (i32, i32, i32, i32) {
    %add3A = arith.constant 0 : i32
    %add3A_0 = arith.addi %add3A, %arg0 : i32
    %c0_i32 = arith.constant 0 : i32
    %c0_i32_1 = arith.constant 0 : i32
    %c0_i32_2 = arith.constant 0 : i32
    return %add3A_0, %arg1, %c0_i32, %c0_i32_1 : i32, i32, i32, i32
  }
  func.func @transform_1(%arg0: i32, %arg1: i32) -> (i32, i32, i32, i32) {
    %add3A = arith.constant 0 : i32
    %add3A_0 = arith.addi %add3A, %arg0 : i32
    %c0_i32 = arith.constant 0 : i32
    %c0_i32_1 = arith.constant 0 : i32
    %c0_i32_2 = arith.constant 0 : i32
    return %add3A_0, %arg1, %c0_i32, %c0_i32_1 : i32, i32, i32, i32
  }
  func.func @transform_2(%arg0: i32, %arg1: i32) -> (i32, i32, i32) {
    %mul3A = arith.constant 7 : i32
    %mul3A_0 = arith.muli %arg0, %mul3A : i32
    %add3A = arith.addi %mul3A_0, %arg1 : i32
    %c0_i32 = arith.constant 0 : i32
    %c0_i32_1 = arith.constant 0 : i32
    %c0_i32_2 = arith.constant 0 : i32
    return %c0_i32, %c0_i32_1, %add3A : i32, i32, i32
  }
  func.func @transform_3(%arg0: i32, %arg1: i32) -> (i32, i32, i32) {
    %mul3A = arith.constant 7 : i32
    %mul3A_0 = arith.muli %arg0, %mul3A : i32
    %add3A = arith.addi %mul3A_0, %arg1 : i32
    %c0_i32 = arith.constant 0 : i32
    %c0_i32_1 = arith.constant 0 : i32
    %c0_i32_2 = arith.constant 0 : i32
    return %c0_i32, %c0_i32_1, %add3A : i32, i32, i32
  }
}

module attributes {stable_mosaic.version = 14 : i64} {
  func.func @_unpack_body(%arg0: i32, %arg1: i32, %arg2: memref<12x16x1792xf32, #tpu.memory_space<vmem>>, %arg3: memref<1x8x224x192xf32, #tpu.memory_space<vmem>>) attributes {dimension_semantics = [#tpu.dimension_semantics<arbitrary>, #tpu.dimension_semantics<arbitrary>], iteration_bounds = array<i64: 2, 28>, scalar_prefetch = 0 : i64, scratch_operands = 0 : i64, tpu.core_type = #tpu.core_type<tc>, window_params = [{transform_indices = @transform_0, window_bounds = array<i64: 12, 16, 1792>}, {transform_indices = @transform_1, window_bounds = array<i64: 1, 8, 224, 192>}]} {
    %get3A = arith.constant 0 : index
    %get3A_0 = arith.constant 0 : index
    %get3A_1 = arith.constant 0 : index
    %get3A_2 = vector.load %arg2[%get3A, %get3A_0, %get3A_1] : memref<12x16x1792xf32, #tpu.memory_space<vmem>>, vector<12x16x1792xf32>
    %reshape3A = vector.shape_cast %get3A_2 : vector<12x16x1792xf32> to vector<192x1792xf32>
    %transpose3A = tpu.transpose %reshape3A, [1, 0] : vector<192x1792xf32> -> vector<1792x192xf32>
    %reshape3A_3 = vector.shape_cast %transpose3A : vector<1792x192xf32> to vector<8x224x192xf32>
    %swap3A = arith.constant 0 : index
    %swap3A_4 = arith.constant 0 : index
    %swap3A_5 = arith.constant 0 : index
    %swap3A_6 = arith.constant 0 : index
    %swap3A_7 = vector.load %arg3[%swap3A, %swap3A_4, %swap3A_5, %swap3A_6] : memref<1x8x224x192xf32, #tpu.memory_space<vmem>>, vector<1x8x224x192xf32>
    %swap3A_8 = vector.shape_cast %swap3A_7 : vector<1x8x224x192xf32> to vector<8x224x192xf32>
    %swap3A_9 = vector.shape_cast %reshape3A_3 : vector<8x224x192xf32> to vector<1x8x224x192xf32>
    tpu.vector_store %arg3[%swap3A, %swap3A_4, %swap3A_5, %swap3A_6], %swap3A_9 {strides = array<i32>} : memref<1x8x224x192xf32, #tpu.memory_space<vmem>>, vector<1x8x224x192xf32>,
    return
  }
  func.func @transform_0(%arg0: i32, %arg1: i32) -> (i32, i32, i32) {
    %mul3A = arith.constant 28 : i32
    %mul3A_0 = arith.muli %arg0, %mul3A : i32
    %add3A = arith.addi %mul3A_0, %arg1 : i32
    %c0_i32 = arith.constant 0 : i32
    %c0_i32_1 = arith.constant 0 : i32
    %c0_i32_2 = arith.constant 0 : i32
    return %c0_i32, %c0_i32_1, %add3A : i32, i32, i32
  }
  func.func @transform_1(%arg0: i32, %arg1: i32) -> (i32, i32, i32, i32) {
    %add3A = arith.constant 0 : i32
    %add3A_0 = arith.addi %add3A, %arg0 : i32
    %c0_i32 = arith.constant 0 : i32
    %c0_i32_1 = arith.constant 0 : i32
    %c0_i32_2 = arith.constant 0 : i32
    return %add3A_0, %arg1, %c0_i32, %c0_i32_1 : i32, i32, i32, i32
  }
}

module attributes {stable_mosaic.version = 14 : i64} {
  func.func @body(%arg0: i32, %arg1: i32, %arg2: memref<12x16x1792xf32, #tpu.memory_space<vmem>>, %arg3: memref<4x224x224x192xf32, #tpu.memory_space<any>>, %arg4: memref<1x8x224x192xf32, #tpu.memory_space<vmem>>) attributes {dimension_semantics = [#tpu.dimension_semantics<arbitrary>, #tpu.dimension_semantics<arbitrary>], iteration_bounds = array<i64: 2, 28>, scalar_prefetch = 0 : i64, scratch_operands = 0 : i64, tpu.core_type = #tpu.core_type<tc>, window_params = [{transform_indices = @transform_0, window_bounds = array<i64: 12, 16, 1792>}, {}, {transform_indices = @transform_2, window_bounds = array<i64: 1, 8, 224, 192>}]} {
    %get3A = arith.constant 0 : index
    %get3A_0 = arith.constant 0 : index
    %get3A_1 = arith.constant 0 : index
    %get3A_2 = vector.load %arg2[%get3A, %get3A_0, %get3A_1] : memref<12x16x1792xf32, #tpu.memory_space<vmem>>, vector<12x16x1792xf32>
    %reshape3A = vector.shape_cast %get3A_2 : vector<12x16x1792xf32> to vector<192x1792xf32>
    %transpose3A = tpu.transpose %reshape3A, [1, 0] : vector<192x1792xf32> -> vector<1792x192xf32>
    %reshape3A_3 = vector.shape_cast %transpose3A : vector<1792x192xf32> to vector<8x224x192xf32>
    %swap3A = arith.constant 0 : index
    %swap3A_4 = arith.constant 0 : index
    %swap3A_5 = arith.constant 0 : index
    %swap3A_6 = arith.constant 0 : index
    %swap3A_7 = vector.load %arg4[%swap3A, %swap3A_4, %swap3A_5, %swap3A_6] : memref<1x8x224x192xf32, #tpu.memory_space<vmem>>, vector<1x8x224x192xf32>
    %swap3A_8 = vector.shape_cast %swap3A_7 : vector<1x8x224x192xf32> to vector<8x224x192xf32>
    %swap3A_9 = vector.shape_cast %reshape3A_3 : vector<8x224x192xf32> to vector<1x8x224x192xf32>
    tpu.vector_store %arg4[%swap3A, %swap3A_4, %swap3A_5, %swap3A_6], %swap3A_9 {strides = array<i32>} : memref<1x8x224x192xf32, #tpu.memory_space<vmem>>, vector<1x8x224x192xf32>,
    return
  }
  func.func @transform_0(%arg0: i32, %arg1: i32) -> (i32, i32, i32) {
    %mul3A = arith.constant 28 : i32
    %mul3A_0 = arith.muli %arg0, %mul3A : i32
    %add3A = arith.addi %mul3A_0, %arg1 : i32
    %c0_i32 = arith.constant 0 : i32
    %c0_i32_1 = arith.constant 0 : i32
    %c0_i32_2 = arith.constant 0 : i32
    return %c0_i32, %c0_i32_1, %add3A : i32, i32, i32
  }
  func.func @transform_2(%arg0: i32, %arg1: i32) -> (i32, i32, i32, i32) {
    %add3A = arith.constant 2 : i32
    %add3A_0 = arith.addi %add3A, %arg0 : i32
    %c0_i32 = arith.constant 0 : i32
    %c0_i32_1 = arith.constant 0 : i32
    %c0_i32_2 = arith.constant 0 : i32
    return %add3A_0, %arg1, %c0_i32, %c0_i32_1 : i32, i32, i32, i32
  }
}

</mosaic_0001>

<sc_bundles>
// kernel: _unpool.11.cloned.1.call-start
scs
__scs_entry_jumppad:
0x0: {  	(pc) =	sbr.rel $0x88, $3  }
0x1: {  	(tag) =	ssettag $0x0;
	lr =	simm.s32 $0x1  }
0x2: {  	[smem:$0x3F9F] =	sst lr;
	_ =	strace $0xD0000000  }
0x3: {  	_ = 	snop  }
0x4: {  	_ = 	snop  }
0x5: {  	_ = 	snop  }
0x6: {  	_ = 	snop  }
0x7: {  	_ = 	snop  }
__scs_overlays_trampoline_lowered:
0x8: {  	[smem:$0x3FAE] =	sst s0  }
0x9: {  	[smem:$0x3FAF] =	sst s1  }
0xa: {  	[smem:$0x3FB0] =	sst s2  }
0xb: {  	[smem:$0x3FB1] =	sst s3  }
0xc: {  	[smem:$0x3FB2] =	sst s4  }
0xd: {  	[smem:$0x3FB3] =	sst s5  }
0xe: {  	[smem:$0x3FB4] =	sst s6  }
0xf: {  	[smem:$0x3FB5] =	sst s7  }
0x10: {  	[smem:$0x3FB6] =	sst s8  }
0x11: {  	[smem:$0x3FB7] =	sst s9;
	s0 =	simm.s32 @!p0 $0x0  }
0x12: {  	s1 =	sld [smem:$0x3F9D];
	s0 =	simm.s32 @p0 $0x1  }
0x13: {  	[smem:$0x3FB8] =	sst s0;
	s0 =	simm.s32 @!p1 $0x0  }
0x14: {  	s2 =	sld [smem:$0x3F9C];
	s0 =	simm.s32 @p1 $0x1  }
0x15: {  	[smem:$0x3FB9] =	sst s0;
	s0 =	simm.s32 @!p2 $0x0  }
0x16: {  	s3 =	sld [smem:$0x3FDB];
	s0 =	simm.s32 @p2 $0x1  }
0x17: {  	s4 =	simm.s32 $0x1BF5;
	[smem:$0x3FBB] =	sst s0  }
0x18: {  	s0 =	sld [smem:$0x3F9E];
	_ =	swait.ge [sflag:s4], $0x0  }
0x19: {  	s7 =	sld [smem:$0x3F9F]  }
0x1a: {  	s8 =	sadd.s32 $0xFFFFE003, lr  }
0x1b: {  	s9 =	sadd.s32 $0xFFFFFEF7, lr;
	s5 =	simm.s32 $0xFFFFFFFF;
	p2 =	slt.u32 s8, $0xFFFFF086  }
0x1c: {  	p1 =	slt.u32 s9, $0xF7A;
	s5 =	simm.s32 @!p2 $0x0  }
0x1d: {  	s5 =	simm.s32 @p1 $0x1;
	p0 =	seq.s32 s7, s2  }
0x1e: {  	s7 =	smul.u32 @!p0 $0xF7A, s2;
	p2 =	seq.s32 @!p0 s5, $0x0  }
0x1f: {  	s9 =	smul.u32 $0xF7A, s1;
	s8 =	simm.s32 @!p0 $0x1BF5;
	p2 =	por !p2, p0  }
0x20: {  	[sflag:s8] =	ssyncset.s32 @!p0 $0xFFFFF086;
	s6 =	sadd.s32 @!p0 s3, s7;
	s7 =	simm.s32 @!p0 $0x108  }
0x21: {  	s3 =	sadd.s32 s3, s9;
	s6 =	sadd.s32 @!p0 $0x88, s6;
	s7 =	simm.s32 @p2 $0x1082  }
0x22: {  	[simem:s7], [sflag:s8] =	dma.local @!p0 [hbm:s6], $0xF7A  }
0x23: {  	s9 =	sor.u32 $0xD0000000, s2;
	s6 =	simm.s32 $0x108;
	_ =	swait.ge @!p0 [sflag:s8], $0x0  }
0x24: {  	s3 =	sadd.s32 $0x88, s3;
	s6 =	simm.s32 @!p1 $0x1082;
	[sflag:s4] =	ssyncset.s32 $0xFFFFF086  }
0x25: {  	[simem:s6], [sflag:s4] =	dma.local [hbm:s3], $0xF7A  }
0x26: {  	[smem:$0x3F9F] =	sst s1;
	(tag) =	ssettag s2;
	_ =	strace s9  }
0x27: {  	s1 =	sld [smem:$0x3FAF]  }
0x28: {  	s2 =	sld [smem:$0x3FB0]  }
0x29: {  	s4 =	sld [smem:$0x3FB2]  }
0x2a: {  	p0 =	seq.s32 s5, $0x0;
	s5 =	sld [smem:$0x3FB3]  }
0x2b: {  	s6 =	sld [smem:$0x3FB4]  }
0x2c: {  	s7 =	sld [smem:$0x3FB5]  }
0x2d: {  	s3 =	simm.s32 $0x108;
	s8 =	sld [smem:$0x3FB6]  }
0x2e: {  	s3 =	simm.s32 @!p0 $0x1082;
	s9 =	sld [smem:$0x3FB7]  }
0x2f: {  	lr =	sadd.s32 s0, s3;
	s0 =	sld [smem:$0x3FAE]  }
0x30: {  	s3 =	sld [smem:$0x3FB1]  }
0x31: {  	[smem:$0x3FBA] =	sst s10  }
0x32: {  	s10 =	sld [smem:$0x3FB8];
	_ =	sdelay $0x3  }
0x33: {  	p0 =	seq.s32 s10, $0x1;
	s10 =	sld [smem:$0x3FBA];
	_ =	sdelay $0x3  }
0x34: {  	[smem:$0x3FBA] =	sst s10  }
0x35: {  	s10 =	sld [smem:$0x3FB9];
	_ =	sdelay $0x3  }
0x36: {  	p1 =	seq.s32 s10, $0x1;
	s10 =	sld [smem:$0x3FBA];
	_ =	sdelay $0x3  }
0x37: {  	[smem:$0x3FBA] =	sst s10  }
0x38: {  	s10 =	sld [smem:$0x3FBB]  }
0x39: {  	_ = 	snop;
	(pc) =	sbr.ind lr, $3  }
0x3a: {  	_ = 	snop  }
0x3b: {  	_ = 	snop  }
0x3c: {  	p2 =	seq.s32 s10, $0x1;
	s10 =	sld [smem:$0x3FBA]  }
0x3d: {  	_ =	shalt  }
0x3e: {  	_ =	shalt  }
0x3f: {  	_ =	shalt  }
0x40: {  	_ =	shalt  }
0x41: {  	_ =	shalt  }
0x42: {  	_ =	shalt  }
0x43: {  	_ =	shalt  }
0x44: {  	_ =	shalt  }
0x45: {  	_ =	shalt  }
0x46: {  	_ =	shalt  }
0x47: {  	_ =	shalt  }
0x48: {  	_ =	shalt  }
0x49: {  	_ =	shalt  }
0x4a: {  	_ =	shalt  }
0x4b: {  	_ =	shalt  }
0x4c: {  	_ =	shalt  }
0x4d: {  	_ =	shalt  }
0x4e: {  	_ =	shalt  }
0x4f: {  	_ =	shalt  }
0x50: {  	_ =	shalt  }
0x51: {  	_ =	shalt  }
0x52: {  	_ =	shalt  }
0x53: {  	_ =	shalt  }
0x54: {  	_ =	shalt  }
0x55: {  	_ =	shalt  }
0x56: {  	_ =	shalt  }
0x57: {  	_ =	shalt  }
0x58: {  	_ =	shalt  }
0x59: {  	_ =	shalt  }
0x5a: {  	_ =	shalt  }
0x5b: {  	_ =	shalt  }
0x5c: {  	_ =	shalt  }
0x5d: {  	_ =	shalt  }
0x5e: {  	_ =	shalt  }
0x5f: {  	_ =	shalt  }
0x60: {  	_ =	shalt  }
0x61: {  	_ =	shalt  }
0x62: {  	_ =	shalt  }
0x63: {  	_ =	shalt  }
0x64: {  	_ =	shalt  }
0x65: {  	_ =	shalt  }
0x66: {  	_ =	shalt  }
0x67: {  	_ =	shalt  }
0x68: {  	_ =	shalt  }
0x69: {  	_ =	shalt  }
0x6a: {  	_ =	shalt  }
0x6b: {  	_ =	shalt  }
0x6c: {  	_ =	shalt  }
0x6d: {  	_ =	shalt  }
0x6e: {  	_ =	shalt  }
0x6f: {  	_ =	shalt  }
0x70: {  	_ =	shalt  }
0x71: {  	_ =	shalt  }
0x72: {  	_ =	shalt  }
0x73: {  	_ =	shalt  }
0x74: {  	_ =	shalt  }
0x75: {  	_ =	shalt  }
0x76: {  	_ =	shalt  }
0x77: {  	_ =	shalt  }
0x78: {  	_ =	shalt  }
0x79: {  	_ =	shalt  }
0x7a: {  	_ =	shalt  }
0x7b: {  	_ =	shalt  }
0x7c: {  	_ =	shalt  }
0x7d: {  	_ =	shalt  }
0x7e: {  	_ =	shalt  }
0x7f: {  	_ =	shalt  }
0x80: {  	_ =	shalt  }
0x81: {  	_ =	shalt  }
0x82: {  	_ =	shalt  }
0x83: {  	_ =	shalt  }
0x84: {  	_ =	shalt  }
0x85: {  	_ =	shalt  }
0x86: {  	_ =	shalt  }
0x87: {  	_ =	shalt  }
.Lfunc_end0:
.L_simem_size_0:
called_computation.1_lowered:
.L_overlay_start_0:
0x88: {  	s2 =	sld [smem:$0x3FD9]  }
0x89: {  	s3 =	sld [smem:$0x3FFE];
	_ =	sdelay $0x1  }
0x8a: {  	s1 =	srdreg.scid  }
0x8b: {  	s0 =	sand.u32 $0x1, s1  }
0x8c: {  	s17 =	sshll.u32 s0, $0xA;
	s2 =	sadd.s32 s3, s2  }
0x8d: {  	s2 =	sadd.s32 s2, s17  }
0x8e: {  	[smem:$0x3FC6] =	sst s2  }
0x8f: {  	_ = 	snop  }
0x90: {  	s18 =	sld [smem:$0x3FD0];
	(tm) =	ssettm $0x1  }
0x91: {  	s19 =	sld [smem:$0x3FFB];
	_ =	sdelay $0x3  }
0x92: {  	_ =	strace s19  }
0x93: {  	s2 =	sld [smem:$0x3FFC];
	_ =	sdelay $0x3  }
0x94: {  	_ =	strace s2  }
0x95: {  	s2 =	sld [smem:$0x3FFD];
	_ =	sdelay $0x3  }
0x96: {  	_ =	strace s2  }
0x97: {  	_ =	strace $0x8FFFFFFF  }
0x98: {  	s20 =	sld [smem:$0x3FDB];
	_ =	sdelay $0x1  }
0x99: {  	s4 =	simm.s32 $_scs_section_size  }
0x9a: {  	s5 =	simm.s32 $_size__tile_overlayer_lowered;
	s6 =	simm.s32 $_tile_overlayer_lowered  }
0x9b: {  	s7 =	simm.s32 $0x1BFF;
	s21 =	sshll.u32 s6, $0x1;
	s4 =	sadd.s32 s4, s20  }
0x9c: {  	s22 =	simm.s32 $0x0;
	s5 =	sshll.u32 s5, $0x1;
	s6 =	sadd.s32 s21, s4  }
0x9d: {  	[timem:s22], [sflag:s7] =	dma.local [hbm:s6], s5  }
0x9e: {  	_ =	swait.ge [sflag:s7], s5  }
0x9f: {  	s5 =	ssub.s32 $0x0, s5;
	[sflag:s7] =	ssyncset.done $0x0  }
0xa0: {  	[sflag:s7] =	ssyncadd.s32 s5;
	_ =	sdelay $0x1  }
0xa1: {  	s23 =	simm.s32 $0x1B8B  }
0xa2: {  	_ =	swait.ge [sflag:s23], $0x1  }
0xa3: {  	[sflag:s23] =	ssyncset.done $0x0  }
0xa4: {  	[sflag:s23] =	ssyncadd.s32 $0xFFFFFFFF  }
0xa5: {  	s5 =	sld [smem:$0x0]  }
0xa6: {  	s6 =	sand.u32 $0xFFFFFFFE, s1  }
0xa7: {  	p0 =	sne.s32 s1, s6  }
0xa8: {  	s6 =	sshll.u32 @p0 s6, $0xE  }
0xa9: {  	s6 =	sadd.s32 @p0 $0x11B8D, s6;
	s7 =	sshll.u32 @p0 s5, $0x11  }
0xaa: {  	s6 =	sor.u32 @p0 s7, s6  }
0xab: {  	[sflag:s6] =	ssyncadd.remote.s32 @p0 $0x1;
	_ =	sdelay $0x1  }
0xac: {  	s6 =	simm.s32 @p0 $0x1B8D  }
0xad: {  	_ =	swait.eq @p0 [sflag:s6], $0x1  }
0xae: {  	[sflag:s6] =	ssyncadd.s32 @p0 $0xFFFFFFFF  }
0xaf: {  	s7 =	sshll.u32 @!p0 s1, $0xE  }
0xb0: {  	s7 =	sor.u32 @!p0 $0x4000, s7;
	s6 =	simm.s32 @!p0 $0x1B8D  }
0xb1: {  	s5 =	sshll.u32 @!p0 s5, $0x11;
	s7 =	sadd.s32 @!p0 $0x11B8D, s7;
	_ =	swait.eq @!p0 [sflag:s6], $0x1  }
0xb2: {  	s5 =	sor.u32 @!p0 s5, s7;
	[sflag:s6] =	ssyncadd.s32 @!p0 $0xFFFFFFFF  }
0xb3: {  	s25 =	simm.s32 $0x1B8E;
	s24 =	sld [smem:$0x3FFE];
	[sflag:s5] =	ssyncadd.remote.s32 @!p0 $0x1  }
0xb4: {  	s26 =	simm.s32 $execute0_lowered;
	[smem:$0x3FD2] =	sst s25  }
0xb5: {  	s6 =	sshll.u32 s26, $0x1;
	_ =	strace $0x80000049;
	[dreg:$0x1] =	wrdreg $0xFFFFFFFF  }
0xb6: {  	s28 =	simm.s32 $_size_execute0_lowered;
	s4 =	sadd.s32 s4, s6;
	[dreg:$0x0] =	wrdreg $0x0  }
0xb7: {  	s6 =	sshll.u32 s28, $0x1;
	[dreg:$0x2] =	wrdreg s4  }
0xb8: {  	[dreg:$0x3] =	wrdreg s6  }
0xb9: {  	[dreg:$0x4] =	wrdreg $0xC0  }
0xba: {  	_ =	task [dreg:s22], $0x5FFFF  }
0xbb: {  	[dreg:$0x1] =	wrdreg $0xFFFFFFFF  }
0xbc: {  	[dreg:$0x0] =	wrdreg $0x60  }
0xbd: {  	[dreg:$0x2] =	wrdreg s24  }
0xbe: {  	[dreg:$0x3] =	wrdreg s18  }
0xbf: {  	[dreg:$0x4] =	wrdreg $0x0  }
0xc0: {  	[dreg:$0x5] =	wrdreg $0xA  }
0xc1: {  	_ =	task.clear_ibuf [dreg:s22], $0x6FFFF;
	_ =	strace $0x90000049  }
0xc2: {  	s29 =	simm.s32 $0xA;
	_ =	strace $0x8000004B  }
0xc3: {  	_ =	swait.ge [sflag:s29], $0x1  }
0xc4: {  	[sflag:s29] =	ssyncadd.s32 $0xFFFFFFFF  }
0xc5: {  	_ =	strace $0x9000004B  }
0xc6: {  	_ =	sfence  }
0xc7: {  	s30 =	sld [smem:$0x0];
	_ =	sdelay $0x2  }
0xc8: {  	s31 =	sshll.u32 s1, $0xD;
	s1 =	sshrl.u32 s1, $0x2  }
0xc9: {  	s4 =	sand.u32 $0x4000, s31;
	s1 =	sadd.s32 s1, s30  }
0xca: {  	s0 =	sor.u32 s4, s0;
	s1 =	sshll.u32 s1, $0x11  }
0xcb: {  	s0 =	sor.u32 s1, s0  }
0xcc: {  	s0 =	sadd.s32 $0x8F2B, s0  }
0xcd: {  	[sflag:s0] =	ssyncadd.remote.s32 $0x1  }
0xce: {  	_ =	sfence.sel $0xFFFF  }
0xcf: {  	[dreg:$0x0] =	wrdreg $0xFFFFFFFF;
	(pc) =	sbr.abs _section_cstart, $3  }
0xd0: {  	[dreg:$0x1] =	wrdreg $0xFFFFFFFF  }
0xd1: {  	_ =	task.clear_ibuf [dreg:s22], $0x2FFFF;
	_ =	strace $0x9FFFFFFF  }
0xd2: {  	(tm) =	ssettm $0x7FFFFFFF  }
0xd3: {  	_ =	shalt  }
tec
execute0_lowered:
.L_overlay_start_1:
0x0: {  	(tag) =	ssettag $0x1  }
0x1: {  	s0 =	rddreg [dreg:$0x0]  }
0x2: {  	s1 =	rddreg [dreg:$0x1]  }
0x3: {  	s2 =	rddreg [dreg:$0x2];
	s11 =	simm.s32 $0x0  }
0x4: {  	s3 =	srdreg.scid;
	s10 =	stileid.u32;
	s14 =	simm.s32 $0x1  }
0x5: {  	s30 =	simm.s32 $0x1B780;
	s31 =	simm.s32 $0x19780;
	s28 =	simm.s32 $0x3  }
0x6: {  	[smem:$0x7FF] =	sst s11;
	s3 =	sand.u32 $0x1, s3;
	s7 =	smul.u32 $0xC, s10  }
0x7: {  	s5 =	sadd.s32 $0x1000, s0;
	s16 =	smul.u32 $0x62000, s10;
	s17 =	sand.u32 $0x7, s10  }
0x8: {  	s9 =	smax.u32 s10, $0xC;
	p0 =	sgt.u32 s10, $0xB;
	s12 =	smul.u32 $0x1880, s17  }
0x9: {  	s10 =	sshrl.u32 s10, $0x3;
	s4 =	ssub.s32 $0x2, s3;
	s3 =	smul.u32 $0x6, s3  }
0xa: {  	s6 =	sadd.s32 $0x4FB000, s0;
	_ =	strace $0x8000004A;
	s19 =	smul.u32 $0x310000, s10  }
0xb: {  	[dreg:$0x5] =	wrdreg s10;
	s20 =	smul.u32 $0x6200, s17;
	s17 =	simm.s32 $0x80  }
0xc: {  	s8 =	sshrl.u32 s4, $0x1;
	s15 =	sadd.s32 s7, s9;
	s7 =	simm.s32 $0xD  }
0xd: {  	s9 =	sshrl.u32 s16, $0x2;
	s13 =	ssub.s32 s4, s8;
	s8 =	sadd.s32 $0xFFFFFFF4, s15  }
0xe: {  	s7 =	simm.s32 @!p0 $0xC;
	[dreg:$0x6] =	wrdreg s12;
	s18 =	sadd.s32 s9, s2  }
0xf: {  	s9 =	simm.s32 $0x1;
	[dreg:$0x9] =	wrdreg s3;
	s3 =	simm.s32 $0x3FFF9E  }
0x10: {  	s25 =	sadd.s32 s20, s19;
	s0 =	smax.u32 s13, $0x1;
	[dreg:$0x7] =	wrdreg s18  }
0x11: {  	s4 =	simm.s32 $0x2;
	s21 =	sadd.s32 $0x3800, s18;
	[dreg:$0xb] =	wrdreg s0  }
0x12: {  	s20 =	simm.s32 $0x1B680;
	s22 =	sadd.s32 $0x7000, s18;
	[dreg:$0xc] =	wrdreg s21  }
0x13: {  	p1 =	sgt.u32 s8, $0x61;
	s23 =	sadd.s32 $0xA800, s18;
	[dreg:$0xd] =	wrdreg s22  }
0x14: {  	s16 =	sadd.s32 $0xFFFFFFFF, s7;
	s24 =	sadd.s32 $0xE000, s18;
	[dreg:$0xe] =	wrdreg s23  }
0x15: {  	s26 =	sadd.s32 $0x11800, s18;
	s29 =	sadd.s32 $0x15000, s18;
	[dreg:$0xf] =	wrdreg s24  }
0x16: {  	s9 =	simm.s32 @!p1 $0x0;
	s3 =	simm.s32 @!p1 $0x0;
	[dreg:$0x10] =	wrdreg s26  }
0x17: {  	s23 =	simm.s32 $0x5;
	s0 =	sshrl.u32 s25, $0x2;
	[dreg:$0x11] =	wrdreg s29  }
0x18: {  	s26 =	simm.s32 $0x5;
	s21 =	simm.s32 $0x19680;
	s22 =	simm.s32 $0x1B700  }
0x19: {  	s24 =	simm.s32 $0x19700;
	[dreg:$0x8] =	wrdreg s9;
	s3 =	sadd.s32 s8, s3  }
0x1a: {  	s25 =	simm.s32 $0x10;
	s0 =	sadd.s32 s0, s2;
	[dreg:$0xa] =	wrdreg s3  }
0x1b: {  	v0 =	vimm.f32 $0.0e+00;
	s23 =	simm.s32 @!p0 $0x6;
	[dreg:$0x12] =	wrdreg s0;
	s3 =	simm.s32 $0x4  }
.LBB2_1:
0x1c: {  	[dreg:$0x4] =	wrdreg s11;
	s0 =	simm.s32 $0x1B840  }
0x1d: {  	[tilespmem:s0+$0xFFFFFFC0] =	vst v0  }
0x1e: {  	[tilespmem:s0+$0x30] =	vst v0  }
0x1f: {  	[tilespmem:s0+$0x20] =	vst v0  }
0x20: {  	[tilespmem:s0+$0x10] =	vst v0  }
0x21: {  	[tilespmem:s0+$0x0] =	vst v0  }
0x22: {  	[tilespmem:s0+$0xFFFFFFF0] =	vst v0  }
0x23: {  	s9 =	simm.s32 $0x0;
	[tilespmem:s0+$0xFFFFFFE0] =	vst v0  }
.LBB2_2:
0x24: {  	s9 =	sadd.s32 $0x8, s9;
	[tilespmem:s0+$0xFFFFFFD0] =	vst v0;
	s0 =	sadd.s32 $0x80, s0  }
0x25: {  	[tilespmem:s0+$0xFFFFFFC0] =	vst v0;
	p0 =	slt.u32 s9, $0x378  }
0x26: {  	[tilespmem:s0+$0x30] =	vst v0  }
.Ltmp0:
0x27: {  	[tilespmem:s0+$0x20] =	vst v0;
	(pc) =	sbr.rel @p0 .LBB2_2-.Ltmp0, $4  }
0x28: {  	[tilespmem:s0+$0x10] =	vst v0  }
0x29: {  	[tilespmem:s0+$0x0] =	vst v0  }
0x2a: {  	[tilespmem:s0+$0xFFFFFFF0] =	vst v0  }
0x2b: {  	[tilespmem:s0+$0xFFFFFFE0] =	vst v0  }
0x2c: {  	[tilespmem:s0+$0xFFFFFFD0] =	vst v0;
	s10 =	simm.s32 $0x0  }
.LBB2_4:
0x2d: {  	s0 =	rddreg [dreg:$0x7];
	s9 =	simm.s32 $0x1B800;
	s12 =	simm.s32 $0x7  }
0x2e: {  	[spmem:s0] =	stream.linear.scatter [tilespmem:s9], [sflag:$0x7], $0x3800, $0x38;
	[tilespmem:$0x1F000] =	vst v63  }
0x2f: {  	_ =	swait.ge [sflag:s12], $0x3800  }
0x30: {  	[sflag:s12] =	ssyncset.done $0x0  }
0x31: {  	s15 =	rddreg [dreg:$0xc];
	[sflag:s12] =	ssyncadd.s32 $0xFFFFC800  }
0x32: {  	[spmem:s15] =	stream.linear.scatter [tilespmem:s9], [sflag:$0x7], $0x3800, $0x38;
	[tilespmem:$0x1F000] =	vst v63  }
0x33: {  	_ =	swait.ge [sflag:s12], $0x3800  }
0x34: {  	[sflag:s12] =	ssyncset.done $0x0  }
0x35: {  	s18 =	rddreg [dreg:$0xd];
	[sflag:s12] =	ssyncadd.s32 $0xFFFFC800  }
0x36: {  	[spmem:s18] =	stream.linear.scatter [tilespmem:s9], [sflag:$0x7], $0x3800, $0x38;
	[tilespmem:$0x1F000] =	vst v63  }
0x37: {  	_ =	swait.ge [sflag:s12], $0x3800  }
0x38: {  	[sflag:s12] =	ssyncset.done $0x0  }
0x39: {  	s19 =	rddreg [dreg:$0xe];
	[sflag:s12] =	ssyncadd.s32 $0xFFFFC800  }
0x3a: {  	[spmem:s19] =	stream.linear.scatter [tilespmem:s9], [sflag:$0x7], $0x3800, $0x38;
	[tilespmem:$0x1F000] =	vst v63  }
0x3b: {  	_ =	swait.ge [sflag:s12], $0x3800  }
0x3c: {  	[sflag:s12] =	ssyncset.done $0x0  }
0x3d: {  	s11 =	rddreg [dreg:$0xf];
	[sflag:s12] =	ssyncadd.s32 $0xFFFFC800  }
0x3e: {  	[spmem:s11] =	stream.linear.scatter [tilespmem:s9], [sflag:$0x7], $0x3800, $0x38;
	[tilespmem:$0x1F000] =	vst v63  }
0x3f: {  	_ =	swait.ge [sflag:s12], $0x3800  }
0x40: {  	[sflag:s12] =	ssyncset.done $0x0  }
0x41: {  	s13 =	rddreg [dreg:$0x10];
	[sflag:s12] =	ssyncadd.s32 $0xFFFFC800  }
0x42: {  	[spmem:s13] =	stream.linear.scatter [tilespmem:s9], [sflag:$0x7], $0x3800, $0x38;
	[tilespmem:$0x1F000] =	vst v63  }
0x43: {  	_ =	swait.ge [sflag:s12], $0x3800;
	[dreg:$0x13] =	wrdreg s10  }
0x44: {  	s18 =	sand.u32 $0x1, s10;
	[sflag:s12] =	ssyncset.done $0x0;
	s19 =	rddreg [dreg:$0x9]  }
0x45: {  	s15 =	rddreg [dreg:$0x11];
	[sflag:s12] =	ssyncadd.s32 $0xFFFFC800;
	s0 =	sadd.s32 s19, s10  }
0x46: {  	[spmem:s15] =	stream.linear.scatter [tilespmem:s9], [sflag:$0x7], $0x3800, $0x38;
	[tilespmem:$0x1F000] =	vst v63  }
0x47: {  	s11 =	rddreg [dreg:$0x8];
	s0 =	sand.u32 $0xE, s0;
	s9 =	smul.u32 $0x62, s18  }
0x48: {  	s10 =	sor.u32 s11, s0;
	s11 =	rddreg [dreg:$0xa]  }
0x49: {  	[dreg:$0x14] =	wrdreg s18;
	s10 =	smul.u32 $0x62000, s10;
	s11 =	sadd.s32 s9, s11  }
0x4a: {  	s13 =	simm.s32 $0x31000;
	_ =	swait.ge [sflag:s12], $0x3800;
	s11 =	sshll.u32 s11, $0xA  }
0x4b: {  	s18 =	simm.s32 $0x400;
	[sflag:s12] =	ssyncset.done $0x0;
	s10 =	sadd.s32 s11, s10  }
0x4c: {  	s15 =	simm.s32 $0x18800;
	[sflag:s12] =	ssyncadd.s32 $0xFFFFC800;
	s10 =	sshrl.u32 s10, $0x3  }
.Ltmp1:
0x4d: {  	[bflag:$0x0] =	sbarrier.arrive $0xFFFF;
	s12 =	sadd.s32 s5, s10;
	(pc) =	sbr.rel .LBB2_5-.Ltmp1, $4  }
0x4e: {  	[tilespmem:s15], [sflag:$0x1] =	stream.strided.gather [hbm4b:s12+s18], $0x800, s13, s18, $0x38;
	[tilespmem:$0x1F000] =	vst v63  }
0x4f: {  	s19 =	simm.s32 $0x19800;
	s10 =	sadd.s32 s6, s10  }
0x50: {  	[tilespmem:s19], [sflag:$0x3] =	stream.strided.gather [hbm4b:s10+s18], $0x800, s13, s18, $0x38;
	[tilespmem:$0x1F000] =	vst v63  }
0x51: {  	s29 =	sor.u32 $0x1, s9;
	s10 =	simm.s32 $0x0  }
.LBB2_11:
0x52: {  	v1 =	vadd.s32 v1, v14;
	v2 =	vadd.s32 v2, v16  }
0x53: {  	v3 =	vadd.s32 v3, v17;
	v12 =	vshra.s32 v12, $0x1F;
	v7 =	vadd.s32 s12, v7  }
0x54: {  	v61 =	vshra.s32 v15, $0x1F;
	v10 =	vadd.s32 s12, v10;
	v7 =	vadd.s32 v12, v7  }
0x55: {  	v62 =	vshra.s32 v13, $0x1F;
	v8 =	vadd.s32 s12, v8;
	v10 =	vadd.s32 v61, v10;
	[tilespmem:s11+$0xFFFFFFC0] =	vst v7  }
0x56: {  	v63 =	vshra.s32 v11, $0x1F;
	v9 =	vadd.s32 s12, v9;
	v8 =	vadd.s32 v62, v8;
	[tilespmem:s11+$0xFFFFFFD0] =	vst v10  }
0x57: {  	v6 =	vadd.s32 s12, v6;
	v1 =	vshra.s32 v1, $0x1F;
	v7 =	vadd.s32 v63, v9;
	[tilespmem:s11+$0xFFFFFFE0] =	vst v8  }
0x58: {  	v5 =	vadd.s32 s12, v5;
	v2 =	vshra.s32 v2, $0x1F;
	v1 =	vadd.s32 v1, v6;
	[tilespmem:s11+$0xFFFFFFF0] =	vst v7  }
0x59: {  	v4 =	vadd.s32 s12, v4;
	v3 =	vshra.s32 v3, $0x1F;
	[tilespmem:s11+$0x0] =	vst v1;
	v1 =	vadd.s32 v2, v5  }
0x5a: {  	[tilespmem:s13+$0x10] =	vst v1;
	v1 =	vadd.s32 v3, v4  }
0x5b: {  	[tilespmem:s13+$0x20] =	vst v1  }
0x5c: {  	_ =	swait.ge [sflag:s26], $0x80  }
0x5d: {  	[sflag:s26] =	ssyncset.done $0x0  }
0x5e: {  	[sflag:s26] =	ssyncadd.s32 $0xFFFFFF80  }
0x5f: {  	_ =	swait.ge [sflag:s26], $0x80  }
0x60: {  	[sflag:s26] =	ssyncset.done $0x0  }
0x61: {  	[sflag:s26] =	ssyncadd.s32 $0xFFFFFF80  }
0x62: {  	_ =	swait.ge [sflag:s26], $0x80  }
0x63: {  	[sflag:s26] =	ssyncset.done $0x0  }
0x64: {  	[sflag:s26] =	ssyncadd.s32 $0xFFFFFF80  }
0x65: {  	_ =	swait.ge [sflag:s26], $0x80  }
0x66: {  	[sflag:s26] =	ssyncset.done $0x0  }
0x67: {  	[sflag:s26] =	ssyncadd.s32 $0xFFFFFF80  }
0x68: {  	_ =	swait.ge [sflag:s26], $0x80  }
0x69: {  	[sflag:s26] =	ssyncset.done $0x0  }
0x6a: {  	[sflag:s26] =	ssyncadd.s32 $0xFFFFFF80  }
0x6b: {  	_ =	swait.ge [sflag:s26], $0x80  }
0x6c: {  	[sflag:s26] =	ssyncset.done $0x0  }
0x6d: {  	[sflag:s26] =	ssyncadd.s32 $0xFFFFFF80  }
0x6e: {  	_ =	swait.ge [sflag:s26], $0x80  }
0x6f: {  	[sflag:s26] =	ssyncset.done $0x0  }
0x70: {  	[sflag:s26] =	ssyncadd.s32 $0xFFFFFF80  }
0x71: {  	_ =	swait.ge [sflag:s26], $0x80  }
0x72: {  	[sflag:s26] =	ssyncset.done $0x0  }
0x73: {  	[sflag:s26] =	ssyncadd.s32 $0xFFFFFF80  }
0x74: {  	_ =	swait.ge [sflag:s26], $0x80  }
0x75: {  	[sflag:s26] =	ssyncset.done $0x0  }
0x76: {  	[sflag:s26] =	ssyncadd.s32 $0xFFFFFF80  }
0x77: {  	_ =	swait.ge [sflag:s26], $0x80  }
0x78: {  	[sflag:s26] =	ssyncset.done $0x0  }
0x79: {  	[sflag:s26] =	ssyncadd.s32 $0xFFFFFF80  }
0x7a: {  	_ =	swait.ge [sflag:s26], $0x80  }
0x7b: {  	[sflag:s26] =	ssyncset.done $0x0  }
0x7c: {  	[sflag:s26] =	ssyncadd.s32 $0xFFFFFF80  }
0x7d: {  	_ =	swait.ge [sflag:s26], $0x80  }
0x7e: {  	[sflag:s26] =	ssyncset.done $0x0  }
0x7f: {  	[sflag:s26] =	ssyncadd.s32 $0xFFFFFF80  }
0x80: {  	_ =	swait.ge [sflag:s26], $0x80  }
0x81: {  	[sflag:s26] =	ssyncset.done $0x0  }
0x82: {  	p0 =	sge.u32 s10, s16;
	[sflag:s26] =	ssyncadd.s32 $0xFFFFFF80  }
0x83: {  	p1 =	sgt.u32 @!p0 s9, $0x60;
	s12 =	simm.s32 @!p0 $0x3FFF9E;
	_ =	swait.ge [sflag:s26], $0x80  }
0x84: {  	p1 =	por !p1, p0;
	s11 =	simm.s32 @!p0 $0x1;
	[sflag:s26] =	ssyncset.done $0x0  }
0x85: {  	s9 =	sadd.s32 @!p0 s9, s29;
	s11 =	simm.s32 @p1 $0x0;
	[sflag:s26] =	ssyncadd.s32 $0xFFFFFF80  }
0x86: {  	s12 =	simm.s32 @p1 $0x0;
	s11 =	sor.u32 @!p0 s11, s0;
	_ =	swait.ge [sflag:s26], $0x80  }
0x87: {  	s9 =	sadd.s32 @!p0 s12, s9;
	s11 =	smul.u32 @!p0 $0x62000, s11;
	[sflag:s26] =	ssyncset.done $0x0  }
0x88: {  	s9 =	sshll.u32 @!p0 s9, $0xA;
	[sflag:s26] =	ssyncadd.s32 $0xFFFFFF80  }
0x89: {  	s15 =	simm.s32 @!p0 $0x18800;
	s9 =	sadd.s32 @!p0 s11, s9;
	_ =	swait.ge [sflag:s26], $0x80  }
0x8a: {  	s12 =	simm.s32 @!p0 $0x400;
	s9 =	sshrl.u32 @!p0 s9, $0x3;
	[sflag:s26] =	ssyncset.done $0x0  }
0x8b: {  	s13 =	simm.s32 @!p0 $0x31000;
	s11 =	sadd.s32 @!p0 s5, s9;
	[sflag:s26] =	ssyncadd.s32 $0xFFFFFF80  }
0x8c: {  	[tilespmem:s15], [sflag:$0x1] =	stream.strided.gather @!p0 [hbm4b:s11+s12], $0x800, s13, s12, $0x38;
	[tilespmem:$0x1F000] =	vst v63  }
0x8d: {  	s9 =	sadd.s32 @!p0 s6, s9;
	s11 =	simm.s32 @!p0 $0x19800  }
0x8e: {  	[tilespmem:s11], [sflag:$0x3] =	stream.strided.gather @!p0 [hbm4b:s9+s12], $0x800, s13, s12, $0x38;
	[tilespmem:$0x1F000] =	vst v63  }
0x8f: {  	s18 =	simm.s32 $0x1B000;
	s19 =	simm.s32 $0x19000  }
0x90: {  	[spmem:s2] =	stream.indirect.scatter.add.f32 [tilespmem:s19], [sflag:$0x6], $0x1, s18, s17, $0xb8;
	[tilespmem:$0x1F000] =	vst v63  }
0x91: {  	s11 =	simm.s32 $0x1B080;
	s12 =	simm.s32 $0x19080  }
0x92: {  	[spmem:s2] =	stream.indirect.scatter.add.f32 [tilespmem:s12], [sflag:$0x6], $0x1, s11, s17, $0xb8;
	[tilespmem:$0x1F000] =	vst v63  }
0x93: {  	s15 =	simm.s32 $0x19100;
	s13 =	simm.s32 $0x1B100  }
0x94: {  	[spmem:s2] =	stream.indirect.scatter.add.f32 [tilespmem:s15], [sflag:$0x6], $0x1, s13, s17, $0xb8;
	[tilespmem:$0x1F000] =	vst v63  }
0x95: {  	s18 =	simm.s32 $0x1B180;
	s19 =	simm.s32 $0x19180  }
0x96: {  	[spmem:s2] =	stream.indirect.scatter.add.f32 [tilespmem:s19], [sflag:$0x6], $0x1, s18, s17, $0xb8;
	[tilespmem:$0x1F000] =	vst v63  }
0x97: {  	s11 =	simm.s32 $0x1B200;
	s12 =	simm.s32 $0x19200  }
0x98: {  	[spmem:s2] =	stream.indirect.scatter.add.f32 [tilespmem:s12], [sflag:$0x6], $0x1, s11, s17, $0xb8;
	[tilespmem:$0x1F000] =	vst v63  }
0x99: {  	s13 =	simm.s32 $0x1B280;
	s15 =	simm.s32 $0x19280  }
0x9a: {  	[spmem:s2] =	stream.indirect.scatter.add.f32 [tilespmem:s15], [sflag:$0x6], $0x1, s13, s17, $0xb8;
	[tilespmem:$0x1F000] =	vst v63  }
0x9b: {  	s18 =	simm.s32 $0x1B300;
	s19 =	simm.s32 $0x19300  }
0x9c: {  	[spmem:s2] =	stream.indirect.scatter.add.f32 [tilespmem:s19], [sflag:$0x6], $0x1, s18, s17, $0xb8;
	[tilespmem:$0x1F000] =	vst v63  }
0x9d: {  	s11 =	simm.s32 $0x1B380;
	s12 =	simm.s32 $0x19380  }
0x9e: {  	[spmem:s2] =	stream.indirect.scatter.add.f32 [tilespmem:s12], [sflag:$0x6], $0x1, s11, s17, $0xb8;
	[tilespmem:$0x1F000] =	vst v63  }
0x9f: {  	s13 =	simm.s32 $0x1B400;
	s15 =	simm.s32 $0x19400  }
0xa0: {  	[spmem:s2] =	stream.indirect.scatter.add.f32 [tilespmem:s15], [sflag:$0x6], $0x1, s13, s17, $0xb8;
	[tilespmem:$0x1F000] =	vst v63  }
0xa1: {  	s18 =	simm.s32 $0x1B480;
	s19 =	simm.s32 $0x19480  }
0xa2: {  	[spmem:s2] =	stream.indirect.scatter.add.f32 [tilespmem:s19], [sflag:$0x6], $0x1, s18, s17, $0xb8;
	[tilespmem:$0x1F000] =	vst v63  }
0xa3: {  	s11 =	simm.s32 $0x1B500;
	s12 =	simm.s32 $0x19500  }
0xa4: {  	[spmem:s2] =	stream.indirect.scatter.add.f32 [tilespmem:s12], [sflag:$0x6], $0x1, s11, s17, $0xb8;
	[tilespmem:$0x1F000] =	vst v63  }
0xa5: {  	s13 =	simm.s32 $0x1B580;
	s15 =	simm.s32 $0x19580  }
0xa6: {  	[spmem:s2] =	stream.indirect.scatter.add.f32 [tilespmem:s15], [sflag:$0x6], $0x1, s13, s17, $0xb8;
	[tilespmem:$0x1F000] =	vst v63  }
0xa7: {  	s18 =	simm.s32 $0x1B600;
	s19 =	simm.s32 $0x19600  }
0xa8: {  	[spmem:s2] =	stream.indirect.scatter.add.f32 [tilespmem:s19], [sflag:$0x6], $0x1, s18, s17, $0xb8;
	[tilespmem:$0x1F000] =	vst v63  }
0xa9: {  	_ = 	snop  }
0xaa: {  	[spmem:s2] =	stream.indirect.scatter.add.f32 [tilespmem:s21], [sflag:$0x6], $0x1, s20, s17, $0xb8;
	[tilespmem:$0x1F000] =	vst v63  }
0xab: {  	_ = 	snop  }
0xac: {  	[spmem:s2] =	stream.indirect.scatter.add.f32 [tilespmem:s24], [sflag:$0x6], $0x1, s22, s17, $0xb8;
	[tilespmem:$0x1F000] =	vst v63  }
0xad: {  	_ = 	snop  }
0xae: {  	[spmem:s2] =	stream.indirect.scatter.add.f32 [tilespmem:s31], [sflag:$0x6], $0x1, s30, s17, $0xb8;
	[tilespmem:$0x1F000] =	vst v63  }
.LBB2_12:
0xaf: {  	s10 =	sadd.s32 $0x1, s10  }
0xb0: {  	p0 =	sne.s32 s10, s7  }
.Ltmp2:
0xb1: {  	_ = 	snop;
	(pc) =	sbr.rel @!p0 .LBB2_13-.Ltmp2, $1  }
0xb2: {  	_ =	sdelay $0x3  }
.LBB2_5:
0xb3: {  	s13 =	sand.u32 $0x1, s10  }
0xb4: {  	p0 =	seq.s32 s13, $0x1  }
.Ltmp3:
0xb5: {  	_ = 	snop;
	(pc) =	sbr.rel @p0 .LBB2_9-.Ltmp3, $2  }
0xb6: {  	_ =	sdelay $0x2  }
0xb7: {  	s9 =	sadd.s32 s8, s10  }
0xb8: {  	_ =	swait.ge [sflag:s14], $0x800  }
0xb9: {  	[sflag:s14] =	ssyncset.done $0x0  }
0xba: {  	[sflag:s14] =	ssyncadd.s32 $0xFFFFF800  }
0xbb: {  	_ =	swait.ge [sflag:s28], $0x800  }
0xbc: {  	[sflag:s28] =	ssyncset.done $0x0  }
0xbd: {  	s11 =	simm.s32 $0x19840;
	[sflag:s28] =	ssyncadd.s32 $0xFFFFF800  }
0xbe: {  	v4 =	vld [tilespmem:s11+$0x30]  }
0xbf: {  	v11 =	vld [tilespmem:s11+$0xFFFFFFD0]  }
0xc0: {  	v13 =	vld [tilespmem:s11+$0xFFFFFFE0]  }
0xc1: {  	v18 =	vld [tilespmem:s11+$0xFFFFFFF0]  }
0xc2: {  	v1 =	vld [tilespmem:s11+$0x0]  }
0xc3: {  	v2 =	vld [tilespmem:s11+$0x10]  }
0xc4: {  	v12 =	vld [tilespmem:s11+$0xFFFFFFC0]  }
0xc5: {  	v3 =	vld [tilespmem:s11+$0x20];
	_ =	sdelay $0x1  }
0xc6: {  	v5 =	vcvt.s32.f32 v4;
	v6 =	vcvt.s32.f32 v11  }
0xc7: {  	v7 =	vcvt.s32.f32 v13;
	v8 =	vcvt.s32.f32 v18  }
0xc8: {  	v9 =	vcvt.s32.f32 v1;
	v10 =	vcvt.s32.f32 v2  }
0xc9: {  	v14 =	vcvt.s32.f32 v12;
	v15 =	vcvt.s32.f32 v3  }
0xca: {  	v5 =	vmul.f32 $5.208333490e-03, v5;
	v6 =	vmul.f32 $5.208333490e-03, v6  }
0xcb: {  	v7 =	vmul.f32 $5.208333490e-03, v7;
	v8 =	vmul.f32 $5.208333490e-03, v8  }
0xcc: {  	v9 =	vmul.f32 $5.208333490e-03, v9;
	v14 =	vmul.f32 $5.208333490e-03, v14  }
0xcd: {  	v10 =	vmul.f32 $5.208333490e-03, v10;
	v5 =	vadd.f32 $5.000000000e-01, v5;
	v6 =	vadd.f32 $5.000000000e-01, v6  }
0xce: {  	v15 =	vmul.f32 $5.208333490e-03, v15;
	v7 =	vadd.f32 $5.000000000e-01, v7;
	v14 =	vadd.f32 $5.000000000e-01, v14  }
0xcf: {  	v8 =	vadd.f32 $5.000000000e-01, v8;
	v5 =	vtrunc.f32 v5;
	v6 =	vtrunc.f32 v6  }
0xd0: {  	v10 =	vadd.f32 $5.000000000e-01, v10;
	v17 =	vtrunc.f32 v7;
	v7 =	vtrunc.f32 v14  }
0xd1: {  	v15 =	vadd.f32 $5.000000000e-01, v15;
	v14 =	vtrunc.f32 v8;
	v5 =	vcvt.f32.s32 v5  }
0xd2: {  	p0 =	sgt.u32 s9, $0x61;
	s12 =	simm.s32 $0xC4000;
	v9 =	vadd.f32 $5.000000000e-01, v9;
	v19 =	vtrunc.f32 v10;
	v7 =	vcvt.f32.s32 v7  }
0xd3: {  	s12 =	simm.s32 @!p0 $0x0;
	v15 =	vtrunc.f32 v15;
	v10 =	vcvt.f32.s32 v6;
	v16 =	vmul.u32 $0xFFFFFF40, v5  }
0xd4: {  	v8 =	vcvt.f32.s32 v17;
	v5 =	vadd.s32 s12, v5;
	v17 =	vmul.u32 $0xFFFFFF40, v7  }
0xd5: {  	v21 =	vmul.u32 $0xFFFFFF40, v10;
	v4 =	vadd.s32 v4, v16;
	v16 =	vtrunc.f32 v9  }
0xd6: {  	v9 =	vcvt.f32.s32 v14;
	v4 =	vshra.s32 v4, $0x1F;
	v6 =	vcvt.f32.s32 v16  }
0xd7: {  	v20 =	vadd.s32 v4, v5;
	v5 =	vcvt.f32.s32 v19;
	v4 =	vcvt.f32.s32 v15  }
0xd8: {  	v12 =	vadd.s32 v12, v17;
	v19 =	vmul.u32 $0xFFFFFF40, v8;
	v22 =	vmul.u32 $0xFFFFFF40, v9  }
0xd9: {  	s11 =	simm.s32 $0x1A840;
	v14 =	vmul.u32 $0xFFFFFF40, v6;
	v16 =	vmul.u32 $0xFFFFFF40, v5;
	v17 =	vmul.u32 $0xFFFFFF40, v4  }
0xda: {  	s18 =	simm.s32 $0x0;
	s19 =	simm.s32 $0x198C0;
	s15 =	simm.s32 $0x1A840;
	v15 =	vadd.s32 v11, v21;
	[tilespmem:s11+$0x30] =	vst v20;
	v13 =	vadd.s32 v13, v19;
	v11 =	vadd.s32 v18, v22  }
.LBB2_7:
0xdb: {  	v18 =	vld [tilespmem:s19+$0x30];
	s18 =	sadd.s32 $0x8, s18;
	v1 =	vadd.s32 v1, v14;
	v2 =	vadd.s32 v2, v16;
	v3 =	vadd.s32 v3, v17  }
0xdc: {  	v12 =	vshra.s32 v12, $0x1F;
	v14 =	vshra.s32 v15, $0x1F;
	v13 =	vshra.s32 v13, $0x1F;
	v19 =	vld [tilespmem:s19+$0xFFFFFFD0];
	p0 =	slt.u32 s18, $0x78  }
0xdd: {  	v11 =	vshra.s32 v11, $0x1F;
	v15 =	vshra.s32 v1, $0x1F;
	v16 =	vshra.s32 v2, $0x1F;
	v20 =	vld [tilespmem:s19+$0xFFFFFFE0]  }
0xde: {  	v7 =	vadd.s32 s12, v7;
	v10 =	vadd.s32 s12, v10;
	v17 =	vshra.s32 v3, $0x1F;
	v21 =	vld [tilespmem:s19+$0xFFFFFFF0]  }
0xdf: {  	v8 =	vadd.s32 s12, v8;
	v9 =	vadd.s32 s12, v9;
	v6 =	vadd.s32 s12, v6;
	v1 =	vld [tilespmem:s19+$0x0]  }
0xe0: {  	v5 =	vadd.s32 s12, v5;
	v4 =	vadd.s32 s12, v4;
	v2 =	vld [tilespmem:s19+$0x10];
	v22 =	vcvt.s32.f32 v18  }
0xe1: {  	v7 =	vadd.s32 v12, v7;
	v10 =	vadd.s32 v14, v10;
	v23 =	vcvt.s32.f32 v19;
	v3 =	vld [tilespmem:s19+$0x20]  }
0xe2: {  	v12 =	vld [tilespmem:s19+$0xFFFFFFC0];
	v14 =	vcvt.s32.f32 v20;
	v22 =	vmul.f32 $5.208333490e-03, v22;
	[tilespmem:s11+$0xFFFFFFC0] =	vst v7;
	v7 =	vadd.s32 v13, v8  }
0xe3: {  	v9 =	vadd.s32 v11, v9;
	v8 =	vmul.f32 $5.208333490e-03, v23;
	v13 =	vcvt.s32.f32 v21;
	[tilespmem:s11+$0xFFFFFFD0] =	vst v10  }
0xe4: {  	v10 =	vmul.f32 $5.208333490e-03, v14;
	v11 =	vcvt.s32.f32 v1;
	v14 =	vadd.f32 $5.000000000e-01, v22;
	[tilespmem:s11+$0xFFFFFFE0] =	vst v7  }
0xe5: {  	v7 =	vadd.f32 $5.000000000e-01, v8;
	v8 =	vmul.f32 $5.208333490e-03, v13;
	v13 =	vcvt.s32.f32 v2;
	[tilespmem:s11+$0xFFFFFFF0] =	vst v9  }
0xe6: {  	v9 =	vadd.f32 $5.000000000e-01, v10;
	v10 =	vcvt.s32.f32 v3;
	v14 =	vtrunc.f32 v14  }
0xe7: {  	v22 =	vcvt.s32.f32 v12;
	v8 =	vadd.f32 $5.000000000e-01, v8;
	v14 =	vcvt.f32.s32 v14  }
0xe8: {  	v6 =	vadd.s32 v15, v6;
	v11 =	vmul.f32 $5.208333490e-03, v11;
	v13 =	vmul.f32 $5.208333490e-03, v13  }
0xe9: {  	v10 =	vmul.f32 $5.208333490e-03, v10;
	v15 =	vmul.f32 $5.208333490e-03, v22;
	v22 =	vmul.u32 $0xFFFFFF40, v14;
	[tilespmem:s11+$0x0] =	vst v6  }
0xea: {  	v6 =	vtrunc.f32 v7;
	v7 =	vadd.f32 $5.000000000e-01, v11;
	v11 =	vadd.f32 $5.000000000e-01, v13  }
0xeb: {  	s12 =	sadd.s32 $0xC400, s12;
	v10 =	vadd.f32 $5.000000000e-01, v10;
	v13 =	vadd.f32 $5.000000000e-01, v15;
	v15 =	vadd.s32 v18, v22  }
0xec: {  	v9 =	vtrunc.f32 v9;
	v14 =	vadd.s32 s12, v14;
	v15 =	vshra.s32 v15, $0x1F  }
0xed: {  	s11 =	sadd.s32 $0x80, s11;
	v18 =	vtrunc.f32 v8;
	v13 =	vtrunc.f32 v13;
	v8 =	vadd.s32 v15, v14  }
0xee: {  	v5 =	vadd.s32 v16, v5;
	v11 =	vtrunc.f32 v11;
	v14 =	vtrunc.f32 v7;
	[tilespmem:s11+$0x30] =	vst v8  }
0xef: {  	v4 =	vadd.s32 v17, v4;
	v7 =	vcvt.f32.s32 v13;
	v13 =	vtrunc.f32 v10;
	[tilespmem:s15+$0x10] =	vst v5  }
0xf0: {  	v10 =	vcvt.f32.s32 v6;
	v8 =	vcvt.f32.s32 v9;
	[tilespmem:s15+$0x20] =	vst v4;
	s15 =	smov.u32 s11  }
.Ltmp4:
0xf1: {  	v9 =	vcvt.f32.s32 v18;
	v6 =	vcvt.f32.s32 v14;
	v15 =	vmul.u32 $0xFFFFFF40, v7;
	(pc) =	sbr.rel @p0 .LBB2_7-.Ltmp4, $4  }
0xf2: {  	v5 =	vcvt.f32.s32 v11;
	v18 =	vmul.u32 $0xFFFFFF40, v10;
	v4 =	vcvt.f32.s32 v13  }
0xf3: {  	v11 =	vmul.u32 $0xFFFFFF40, v8;
	v22 =	vmul.u32 $0xFFFFFF40, v9;
	v14 =	vmul.u32 $0xFFFFFF40, v6  }
0xf4: {  	v16 =	vmul.u32 $0xFFFFFF40, v5;
	v12 =	vadd.s32 v12, v15;
	v17 =	vmul.u32 $0xFFFFFF40, v4  }
0xf5: {  	s19 =	sadd.s32 $0x80, s19;
	v15 =	vadd.s32 v19, v18;
	v13 =	vadd.s32 v20, v11;
	v11 =	vadd.s32 v21, v22  }
0xf6: {  	v1 =	vadd.s32 v1, v14;
	v2 =	vadd.s32 v2, v16  }
0xf7: {  	v3 =	vadd.s32 v3, v17;
	v12 =	vshra.s32 v12, $0x1F;
	v7 =	vadd.s32 s12, v7  }
0xf8: {  	v61 =	vshra.s32 v15, $0x1F;
	v10 =	vadd.s32 s12, v10;
	v7 =	vadd.s32 v12, v7  }
0xf9: {  	v62 =	vshra.s32 v13, $0x1F;
	v8 =	vadd.s32 s12, v8;
	v10 =	vadd.s32 v61, v10;
	[tilespmem:s11+$0xFFFFFFC0] =	vst v7  }
0xfa: {  	v63 =	vshra.s32 v11, $0x1F;
	v9 =	vadd.s32 s12, v9;
	v8 =	vadd.s32 v62, v8;
	[tilespmem:s11+$0xFFFFFFD0] =	vst v10  }
0xfb: {  	v6 =	vadd.s32 s12, v6;
	v1 =	vshra.s32 v1, $0x1F;
	v7 =	vadd.s32 v63, v9;
	[tilespmem:s11+$0xFFFFFFE0] =	vst v8  }
0xfc: {  	v5 =	vadd.s32 s12, v5;
	v2 =	vshra.s32 v2, $0x1F;
	v1 =	vadd.s32 v1, v6;
	[tilespmem:s11+$0xFFFFFFF0] =	vst v7  }
0xfd: {  	v4 =	vadd.s32 s12, v4;
	v3 =	vshra.s32 v3, $0x1F;
	[tilespmem:s11+$0x0] =	vst v1;
	v1 =	vadd.s32 v2, v5  }
0xfe: {  	p0 =	seq.s32 s10, $0x0;
	[tilespmem:s15+$0x10] =	vst v1;
	v1 =	vadd.s32 v3, v4  }
0xff: {  	s11 =	simm.s32 @!p0 $0x6;
	[tilespmem:s15+$0x20] =	vst v1  }
0x100: {  	_ =	swait.ge @!p0 [sflag:s11], $0x80  }
0x101: {  	[sflag:s11] =	ssyncset.done @!p0 $0x0  }
0x102: {  	[sflag:s11] =	ssyncadd.s32 @!p0 $0xFFFFFF80  }
0x103: {  	_ =	swait.ge @!p0 [sflag:s11], $0x80  }
0x104: {  	[sflag:s11] =	ssyncset.done @!p0 $0x0  }
0x105: {  	[sflag:s11] =	ssyncadd.s32 @!p0 $0xFFFFFF80  }
0x106: {  	_ =	swait.ge @!p0 [sflag:s11], $0x80  }
0x107: {  	[sflag:s11] =	ssyncset.done @!p0 $0x0  }
0x108: {  	[sflag:s11] =	ssyncadd.s32 @!p0 $0xFFFFFF80  }
0x109: {  	_ =	swait.ge @!p0 [sflag:s11], $0x80  }
0x10a: {  	[sflag:s11] =	ssyncset.done @!p0 $0x0  }
0x10b: {  	[sflag:s11] =	ssyncadd.s32 @!p0 $0xFFFFFF80  }
0x10c: {  	_ =	swait.ge @!p0 [sflag:s11], $0x80  }
0x10d: {  	[sflag:s11] =	ssyncset.done @!p0 $0x0  }
0x10e: {  	[sflag:s11] =	ssyncadd.s32 @!p0 $0xFFFFFF80  }
0x10f: {  	_ =	swait.ge @!p0 [sflag:s11], $0x80  }
0x110: {  	[sflag:s11] =	ssyncset.done @!p0 $0x0  }
0x111: {  	[sflag:s11] =	ssyncadd.s32 @!p0 $0xFFFFFF80  }
0x112: {  	_ =	swait.ge @!p0 [sflag:s11], $0x80  }
0x113: {  	[sflag:s11] =	ssyncset.done @!p0 $0x0  }
0x114: {  	[sflag:s11] =	ssyncadd.s32 @!p0 $0xFFFFFF80  }
0x115: {  	_ =	swait.ge @!p0 [sflag:s11], $0x80  }
0x116: {  	[sflag:s11] =	ssyncset.done @!p0 $0x0  }
0x117: {  	[sflag:s11] =	ssyncadd.s32 @!p0 $0xFFFFFF80  }
0x118: {  	_ =	swait.ge @!p0 [sflag:s11], $0x80  }
0x119: {  	[sflag:s11] =	ssyncset.done @!p0 $0x0  }
0x11a: {  	[sflag:s11] =	ssyncadd.s32 @!p0 $0xFFFFFF80  }
0x11b: {  	_ =	swait.ge @!p0 [sflag:s11], $0x80  }
0x11c: {  	[sflag:s11] =	ssyncset.done @!p0 $0x0  }
0x11d: {  	[sflag:s11] =	ssyncadd.s32 @!p0 $0xFFFFFF80  }
0x11e: {  	_ =	swait.ge @!p0 [sflag:s11], $0x80  }
0x11f: {  	[sflag:s11] =	ssyncset.done @!p0 $0x0  }
0x120: {  	[sflag:s11] =	ssyncadd.s32 @!p0 $0xFFFFFF80  }
0x121: {  	_ =	swait.ge @!p0 [sflag:s11], $0x80  }
0x122: {  	[sflag:s11] =	ssyncset.done @!p0 $0x0  }
0x123: {  	[sflag:s11] =	ssyncadd.s32 @!p0 $0xFFFFFF80  }
0x124: {  	_ =	swait.ge @!p0 [sflag:s11], $0x80  }
0x125: {  	[sflag:s11] =	ssyncset.done @!p0 $0x0  }
0x126: {  	p1 =	sge.u32 s10, s16;
	[sflag:s11] =	ssyncadd.s32 @!p0 $0xFFFFFF80  }
0x127: {  	p2 =	sgt.u32 @!p1 s9, $0x60;
	s12 =	simm.s32 @!p1 $0x1;
	_ =	swait.ge @!p0 [sflag:s11], $0x80  }
0x128: {  	s18 =	sadd.s32 @!p1 s9, s29;
	p2 =	por !p2, p1;
	[sflag:s11] =	ssyncset.done @!p0 $0x0  }
0x129: {  	s12 =	simm.s32 @p2 $0x0;
	s15 =	simm.s32 @!p1 $0x3FFF9E;
	[sflag:s11] =	ssyncadd.s32 @!p0 $0xFFFFFF80  }
0x12a: {  	s12 =	sor.u32 @!p1 s12, s0;
	s15 =	simm.s32 @p2 $0x0;
	_ =	swait.ge @!p0 [sflag:s11], $0x80  }
0x12b: {  	s12 =	smul.u32 @!p1 $0x62000, s12;
	s15 =	sadd.s32 @!p1 s15, s18;
	[sflag:s11] =	ssyncset.done @!p0 $0x0  }
0x12c: {  	s15 =	sshll.u32 @!p1 s15, $0xA;
	[sflag:s11] =	ssyncadd.s32 @!p0 $0xFFFFFF80  }
0x12d: {  	s19 =	simm.s32 @!p1 $0x19000;
	s12 =	sadd.s32 @!p1 s12, s15;
	_ =	swait.ge @!p0 [sflag:s11], $0x80  }
0x12e: {  	s18 =	simm.s32 @!p1 $0x31000;
	s12 =	sshrl.u32 @!p1 s12, $0x3;
	[sflag:s11] =	ssyncset.done @!p0 $0x0  }
0x12f: {  	s15 =	simm.s32 @!p1 $0x400;
	[sflag:s11] =	ssyncadd.s32 @!p0 $0xFFFFFF80;
	s11 =	sadd.s32 @!p1 s5, s12  }
0x130: {  	[tilespmem:s19], [sflag:$0x2] =	stream.strided.gather @!p1 [hbm4b:s11+s15], $0x800, s18, s15, $0x38;
	[tilespmem:$0x1F000] =	vst v63  }
0x131: {  	s11 =	sadd.s32 @!p1 s6, s12;
	s12 =	simm.s32 @!p1 $0x1A000  }
0x132: {  	[tilespmem:s12], [sflag:$0x4] =	stream.strided.gather @!p1 [hbm4b:s11+s15], $0x800, s18, s15, $0x38;
	[tilespmem:$0x1F000] =	vst v63  }
0x133: {  	s12 =	simm.s32 $0x18800;
	s15 =	simm.s32 $0x1A800  }
0x134: {  	[spmem:s2] =	stream.indirect.scatter.add.f32 [tilespmem:s12], [sflag:$0x5], $0x1, s15, s17, $0xb8;
	[tilespmem:$0x1F000] =	vst v63  }
0x135: {  	s19 =	simm.s32 $0x18880;
	s18 =	simm.s32 $0x1A880  }
0x136: {  	[spmem:s2] =	stream.indirect.scatter.add.f32 [tilespmem:s19], [sflag:$0x5], $0x1, s18, s17, $0xb8;
	[tilespmem:$0x1F000] =	vst v63  }
0x137: {  	s12 =	simm.s32 $0x1A900;
	s15 =	simm.s32 $0x18900  }
0x138: {  	[spmem:s2] =	stream.indirect.scatter.add.f32 [tilespmem:s15], [sflag:$0x5], $0x1, s12, s17, $0xb8;
	[tilespmem:$0x1F000] =	vst v63  }
0x139: {  	s18 =	simm.s32 $0x1A980;
	s19 =	simm.s32 $0x18980  }
0x13a: {  	[spmem:s2] =	stream.indirect.scatter.add.f32 [tilespmem:s19], [sflag:$0x5], $0x1, s18, s17, $0xb8;
	[tilespmem:$0x1F000] =	vst v63  }
0x13b: {  	s12 =	simm.s32 $0x1AA00;
	s15 =	simm.s32 $0x18A00  }
0x13c: {  	[spmem:s2] =	stream.indirect.scatter.add.f32 [tilespmem:s15], [sflag:$0x5], $0x1, s12, s17, $0xb8;
	[tilespmem:$0x1F000] =	vst v63  }
0x13d: {  	s18 =	simm.s32 $0x1AA80;
	s19 =	simm.s32 $0x18A80  }
0x13e: {  	[spmem:s2] =	stream.indirect.scatter.add.f32 [tilespmem:s19], [sflag:$0x5], $0x1, s18, s17, $0xb8;
	[tilespmem:$0x1F000] =	vst v63  }
0x13f: {  	s12 =	simm.s32 $0x1AB00;
	s15 =	simm.s32 $0x18B00  }
0x140: {  	[spmem:s2] =	stream.indirect.scatter.add.f32 [tilespmem:s15], [sflag:$0x5], $0x1, s12, s17, $0xb8;
	[tilespmem:$0x1F000] =	vst v63  }
0x141: {  	s18 =	simm.s32 $0x1AB80;
	s19 =	simm.s32 $0x18B80  }
0x142: {  	[spmem:s2] =	stream.indirect.scatter.add.f32 [tilespmem:s19], [sflag:$0x5], $0x1, s18, s17, $0xb8;
	[tilespmem:$0x1F000] =	vst v63  }
0x143: {  	s12 =	simm.s32 $0x1AC00;
	s15 =	simm.s32 $0x18C00  }
0x144: {  	[spmem:s2] =	stream.indirect.scatter.add.f32 [tilespmem:s15], [sflag:$0x5], $0x1, s12, s17, $0xb8;
	[tilespmem:$0x1F000] =	vst v63  }
0x145: {  	s18 =	simm.s32 $0x1AC80;
	s19 =	simm.s32 $0x18C80  }
0x146: {  	[spmem:s2] =	stream.indirect.scatter.add.f32 [tilespmem:s19], [sflag:$0x5], $0x1, s18, s17, $0xb8;
	[tilespmem:$0x1F000] =	vst v63  }
0x147: {  	s12 =	simm.s32 $0x1AD00;
	s15 =	simm.s32 $0x18D00  }
0x148: {  	[spmem:s2] =	stream.indirect.scatter.add.f32 [tilespmem:s15], [sflag:$0x5], $0x1, s12, s17, $0xb8;
	[tilespmem:$0x1F000] =	vst v63  }
0x149: {  	s18 =	simm.s32 $0x1AD80;
	s19 =	simm.s32 $0x18D80  }
0x14a: {  	[spmem:s2] =	stream.indirect.scatter.add.f32 [tilespmem:s19], [sflag:$0x5], $0x1, s18, s17, $0xb8;
	[tilespmem:$0x1F000] =	vst v63  }
0x14b: {  	s12 =	simm.s32 $0x1AE00;
	s15 =	simm.s32 $0x18E00  }
0x14c: {  	[spmem:s2] =	stream.indirect.scatter.add.f32 [tilespmem:s15], [sflag:$0x5], $0x1, s12, s17, $0xb8;
	[tilespmem:$0x1F000] =	vst v63  }
0x14d: {  	p0 =	seq.s32 s13, $0x0;
	s18 =	simm.s32 $0x1AE80;
	s19 =	simm.s32 $0x18E80  }
0x14e: {  	[spmem:s2] =	stream.indirect.scatter.add.f32 [tilespmem:s19], [sflag:$0x5], $0x1, s18, s17, $0xb8;
	[tilespmem:$0x1F000] =	vst v63  }
.Ltmp5:
0x14f: {  	_ = 	snop;
	(pc) =	sbr.rel @p0 .LBB2_12-.Ltmp5, $4  }
0x150: {  	s12 =	simm.s32 $0x1AF00;
	s15 =	simm.s32 $0x18F00  }
0x151: {  	[spmem:s2] =	stream.indirect.scatter.add.f32 [tilespmem:s15], [sflag:$0x5], $0x1, s12, s17, $0xb8;
	[tilespmem:$0x1F000] =	vst v63  }
0x152: {  	s18 =	simm.s32 $0x1AF80;
	s19 =	simm.s32 $0x18F80  }
0x153: {  	[spmem:s2] =	stream.indirect.scatter.add.f32 [tilespmem:s19], [sflag:$0x5], $0x1, s18, s17, $0xb8;
	[tilespmem:$0x1F000] =	vst v63  }
.LBB2_9:
0x154: {  	_ =	swait.ge [sflag:s4], $0x800  }
0x155: {  	[sflag:s4] =	ssyncset.done $0x0  }
0x156: {  	[sflag:s4] =	ssyncadd.s32 $0xFFFFF800  }
0x157: {  	_ =	swait.ge [sflag:s3], $0x800  }
0x158: {  	[sflag:s3] =	ssyncset.done $0x0  }
0x159: {  	s11 =	simm.s32 $0x1A040;
	[sflag:s3] =	ssyncadd.s32 $0xFFFFF800  }
0x15a: {  	v4 =	vld [tilespmem:s11+$0x30]  }
0x15b: {  	v11 =	vld [tilespmem:s11+$0xFFFFFFD0]  }
0x15c: {  	v13 =	vld [tilespmem:s11+$0xFFFFFFE0]  }
0x15d: {  	v18 =	vld [tilespmem:s11+$0xFFFFFFF0]  }
0x15e: {  	v1 =	vld [tilespmem:s11+$0x0]  }
0x15f: {  	v2 =	vld [tilespmem:s11+$0x10]  }
0x160: {  	v12 =	vld [tilespmem:s11+$0xFFFFFFC0]  }
0x161: {  	v3 =	vld [tilespmem:s11+$0x20];
	_ =	sdelay $0x1  }
0x162: {  	v5 =	vcvt.s32.f32 v4;
	v6 =	vcvt.s32.f32 v11  }
0x163: {  	v7 =	vcvt.s32.f32 v13;
	v8 =	vcvt.s32.f32 v18  }
0x164: {  	v9 =	vcvt.s32.f32 v1;
	v10 =	vcvt.s32.f32 v2  }
0x165: {  	v14 =	vcvt.s32.f32 v12;
	v15 =	vcvt.s32.f32 v3  }
0x166: {  	v5 =	vmul.f32 $5.208333490e-03, v5;
	v6 =	vmul.f32 $5.208333490e-03, v6  }
0x167: {  	v7 =	vmul.f32 $5.208333490e-03, v7;
	v8 =	vmul.f32 $5.208333490e-03, v8  }
0x168: {  	v9 =	vmul.f32 $5.208333490e-03, v9;
	v14 =	vmul.f32 $5.208333490e-03, v14  }
0x169: {  	v10 =	vmul.f32 $5.208333490e-03, v10;
	v5 =	vadd.f32 $5.000000000e-01, v5;
	v6 =	vadd.f32 $5.000000000e-01, v6  }
0x16a: {  	v15 =	vmul.f32 $5.208333490e-03, v15;
	v7 =	vadd.f32 $5.000000000e-01, v7;
	v14 =	vadd.f32 $5.000000000e-01, v14  }
0x16b: {  	v8 =	vadd.f32 $5.000000000e-01, v8;
	v5 =	vtrunc.f32 v5;
	v6 =	vtrunc.f32 v6  }
0x16c: {  	v10 =	vadd.f32 $5.000000000e-01, v10;
	v17 =	vtrunc.f32 v7;
	v7 =	vtrunc.f32 v14  }
0x16d: {  	v15 =	vadd.f32 $5.000000000e-01, v15;
	v14 =	vtrunc.f32 v8;
	v5 =	vcvt.f32.s32 v5  }
0x16e: {  	p0 =	sgt.u32 s9, $0x61;
	s12 =	simm.s32 $0xC4000;
	v9 =	vadd.f32 $5.000000000e-01, v9;
	v19 =	vtrunc.f32 v10;
	v7 =	vcvt.f32.s32 v7  }
0x16f: {  	s12 =	simm.s32 @!p0 $0x0;
	v15 =	vtrunc.f32 v15;
	v10 =	vcvt.f32.s32 v6;
	v16 =	vmul.u32 $0xFFFFFF40, v5  }
0x170: {  	v8 =	vcvt.f32.s32 v17;
	v5 =	vadd.s32 s12, v5;
	v17 =	vmul.u32 $0xFFFFFF40, v7  }
0x171: {  	v21 =	vmul.u32 $0xFFFFFF40, v10;
	v4 =	vadd.s32 v4, v16;
	v16 =	vtrunc.f32 v9  }
0x172: {  	v9 =	vcvt.f32.s32 v14;
	v4 =	vshra.s32 v4, $0x1F;
	v6 =	vcvt.f32.s32 v16  }
0x173: {  	v20 =	vadd.s32 v4, v5;
	v5 =	vcvt.f32.s32 v19;
	v4 =	vcvt.f32.s32 v15  }
0x174: {  	v12 =	vadd.s32 v12, v17;
	v19 =	vmul.u32 $0xFFFFFF40, v8;
	v22 =	vmul.u32 $0xFFFFFF40, v9  }
0x175: {  	s11 =	simm.s32 $0x1B040;
	v14 =	vmul.u32 $0xFFFFFF40, v6;
	v16 =	vmul.u32 $0xFFFFFF40, v5;
	v17 =	vmul.u32 $0xFFFFFF40, v4  }
0x176: {  	s15 =	simm.s32 $0x0;
	s18 =	simm.s32 $0x1A0C0;
	s13 =	simm.s32 $0x1B040;
	v15 =	vadd.s32 v11, v21;
	[tilespmem:s11+$0x30] =	vst v20;
	v13 =	vadd.s32 v13, v19;
	v11 =	vadd.s32 v18, v22  }
.LBB2_10:
0x177: {  	v18 =	vld [tilespmem:s18+$0x30];
	s15 =	sadd.s32 $0x8, s15;
	v1 =	vadd.s32 v1, v14;
	v2 =	vadd.s32 v2, v16;
	v3 =	vadd.s32 v3, v17  }
0x178: {  	v12 =	vshra.s32 v12, $0x1F;
	v14 =	vshra.s32 v15, $0x1F;
	v13 =	vshra.s32 v13, $0x1F;
	v19 =	vld [tilespmem:s18+$0xFFFFFFD0];
	p0 =	slt.u32 s15, $0x78  }
0x179: {  	v11 =	vshra.s32 v11, $0x1F;
	v15 =	vshra.s32 v1, $0x1F;
	v16 =	vshra.s32 v2, $0x1F;
	v20 =	vld [tilespmem:s18+$0xFFFFFFE0]  }
0x17a: {  	v7 =	vadd.s32 s12, v7;
	v10 =	vadd.s32 s12, v10;
	v17 =	vshra.s32 v3, $0x1F;
	v21 =	vld [tilespmem:s18+$0xFFFFFFF0]  }
0x17b: {  	v8 =	vadd.s32 s12, v8;
	v9 =	vadd.s32 s12, v9;
	v6 =	vadd.s32 s12, v6;
	v1 =	vld [tilespmem:s18+$0x0]  }
0x17c: {  	v5 =	vadd.s32 s12, v5;
	v4 =	vadd.s32 s12, v4;
	v2 =	vld [tilespmem:s18+$0x10];
	v22 =	vcvt.s32.f32 v18  }
0x17d: {  	v7 =	vadd.s32 v12, v7;
	v10 =	vadd.s32 v14, v10;
	v23 =	vcvt.s32.f32 v19;
	v3 =	vld [tilespmem:s18+$0x20]  }
0x17e: {  	v12 =	vld [tilespmem:s18+$0xFFFFFFC0];
	v14 =	vcvt.s32.f32 v20;
	v22 =	vmul.f32 $5.208333490e-03, v22;
	[tilespmem:s11+$0xFFFFFFC0] =	vst v7;
	v7 =	vadd.s32 v13, v8  }
0x17f: {  	v9 =	vadd.s32 v11, v9;
	v8 =	vmul.f32 $5.208333490e-03, v23;
	v13 =	vcvt.s32.f32 v21;
	[tilespmem:s11+$0xFFFFFFD0] =	vst v10  }
0x180: {  	v10 =	vmul.f32 $5.208333490e-03, v14;
	v11 =	vcvt.s32.f32 v1;
	v14 =	vadd.f32 $5.000000000e-01, v22;
	[tilespmem:s11+$0xFFFFFFE0] =	vst v7  }
0x181: {  	v7 =	vadd.f32 $5.000000000e-01, v8;
	v8 =	vmul.f32 $5.208333490e-03, v13;
	v13 =	vcvt.s32.f32 v2;
	[tilespmem:s11+$0xFFFFFFF0] =	vst v9  }
0x182: {  	v9 =	vadd.f32 $5.000000000e-01, v10;
	v10 =	vcvt.s32.f32 v3;
	v14 =	vtrunc.f32 v14  }
0x183: {  	v22 =	vcvt.s32.f32 v12;
	v8 =	vadd.f32 $5.000000000e-01, v8;
	v14 =	vcvt.f32.s32 v14  }
0x184: {  	v6 =	vadd.s32 v15, v6;
	v11 =	vmul.f32 $5.208333490e-03, v11;
	v13 =	vmul.f32 $5.208333490e-03, v13  }
0x185: {  	v10 =	vmul.f32 $5.208333490e-03, v10;
	v15 =	vmul.f32 $5.208333490e-03, v22;
	v22 =	vmul.u32 $0xFFFFFF40, v14;
	[tilespmem:s11+$0x0] =	vst v6  }
0x186: {  	v6 =	vtrunc.f32 v7;
	v7 =	vadd.f32 $5.000000000e-01, v11;
	v11 =	vadd.f32 $5.000000000e-01, v13  }
0x187: {  	s12 =	sadd.s32 $0xC400, s12;
	v10 =	vadd.f32 $5.000000000e-01, v10;
	v13 =	vadd.f32 $5.000000000e-01, v15;
	v15 =	vadd.s32 v18, v22  }
0x188: {  	v9 =	vtrunc.f32 v9;
	v14 =	vadd.s32 s12, v14;
	v15 =	vshra.s32 v15, $0x1F  }
0x189: {  	s11 =	sadd.s32 $0x80, s11;
	v18 =	vtrunc.f32 v8;
	v13 =	vtrunc.f32 v13;
	v8 =	vadd.s32 v15, v14  }
0x18a: {  	v5 =	vadd.s32 v16, v5;
	v11 =	vtrunc.f32 v11;
	v14 =	vtrunc.f32 v7;
	[tilespmem:s11+$0x30] =	vst v8  }
0x18b: {  	v4 =	vadd.s32 v17, v4;
	v7 =	vcvt.f32.s32 v13;
	v13 =	vtrunc.f32 v10;
	[tilespmem:s13+$0x10] =	vst v5  }
0x18c: {  	v10 =	vcvt.f32.s32 v6;
	v8 =	vcvt.f32.s32 v9;
	[tilespmem:s13+$0x20] =	vst v4;
	s13 =	smov.u32 s11  }
.Ltmp6:
0x18d: {  	v9 =	vcvt.f32.s32 v18;
	v6 =	vcvt.f32.s32 v14;
	v15 =	vmul.u32 $0xFFFFFF40, v7;
	(pc) =	sbr.rel @p0 .LBB2_10-.Ltmp6, $4  }
0x18e: {  	v5 =	vcvt.f32.s32 v11;
	v18 =	vmul.u32 $0xFFFFFF40, v10;
	v4 =	vcvt.f32.s32 v13  }
0x18f: {  	v11 =	vmul.u32 $0xFFFFFF40, v8;
	v22 =	vmul.u32 $0xFFFFFF40, v9;
	v14 =	vmul.u32 $0xFFFFFF40, v6  }
0x190: {  	v16 =	vmul.u32 $0xFFFFFF40, v5;
	v12 =	vadd.s32 v12, v15;
	v17 =	vmul.u32 $0xFFFFFF40, v4  }
0x191: {  	s18 =	sadd.s32 $0x80, s18;
	v15 =	vadd.s32 v19, v18;
	v13 =	vadd.s32 v20, v11;
	v11 =	vadd.s32 v21, v22  }
.Ltmp7:
0x192: {  	_ = 	snop;
	(pc) =	sbr.rel .LBB2_11-.Ltmp7, $1  }
0x193: {  	_ =	sdelay $0x3  }
.LBB2_13:
0x194: {  	_ =	swait.ge [sflag:s23], $0x80  }
0x195: {  	[sflag:s23] =	ssyncset.done $0x0  }
0x196: {  	[sflag:s23] =	ssyncadd.s32 $0xFFFFFF80  }
0x197: {  	_ =	swait.ge [sflag:s23], $0x80  }
0x198: {  	[sflag:s23] =	ssyncset.done $0x0  }
0x199: {  	[sflag:s23] =	ssyncadd.s32 $0xFFFFFF80  }
0x19a: {  	_ =	swait.ge [sflag:s23], $0x80  }
0x19b: {  	[sflag:s23] =	ssyncset.done $0x0  }
0x19c: {  	[sflag:s23] =	ssyncadd.s32 $0xFFFFFF80  }
0x19d: {  	_ =	swait.ge [sflag:s23], $0x80  }
0x19e: {  	[sflag:s23] =	ssyncset.done $0x0  }
0x19f: {  	[sflag:s23] =	ssyncadd.s32 $0xFFFFFF80  }
0x1a0: {  	_ =	swait.ge [sflag:s23], $0x80  }
0x1a1: {  	[sflag:s23] =	ssyncset.done $0x0  }
0x1a2: {  	[sflag:s23] =	ssyncadd.s32 $0xFFFFFF80  }
0x1a3: {  	_ =	swait.ge [sflag:s23], $0x80  }
0x1a4: {  	[sflag:s23] =	ssyncset.done $0x0  }
0x1a5: {  	[sflag:s23] =	ssyncadd.s32 $0xFFFFFF80  }
0x1a6: {  	_ =	swait.ge [sflag:s23], $0x80  }
0x1a7: {  	[sflag:s23] =	ssyncset.done $0x0  }
0x1a8: {  	[sflag:s23] =	ssyncadd.s32 $0xFFFFFF80  }
0x1a9: {  	_ =	swait.ge [sflag:s23], $0x80  }
0x1aa: {  	[sflag:s23] =	ssyncset.done $0x0  }
0x1ab: {  	[sflag:s23] =	ssyncadd.s32 $0xFFFFFF80  }
0x1ac: {  	_ =	swait.ge [sflag:s23], $0x80  }
0x1ad: {  	[sflag:s23] =	ssyncset.done $0x0  }
0x1ae: {  	[sflag:s23] =	ssyncadd.s32 $0xFFFFFF80  }
0x1af: {  	_ =	swait.ge [sflag:s23], $0x80  }
0x1b0: {  	[sflag:s23] =	ssyncset.done $0x0  }
0x1b1: {  	[sflag:s23] =	ssyncadd.s32 $0xFFFFFF80  }
0x1b2: {  	_ =	swait.ge [sflag:s23], $0x80  }
0x1b3: {  	[sflag:s23] =	ssyncset.done $0x0  }
0x1b4: {  	[sflag:s23] =	ssyncadd.s32 $0xFFFFFF80  }
0x1b5: {  	_ =	swait.ge [sflag:s23], $0x80  }
0x1b6: {  	[sflag:s23] =	ssyncset.done $0x0  }
0x1b7: {  	[sflag:s23] =	ssyncadd.s32 $0xFFFFFF80  }
0x1b8: {  	_ =	swait.ge [sflag:s23], $0x80  }
0x1b9: {  	[sflag:s23] =	ssyncset.done $0x0  }
0x1ba: {  	[sflag:s23] =	ssyncadd.s32 $0xFFFFFF80  }
0x1bb: {  	_ =	swait.ge [sflag:s23], $0x80  }
0x1bc: {  	[sflag:s23] =	ssyncset.done $0x0  }
0x1bd: {  	[sflag:s23] =	ssyncadd.s32 $0xFFFFFF80  }
0x1be: {  	_ =	swait.ge [sflag:s23], $0x80  }
0x1bf: {  	[sflag:s23] =	ssyncset.done $0x0  }
0x1c0: {  	[sflag:s23] =	ssyncadd.s32 $0xFFFFFF80  }
0x1c1: {  	_ =	swait.ge [sflag:s23], $0x80  }
0x1c2: {  	s19 =	simm.s32 $0x0;
	s29 =	stileid.u32;
	s9 =	rddreg [dreg:$0x14]  }
0x1c3: {  	s11 =	simm.s32 $0x1;
	s10 =	rddreg [dreg:$0x5];
	s9 =	smul.u32 $0xC400, s9  }
0x1c4: {  	s12 =	smul.u32 $0xC4000, s19;
	s18 =	rddreg [dreg:$0x6];
	s0 =	sor.u32 s10, s0  }
0x1c5: {  	[sflag:s23] =	ssyncset.done $0x0;
	s0 =	smul.u32 $0x188000, s0;
	s9 =	sadd.s32 s18, s9  }
0x1c6: {  	[sflag:s23] =	ssyncadd.s32 $0xFFFFFF80;
	s10 =	simm.s32 $0x0;
	s9 =	sshll.u32 s9, $0x3  }
0x1c7: {  	[bflag:$0x0] =	sbarrier.arrive $0xFFFF;
	s15 =	sand.u32 $0x380, s10;
	s0 =	sadd.s32 s0, s9  }
0x1c8: {  	s9 =	sshll.u32 s29, $0x6;
	s13 =	sadd.s32 s12, s0;
	s12 =	rddreg [dreg:$0x12]  }
.LBB2_14:
0x1c9: {  	s18 =	sshrl.u32 s11, $0x3;
	s13 =	sor.u32 s15, s13  }
0x1ca: {  	s15 =	sshrl.u32 s12, $0x3;
	p0 =	sne.s32 s11, $0xF;
	s18 =	smul.u32 $0xC4000, s18  }
.Ltmp8:
0x1cb: {  	s19 =	sor.u32 $0x1C01, s9;
	s13 =	sshrl.u32 s13, $0x3;
	(pc) =	sbr.rel @p0 .LBB2_14-.Ltmp8, $4  }
0x1cc: {  	s11 =	sadd.s32 $0x1, s11;
	s13 =	sadd.s32 s1, s13  }
0x1cd: {  	[hbm:s13@s17], [sflag:s19] =	dma.strided [spmem:s15@s25], $0x310, s14, $0x10   }
0x1ce: {  	s10 =	sadd.s32 $0x80, s10;
	s12 =	sadd.s32 $0xC400, s12  }
0x1cf: {  	s13 =	sadd.s32 s18, s0;
	s15 =	sand.u32 $0x380, s10  }
0x1d0: {  	s0 =	sor.u32 s15, s13  }
0x1d1: {  	s0 =	sshrl.u32 s0, $0x3  }
0x1d2: {  	s10 =	sshrl.u32 s12, $0x3;
	s9 =	sor.u32 $0x1C01, s9;
	s0 =	sadd.s32 s1, s0  }
0x1d3: {  	[hbm:s0@s17], [sflag:s9] =	dma.strided [spmem:s10@s25], $0x310, s14, $0x10   }
0x1d4: {  	_ =	swait.ge [sflag:s14], $0x310  }
0x1d5: {  	[sflag:s14] =	ssyncset.done $0x0  }
0x1d6: {  	[sflag:s14] =	ssyncadd.s32 $0xFFFFFCF0  }
0x1d7: {  	_ =	swait.ge [sflag:s14], $0x310  }
0x1d8: {  	[sflag:s14] =	ssyncset.done $0x0  }
0x1d9: {  	[sflag:s14] =	ssyncadd.s32 $0xFFFFFCF0  }
0x1da: {  	_ =	swait.ge [sflag:s14], $0x310  }
0x1db: {  	[sflag:s14] =	ssyncset.done $0x0  }
0x1dc: {  	[sflag:s14] =	ssyncadd.s32 $0xFFFFFCF0  }
0x1dd: {  	_ =	swait.ge [sflag:s14], $0x310  }
0x1de: {  	[sflag:s14] =	ssyncset.done $0x0  }
0x1df: {  	[sflag:s14] =	ssyncadd.s32 $0xFFFFFCF0  }
0x1e0: {  	_ =	swait.ge [sflag:s14], $0x310  }
0x1e1: {  	[sflag:s14] =	ssyncset.done $0x0  }
0x1e2: {  	[sflag:s14] =	ssyncadd.s32 $0xFFFFFCF0  }
0x1e3: {  	_ =	swait.ge [sflag:s14], $0x310  }
0x1e4: {  	[sflag:s14] =	ssyncset.done $0x0  }
0x1e5: {  	[sflag:s14] =	ssyncadd.s32 $0xFFFFFCF0  }
0x1e6: {  	_ =	swait.ge [sflag:s14], $0x310  }
0x1e7: {  	[sflag:s14] =	ssyncset.done $0x0  }
0x1e8: {  	[sflag:s14] =	ssyncadd.s32 $0xFFFFFCF0  }
0x1e9: {  	_ =	swait.ge [sflag:s14], $0x310  }
0x1ea: {  	[sflag:s14] =	ssyncset.done $0x0  }
0x1eb: {  	[sflag:s14] =	ssyncadd.s32 $0xFFFFFCF0  }
0x1ec: {  	_ =	swait.ge [sflag:s14], $0x310  }
0x1ed: {  	[sflag:s14] =	ssyncset.done $0x0  }
0x1ee: {  	[sflag:s14] =	ssyncadd.s32 $0xFFFFFCF0  }
0x1ef: {  	_ =	swait.ge [sflag:s14], $0x310  }
0x1f0: {  	[sflag:s14] =	ssyncset.done $0x0  }
0x1f1: {  	[sflag:s14] =	ssyncadd.s32 $0xFFFFFCF0  }
0x1f2: {  	_ =	swait.ge [sflag:s14], $0x310  }
0x1f3: {  	[sflag:s14] =	ssyncset.done $0x0  }
0x1f4: {  	[sflag:s14] =	ssyncadd.s32 $0xFFFFFCF0  }
0x1f5: {  	_ =	swait.ge [sflag:s14], $0x310  }
0x1f6: {  	[sflag:s14] =	ssyncset.done $0x0  }
0x1f7: {  	[sflag:s14] =	ssyncadd.s32 $0xFFFFFCF0  }
0x1f8: {  	_ =	swait.ge [sflag:s14], $0x310  }
0x1f9: {  	[sflag:s14] =	ssyncset.done $0x0  }
0x1fa: {  	[sflag:s14] =	ssyncadd.s32 $0xFFFFFCF0  }
0x1fb: {  	_ =	swait.ge [sflag:s14], $0x310  }
0x1fc: {  	[sflag:s14] =	ssyncset.done $0x0  }
0x1fd: {  	[sflag:s14] =	ssyncadd.s32 $0xFFFFFCF0  }
0x1fe: {  	_ =	swait.ge [sflag:s14], $0x310  }
0x1ff: {  	[sflag:s14] =	ssyncset.done $0x0  }
0x200: {  	[sflag:s14] =	ssyncadd.s32 $0xFFFFFCF0  }
0x201: {  	_ =	swait.ge [sflag:s14], $0x310  }
0x202: {  	s29 =	rddreg [dreg:$0x13]  }
0x203: {  	s10 =	sadd.s32 $0x1, s29  }
0x204: {  	p0 =	sne.s32 s10, $0x6  }
.Ltmp9:
0x205: {  	_ = 	snop;
	(pc) =	sbr.rel @p0 .LBB2_4-.Ltmp9, $3  }
0x206: {  	_ =	sdelay $0x1  }
0x207: {  	[sflag:s14] =	ssyncset.done $0x0  }
0x208: {  	[sflag:s14] =	ssyncadd.s32 $0xFFFFFCF0  }
0x209: {  	s11 =	rddreg [dreg:$0x4]  }
0x20a: {  	s0 =	rddreg [dreg:$0xb];
	s11 =	sadd.s32 $0x1, s11  }
0x20b: {  	p0 =	sne.s32 s11, s0  }
.Ltmp10:
0x20c: {  	_ = 	snop;
	(pc) =	sbr.rel @p0 .LBB2_1-.Ltmp10, $1  }
0x20d: {  	_ =	sdelay $0x3  }
0x20e: {  	_ =	sfence.sel $0x180000  }
0x20f: {  	[bflag:$0x0] =	sbarrier.arrive $0xFFFF  }
0x210: {  	_ =	strace $0x9000004A  }
0x211: {  	s0 =	stileid.u32;
	[bflag:$0x2] =	sbarrier.arrive $0xFFFF  }
0x212: {  	p0 =	sne.s32 s0, $0x0;
	s0 =	rddreg [dreg:$0x3]  }
0x213: {  	s0 =	sadd.s32 @!p0 $0x100000, s0  }
0x214: {  	[sflag:s0] =	ssyncadd.tile.s32 @!p0 $0x1;
	_ =	shalt  }
.Lfunc_end2:
_tile_overlayer_lowered:
.L_overlay_start_2:
0x215: {  	(tag) =	ssettag $0x2  }
0x216: {  	s0 =	rddreg [dreg:$0x0];
	s2 =	stileid.u32  }
0x217: {  	s1 =	rddreg [dreg:$0x1];
	p0 =	sne.s32 s2, $0x0  }
0x218: {  	s3 =	rddreg [dreg:$0x2];
	[bflag:$0x3] =	sbarrier.arrive $0xFFFF;
	s2 =	simm.s32 @!p0 $0x1C07  }
0x219: {  	[timem:s3], [sflag:s2] =	dma.local @!p0 [hbm:s0], s1  }
0x21a: {  	s0 =	simm.s32 @!p0 $0x7  }
0x21b: {  	_ =	swait.ge @!p0 [sflag:s0], s1  }
0x21c: {  	s1 =	ssub.s32 @!p0 $0x0, s1;
	[sflag:s0] =	ssyncset.done @!p0 $0x0  }
0x21d: {  	[sflag:s0] =	ssyncadd.s32 @!p0 s1  }
0x21e: {  	[bflag:$0x3] =	sbarrier.arrive $0xFFFF  }
0x21f: {  	_ =	shalt  }

// kernel: _unpool.8.cloned.1.call-start
scs
__scs_entry_jumppad:
0x0: {  	(pc) =	sbr.rel $0x88, $3  }
0x1: {  	(tag) =	ssettag $0x0;
	lr =	simm.s32 $0x1  }
0x2: {  	[smem:$0x3F9F] =	sst lr;
	_ =	strace $0xD0000000  }
0x3: {  	_ = 	snop  }
0x4: {  	_ = 	snop  }
0x5: {  	_ = 	snop  }
0x6: {  	_ = 	snop  }
0x7: {  	_ = 	snop  }
__scs_overlays_trampoline_lowered:
0x8: {  	[smem:$0x3FAE] =	sst s0  }
0x9: {  	[smem:$0x3FAF] =	sst s1  }
0xa: {  	[smem:$0x3FB0] =	sst s2  }
0xb: {  	[smem:$0x3FB1] =	sst s3  }
0xc: {  	[smem:$0x3FB2] =	sst s4  }
0xd: {  	[smem:$0x3FB3] =	sst s5  }
0xe: {  	[smem:$0x3FB4] =	sst s6  }
0xf: {  	[smem:$0x3FB5] =	sst s7  }
0x10: {  	[smem:$0x3FB6] =	sst s8  }
0x11: {  	[smem:$0x3FB7] =	sst s9;
	s0 =	simm.s32 @!p0 $0x0  }
0x12: {  	s1 =	sld [smem:$0x3F9D];
	s0 =	simm.s32 @p0 $0x1  }
0x13: {  	[smem:$0x3FB8] =	sst s0;
	s0 =	simm.s32 @!p1 $0x0  }
0x14: {  	s2 =	sld [smem:$0x3F9C];
	s0 =	simm.s32 @p1 $0x1  }
0x15: {  	[smem:$0x3FB9] =	sst s0;
	s0 =	simm.s32 @!p2 $0x0  }
0x16: {  	s3 =	sld [smem:$0x3FDB];
	s0 =	simm.s32 @p2 $0x1  }
0x17: {  	s4 =	simm.s32 $0x1BF5;
	[smem:$0x3FBB] =	sst s0  }
0x18: {  	s0 =	sld [smem:$0x3F9E];
	_ =	swait.ge [sflag:s4], $0x0  }
0x19: {  	s7 =	sld [smem:$0x3F9F]  }
0x1a: {  	s8 =	sadd.s32 $0xFFFFE003, lr  }
0x1b: {  	s9 =	sadd.s32 $0xFFFFFEF7, lr;
	s5 =	simm.s32 $0xFFFFFFFF;
	p2 =	slt.u32 s8, $0xFFFFF086  }
0x1c: {  	p1 =	slt.u32 s9, $0xF7A;
	s5 =	simm.s32 @!p2 $0x0  }
0x1d: {  	s5 =	simm.s32 @p1 $0x1;
	p0 =	seq.s32 s7, s2  }
0x1e: {  	s7 =	smul.u32 @!p0 $0xF7A, s2;
	p2 =	seq.s32 @!p0 s5, $0x0  }
0x1f: {  	s9 =	smul.u32 $0xF7A, s1;
	s8 =	simm.s32 @!p0 $0x1BF5;
	p2 =	por !p2, p0  }
0x20: {  	[sflag:s8] =	ssyncset.s32 @!p0 $0xFFFFF086;
	s6 =	sadd.s32 @!p0 s3, s7;
	s7 =	simm.s32 @!p0 $0x108  }
0x21: {  	s3 =	sadd.s32 s3, s9;
	s6 =	sadd.s32 @!p0 $0x88, s6;
	s7 =	simm.s32 @p2 $0x1082  }
0x22: {  	[simem:s7], [sflag:s8] =	dma.local @!p0 [hbm:s6], $0xF7A  }
0x23: {  	s9 =	sor.u32 $0xD0000000, s2;
	s6 =	simm.s32 $0x108;
	_ =	swait.ge @!p0 [sflag:s8], $0x0  }
0x24: {  	s3 =	sadd.s32 $0x88, s3;
	s6 =	simm.s32 @!p1 $0x1082;
	[sflag:s4] =	ssyncset.s32 $0xFFFFF086  }
0x25: {  	[simem:s6], [sflag:s4] =	dma.local [hbm:s3], $0xF7A  }
0x26: {  	[smem:$0x3F9F] =	sst s1;
	(tag) =	ssettag s2;
	_ =	strace s9  }
0x27: {  	s1 =	sld [smem:$0x3FAF]  }
0x28: {  	s2 =	sld [smem:$0x3FB0]  }
0x29: {  	s4 =	sld [smem:$0x3FB2]  }
0x2a: {  	p0 =	seq.s32 s5, $0x0;
	s5 =	sld [smem:$0x3FB3]  }
0x2b: {  	s6 =	sld [smem:$0x3FB4]  }
0x2c: {  	s7 =	sld [smem:$0x3FB5]  }
0x2d: {  	s3 =	simm.s32 $0x108;
	s8 =	sld [smem:$0x3FB6]  }
0x2e: {  	s3 =	simm.s32 @!p0 $0x1082;
	s9 =	sld [smem:$0x3FB7]  }
0x2f: {  	lr =	sadd.s32 s0, s3;
	s0 =	sld [smem:$0x3FAE]  }
0x30: {  	s3 =	sld [smem:$0x3FB1]  }
0x31: {  	[smem:$0x3FBA] =	sst s10  }
0x32: {  	s10 =	sld [smem:$0x3FB8];
	_ =	sdelay $0x3  }
0x33: {  	p0 =	seq.s32 s10, $0x1;
	s10 =	sld [smem:$0x3FBA];
	_ =	sdelay $0x3  }
0x34: {  	[smem:$0x3FBA] =	sst s10  }
0x35: {  	s10 =	sld [smem:$0x3FB9];
	_ =	sdelay $0x3  }
0x36: {  	p1 =	seq.s32 s10, $0x1;
	s10 =	sld [smem:$0x3FBA];
	_ =	sdelay $0x3  }
0x37: {  	[smem:$0x3FBA] =	sst s10  }
0x38: {  	s10 =	sld [smem:$0x3FBB]  }
0x39: {  	_ = 	snop;
	(pc) =	sbr.ind lr, $3  }
0x3a: {  	_ = 	snop  }
0x3b: {  	_ = 	snop  }
0x3c: {  	p2 =	seq.s32 s10, $0x1;
	s10 =	sld [smem:$0x3FBA]  }
0x3d: {  	_ =	shalt  }
0x3e: {  	_ =	shalt  }
0x3f: {  	_ =	shalt  }
0x40: {  	_ =	shalt  }
0x41: {  	_ =	shalt  }
0x42: {  	_ =	shalt  }
0x43: {  	_ =	shalt  }
0x44: {  	_ =	shalt  }
0x45: {  	_ =	shalt  }
0x46: {  	_ =	shalt  }
0x47: {  	_ =	shalt  }
0x48: {  	_ =	shalt  }
0x49: {  	_ =	shalt  }
0x4a: {  	_ =	shalt  }
0x4b: {  	_ =	shalt  }
0x4c: {  	_ =	shalt  }
0x4d: {  	_ =	shalt  }
0x4e: {  	_ =	shalt  }
0x4f: {  	_ =	shalt  }
0x50: {  	_ =	shalt  }
0x51: {  	_ =	shalt  }
0x52: {  	_ =	shalt  }
0x53: {  	_ =	shalt  }
0x54: {  	_ =	shalt  }
0x55: {  	_ =	shalt  }
0x56: {  	_ =	shalt  }
0x57: {  	_ =	shalt  }
0x58: {  	_ =	shalt  }
0x59: {  	_ =	shalt  }
0x5a: {  	_ =	shalt  }
0x5b: {  	_ =	shalt  }
0x5c: {  	_ =	shalt  }
0x5d: {  	_ =	shalt  }
0x5e: {  	_ =	shalt  }
0x5f: {  	_ =	shalt  }
0x60: {  	_ =	shalt  }
0x61: {  	_ =	shalt  }
0x62: {  	_ =	shalt  }
0x63: {  	_ =	shalt  }
0x64: {  	_ =	shalt  }
0x65: {  	_ =	shalt  }
0x66: {  	_ =	shalt  }
0x67: {  	_ =	shalt  }
0x68: {  	_ =	shalt  }
0x69: {  	_ =	shalt  }
0x6a: {  	_ =	shalt  }
0x6b: {  	_ =	shalt  }
0x6c: {  	_ =	shalt  }
0x6d: {  	_ =	shalt  }
0x6e: {  	_ =	shalt  }
0x6f: {  	_ =	shalt  }
0x70: {  	_ =	shalt  }
0x71: {  	_ =	shalt  }
0x72: {  	_ =	shalt  }
0x73: {  	_ =	shalt  }
0x74: {  	_ =	shalt  }
0x75: {  	_ =	shalt  }
0x76: {  	_ =	shalt  }
0x77: {  	_ =	shalt  }
0x78: {  	_ =	shalt  }
0x79: {  	_ =	shalt  }
0x7a: {  	_ =	shalt  }
0x7b: {  	_ =	shalt  }
0x7c: {  	_ =	shalt  }
0x7d: {  	_ =	shalt  }
0x7e: {  	_ =	shalt  }
0x7f: {  	_ =	shalt  }
0x80: {  	_ =	shalt  }
0x81: {  	_ =	shalt  }
0x82: {  	_ =	shalt  }
0x83: {  	_ =	shalt  }
0x84: {  	_ =	shalt  }
0x85: {  	_ =	shalt  }
0x86: {  	_ =	shalt  }
0x87: {  	_ =	shalt  }
.Lfunc_end0:
.L_simem_size_0:
called_computation_lowered:
.L_overlay_start_0:
0x88: {  	s2 =	sld [smem:$0x3FD9]  }
0x89: {  	s3 =	sld [smem:$0x3FFE];
	_ =	sdelay $0x1  }
0x8a: {  	s1 =	srdreg.scid  }
0x8b: {  	s0 =	sand.u32 $0x1, s1  }
0x8c: {  	s16 =	sshll.u32 s0, $0xA;
	s2 =	sadd.s32 s3, s2  }
0x8d: {  	s2 =	sadd.s32 s2, s16  }
0x8e: {  	[smem:$0x3FC6] =	sst s2  }
0x8f: {  	_ = 	snop  }
0x90: {  	(tm) =	ssettm $0x1  }
0x91: {  	s17 =	sld [smem:$0x3FFB];
	_ =	sdelay $0x3  }
0x92: {  	_ =	strace s17  }
0x93: {  	s2 =	sld [smem:$0x3FFC];
	_ =	sdelay $0x3  }
0x94: {  	_ =	strace s2  }
0x95: {  	s2 =	sld [smem:$0x3FFD];
	_ =	sdelay $0x3  }
0x96: {  	_ =	strace s2  }
0x97: {  	_ =	strace $0x8FFFFFFF  }
0x98: {  	s18 =	sld [smem:$0x3FDB];
	_ =	sdelay $0x1  }
0x99: {  	s19 =	simm.s32 $_scs_section_size  }
0x9a: {  	s4 =	simm.s32 $_size__tile_overlayer_lowered;
	s5 =	simm.s32 $_tile_overlayer_lowered  }
0x9b: {  	s22 =	simm.s32 $0x1BFF;
	s21 =	sshll.u32 s5, $0x1;
	s2 =	sadd.s32 s19, s18  }
0x9c: {  	s6 =	simm.s32 $0x0;
	s20 =	sshll.u32 s4, $0x1;
	s4 =	sadd.s32 s21, s2  }
0x9d: {  	[timem:s6], [sflag:s22] =	dma.local [hbm:s4], s20  }
0x9e: {  	_ =	swait.ge [sflag:s22], s20  }
0x9f: {  	s3 =	ssub.s32 $0x0, s20;
	[sflag:s22] =	ssyncset.done $0x0  }
0xa0: {  	[sflag:s22] =	ssyncadd.s32 s3;
	_ =	sdelay $0x1  }
0xa1: {  	s23 =	simm.s32 $0x1B8B  }
0xa2: {  	_ =	swait.ge [sflag:s23], $0x1  }
0xa3: {  	[sflag:s23] =	ssyncset.done $0x0  }
0xa4: {  	s25 =	simm.s32 $0x1B8E;
	s24 =	sld [smem:$0x3FFE];
	[sflag:s23] =	ssyncadd.s32 $0xFFFFFFFF  }
0xa5: {  	s26 =	simm.s32 $execute0_lowered;
	[smem:$0x3FD2] =	sst s25  }
0xa6: {  	s4 =	sshll.u32 s26, $0x1;
	_ =	strace $0x80000046;
	[dreg:$0x1] =	wrdreg $0xFFFFFFFF  }
0xa7: {  	s28 =	simm.s32 $_size_execute0_lowered;
	s2 =	sadd.s32 s2, s4;
	[dreg:$0x0] =	wrdreg $0x0  }
0xa8: {  	s4 =	sshll.u32 s28, $0x1;
	[dreg:$0x2] =	wrdreg s2  }
0xa9: {  	[dreg:$0x3] =	wrdreg s4  }
0xaa: {  	[dreg:$0x4] =	wrdreg $0xC0  }
0xab: {  	_ =	task [dreg:s6], $0x5FFFF  }
0xac: {  	[dreg:$0x1] =	wrdreg $0xFFFFFFFF  }
0xad: {  	[dreg:$0x0] =	wrdreg $0x60  }
0xae: {  	[dreg:$0x2] =	wrdreg s24  }
0xaf: {  	[dreg:$0x3] =	wrdreg $0x0  }
0xb0: {  	[dreg:$0x4] =	wrdreg $0x9  }
0xb1: {  	_ =	task.clear_ibuf [dreg:s6], $0x5FFFF;
	_ =	strace $0x90000046  }
0xb2: {  	s29 =	simm.s32 $0x9;
	_ =	strace $0x80000048  }
0xb3: {  	_ =	swait.ge [sflag:s29], $0x1  }
0xb4: {  	[sflag:s29] =	ssyncadd.s32 $0xFFFFFFFF  }
0xb5: {  	_ =	strace $0x90000048  }
0xb6: {  	_ =	sfence  }
0xb7: {  	s30 =	sld [smem:$0x0];
	_ =	sdelay $0x2  }
0xb8: {  	s31 =	sshll.u32 s1, $0xD;
	s1 =	sshrl.u32 s1, $0x2  }
0xb9: {  	s3 =	sand.u32 $0x4000, s31;
	s1 =	sadd.s32 s1, s30  }
0xba: {  	s0 =	sor.u32 s3, s0;
	s1 =	sshll.u32 s1, $0x11  }
0xbb: {  	s0 =	sor.u32 s1, s0  }
0xbc: {  	s0 =	sadd.s32 $0x8F2B, s0  }
0xbd: {  	[sflag:s0] =	ssyncadd.remote.s32 $0x1  }
0xbe: {  	_ =	sfence.sel $0xFFFF  }
0xbf: {  	[dreg:$0x0] =	wrdreg $0xFFFFFFFF;
	(pc) =	sbr.abs _section_cstart, $3  }
0xc0: {  	[dreg:$0x1] =	wrdreg $0xFFFFFFFF  }
0xc1: {  	_ =	task.clear_ibuf [dreg:s6], $0x2FFFF;
	_ =	strace $0x9FFFFFFF  }
0xc2: {  	(tm) =	ssettm $0x7FFFFFFF  }
0xc3: {  	_ =	shalt  }
tec
execute0_lowered:
.L_overlay_start_1:
0x0: {  	(tag) =	ssettag $0x1  }
0x1: {  	s0 =	rddreg [dreg:$0x0]  }
0x2: {  	s1 =	rddreg [dreg:$0x1];
	s11 =	simm.s32 $0x0;
	s2 =	srdreg.scid  }
0x3: {  	s10 =	stileid.u32;
	s14 =	simm.s32 $0x1;
	s30 =	simm.s32 $0x1B780  }
0x4: {  	s31 =	simm.s32 $0x19780;
	s28 =	simm.s32 $0x3;
	[smem:$0x7FF] =	sst s11  }
0x5: {  	s2 =	sand.u32 $0x1, s2;
	s4 =	sadd.s32 $0x21C000, s0;
	s7 =	smul.u32 $0xC, s10  }
0x6: {  	s5 =	sadd.s32 $0x189000, s0;
	s16 =	smul.u32 $0x62000, s10;
	s17 =	sand.u32 $0x7, s10  }
0x7: {  	s9 =	smax.u32 s10, $0xC;
	p0 =	sgt.u32 s10, $0xB;
	s12 =	smul.u32 $0x1880, s17  }
0x8: {  	s10 =	sshrl.u32 s10, $0x3;
	s3 =	ssub.s32 $0x2, s2;
	s2 =	smul.u32 $0x6, s2  }
0x9: {  	s6 =	sadd.s32 $0x2AF000, s0;
	_ =	strace $0x80000047;
	s19 =	smul.u32 $0x310000, s10  }
0xa: {  	[dreg:$0x4] =	wrdreg s10;
	s20 =	smul.u32 $0x6200, s17;
	s17 =	simm.s32 $0x80  }
0xb: {  	s8 =	sshrl.u32 s3, $0x1;
	s15 =	sadd.s32 s7, s9;
	s7 =	simm.s32 $0xD  }
0xc: {  	s9 =	sshrl.u32 s16, $0x2;
	s13 =	ssub.s32 s3, s8;
	s8 =	sadd.s32 $0xFFFFFFF4, s15  }
0xd: {  	s7 =	simm.s32 @!p0 $0xC;
	[dreg:$0x5] =	wrdreg s12;
	s18 =	sadd.s32 s9, s1  }
0xe: {  	s9 =	simm.s32 $0x1;
	[dreg:$0x8] =	wrdreg s2;
	s2 =	simm.s32 $0x3FFF9E  }
0xf: {  	s25 =	sadd.s32 s20, s19;
	s0 =	smax.u32 s13, $0x1;
	[dreg:$0x6] =	wrdreg s18  }
0x10: {  	s3 =	simm.s32 $0x2;
	s21 =	sadd.s32 $0x3800, s18;
	[dreg:$0xa] =	wrdreg s0  }
0x11: {  	s20 =	simm.s32 $0x1B680;
	s22 =	sadd.s32 $0x7000, s18;
	[dreg:$0xb] =	wrdreg s21  }
0x12: {  	p1 =	sgt.u32 s8, $0x61;
	s23 =	sadd.s32 $0xA800, s18;
	[dreg:$0xc] =	wrdreg s22  }
0x13: {  	s16 =	sadd.s32 $0xFFFFFFFF, s7;
	s24 =	sadd.s32 $0xE000, s18;
	[dreg:$0xd] =	wrdreg s23  }
0x14: {  	s26 =	sadd.s32 $0x11800, s18;
	s29 =	sadd.s32 $0x15000, s18;
	[dreg:$0xe] =	wrdreg s24  }
0x15: {  	s9 =	simm.s32 @!p1 $0x0;
	s2 =	simm.s32 @!p1 $0x0;
	[dreg:$0xf] =	wrdreg s26  }
0x16: {  	s23 =	simm.s32 $0x5;
	s0 =	sshrl.u32 s25, $0x2;
	[dreg:$0x10] =	wrdreg s29  }
0x17: {  	s26 =	simm.s32 $0x5;
	s21 =	simm.s32 $0x19680;
	s22 =	simm.s32 $0x1B700  }
0x18: {  	s24 =	simm.s32 $0x19700;
	[dreg:$0x7] =	wrdreg s9;
	s2 =	sadd.s32 s8, s2  }
0x19: {  	s25 =	simm.s32 $0x10;
	s0 =	sadd.s32 s0, s1;
	[dreg:$0x9] =	wrdreg s2  }
0x1a: {  	v0 =	vimm.f32 $0.0e+00;
	s23 =	simm.s32 @!p0 $0x6;
	[dreg:$0x11] =	wrdreg s0;
	s2 =	simm.s32 $0x4  }
.LBB2_1:
0x1b: {  	[dreg:$0x3] =	wrdreg s11;
	s0 =	simm.s32 $0x1B840  }
0x1c: {  	[tilespmem:s0+$0xFFFFFFC0] =	vst v0  }
0x1d: {  	[tilespmem:s0+$0x30] =	vst v0  }
0x1e: {  	[tilespmem:s0+$0x20] =	vst v0  }
0x1f: {  	[tilespmem:s0+$0x10] =	vst v0  }
0x20: {  	[tilespmem:s0+$0x0] =	vst v0  }
0x21: {  	[tilespmem:s0+$0xFFFFFFF0] =	vst v0  }
0x22: {  	s9 =	simm.s32 $0x0;
	[tilespmem:s0+$0xFFFFFFE0] =	vst v0  }
.LBB2_2:
0x23: {  	s9 =	sadd.s32 $0x8, s9;
	[tilespmem:s0+$0xFFFFFFD0] =	vst v0;
	s0 =	sadd.s32 $0x80, s0  }
0x24: {  	[tilespmem:s0+$0xFFFFFFC0] =	vst v0;
	p0 =	slt.u32 s9, $0x378  }
0x25: {  	[tilespmem:s0+$0x30] =	vst v0  }
.Ltmp0:
0x26: {  	[tilespmem:s0+$0x20] =	vst v0;
	(pc) =	sbr.rel @p0 .LBB2_2-.Ltmp0, $4  }
0x27: {  	[tilespmem:s0+$0x10] =	vst v0  }
0x28: {  	[tilespmem:s0+$0x0] =	vst v0  }
0x29: {  	[tilespmem:s0+$0xFFFFFFF0] =	vst v0  }
0x2a: {  	[tilespmem:s0+$0xFFFFFFE0] =	vst v0  }
0x2b: {  	[tilespmem:s0+$0xFFFFFFD0] =	vst v0;
	s10 =	simm.s32 $0x0  }
.LBB2_4:
0x2c: {  	s0 =	rddreg [dreg:$0x6];
	s9 =	simm.s32 $0x1B800;
	s12 =	simm.s32 $0x7  }
0x2d: {  	[spmem:s0] =	stream.linear.scatter [tilespmem:s9], [sflag:$0x7], $0x3800, $0x38;
	[tilespmem:$0x1F000] =	vst v63  }
0x2e: {  	_ =	swait.ge [sflag:s12], $0x3800  }
0x2f: {  	[sflag:s12] =	ssyncset.done $0x0  }
0x30: {  	s15 =	rddreg [dreg:$0xb];
	[sflag:s12] =	ssyncadd.s32 $0xFFFFC800  }
0x31: {  	[spmem:s15] =	stream.linear.scatter [tilespmem:s9], [sflag:$0x7], $0x3800, $0x38;
	[tilespmem:$0x1F000] =	vst v63  }
0x32: {  	_ =	swait.ge [sflag:s12], $0x3800  }
0x33: {  	[sflag:s12] =	ssyncset.done $0x0  }
0x34: {  	s18 =	rddreg [dreg:$0xc];
	[sflag:s12] =	ssyncadd.s32 $0xFFFFC800  }
0x35: {  	[spmem:s18] =	stream.linear.scatter [tilespmem:s9], [sflag:$0x7], $0x3800, $0x38;
	[tilespmem:$0x1F000] =	vst v63  }
0x36: {  	_ =	swait.ge [sflag:s12], $0x3800  }
0x37: {  	[sflag:s12] =	ssyncset.done $0x0  }
0x38: {  	s19 =	rddreg [dreg:$0xd];
	[sflag:s12] =	ssyncadd.s32 $0xFFFFC800  }
0x39: {  	[spmem:s19] =	stream.linear.scatter [tilespmem:s9], [sflag:$0x7], $0x3800, $0x38;
	[tilespmem:$0x1F000] =	vst v63  }
0x3a: {  	_ =	swait.ge [sflag:s12], $0x3800  }
0x3b: {  	[sflag:s12] =	ssyncset.done $0x0  }
0x3c: {  	s11 =	rddreg [dreg:$0xe];
	[sflag:s12] =	ssyncadd.s32 $0xFFFFC800  }
0x3d: {  	[spmem:s11] =	stream.linear.scatter [tilespmem:s9], [sflag:$0x7], $0x3800, $0x38;
	[tilespmem:$0x1F000] =	vst v63  }
0x3e: {  	_ =	swait.ge [sflag:s12], $0x3800  }
0x3f: {  	[sflag:s12] =	ssyncset.done $0x0  }
0x40: {  	s13 =	rddreg [dreg:$0xf];
	[sflag:s12] =	ssyncadd.s32 $0xFFFFC800  }
0x41: {  	[spmem:s13] =	stream.linear.scatter [tilespmem:s9], [sflag:$0x7], $0x3800, $0x38;
	[tilespmem:$0x1F000] =	vst v63  }
0x42: {  	_ =	swait.ge [sflag:s12], $0x3800;
	[dreg:$0x12] =	wrdreg s10  }
0x43: {  	s18 =	sand.u32 $0x1, s10;
	[sflag:s12] =	ssyncset.done $0x0;
	s19 =	rddreg [dreg:$0x8]  }
0x44: {  	s15 =	rddreg [dreg:$0x10];
	[sflag:s12] =	ssyncadd.s32 $0xFFFFC800;
	s0 =	sadd.s32 s19, s10  }
0x45: {  	[spmem:s15] =	stream.linear.scatter [tilespmem:s9], [sflag:$0x7], $0x3800, $0x38;
	[tilespmem:$0x1F000] =	vst v63  }
0x46: {  	s11 =	rddreg [dreg:$0x7];
	s0 =	sand.u32 $0xE, s0;
	s9 =	smul.u32 $0x62, s18  }
0x47: {  	s10 =	sor.u32 s11, s0;
	s11 =	rddreg [dreg:$0x9]  }
0x48: {  	[dreg:$0x13] =	wrdreg s18;
	s10 =	smul.u32 $0x62000, s10;
	s11 =	sadd.s32 s9, s11  }
0x49: {  	s13 =	simm.s32 $0x31000;
	_ =	swait.ge [sflag:s12], $0x3800;
	s11 =	sshll.u32 s11, $0xA  }
0x4a: {  	s18 =	simm.s32 $0x400;
	[sflag:s12] =	ssyncset.done $0x0;
	s10 =	sadd.s32 s11, s10  }
0x4b: {  	s15 =	simm.s32 $0x18800;
	[sflag:s12] =	ssyncadd.s32 $0xFFFFC800;
	s10 =	sshrl.u32 s10, $0x3  }
.Ltmp1:
0x4c: {  	[bflag:$0x0] =	sbarrier.arrive $0xFFFF;
	s12 =	sadd.s32 s4, s10;
	(pc) =	sbr.rel .LBB2_5-.Ltmp1, $4  }
0x4d: {  	[tilespmem:s15], [sflag:$0x1] =	stream.strided.gather [hbm4b:s12+s18], $0x800, s13, s18, $0x38;
	[tilespmem:$0x1F000] =	vst v63  }
0x4e: {  	s19 =	simm.s32 $0x19800;
	s10 =	sadd.s32 s5, s10  }
0x4f: {  	[tilespmem:s19], [sflag:$0x3] =	stream.strided.gather [hbm4b:s10+s18], $0x800, s13, s18, $0x38;
	[tilespmem:$0x1F000] =	vst v63  }
0x50: {  	s29 =	sor.u32 $0x1, s9;
	s10 =	simm.s32 $0x0  }
.LBB2_11:
0x51: {  	v1 =	vadd.s32 v1, v14;
	v2 =	vadd.s32 v2, v16  }
0x52: {  	v3 =	vadd.s32 v3, v17;
	v12 =	vshra.s32 v12, $0x1F;
	v7 =	vadd.s32 s12, v7  }
0x53: {  	v61 =	vshra.s32 v15, $0x1F;
	v10 =	vadd.s32 s12, v10;
	v7 =	vadd.s32 v12, v7  }
0x54: {  	v62 =	vshra.s32 v13, $0x1F;
	v8 =	vadd.s32 s12, v8;
	v10 =	vadd.s32 v61, v10;
	[tilespmem:s11+$0xFFFFFFC0] =	vst v7  }
0x55: {  	v63 =	vshra.s32 v11, $0x1F;
	v9 =	vadd.s32 s12, v9;
	v8 =	vadd.s32 v62, v8;
	[tilespmem:s11+$0xFFFFFFD0] =	vst v10  }
0x56: {  	v6 =	vadd.s32 s12, v6;
	v1 =	vshra.s32 v1, $0x1F;
	v7 =	vadd.s32 v63, v9;
	[tilespmem:s11+$0xFFFFFFE0] =	vst v8  }
0x57: {  	v5 =	vadd.s32 s12, v5;
	v2 =	vshra.s32 v2, $0x1F;
	v1 =	vadd.s32 v1, v6;
	[tilespmem:s11+$0xFFFFFFF0] =	vst v7  }
0x58: {  	v4 =	vadd.s32 s12, v4;
	v3 =	vshra.s32 v3, $0x1F;
	[tilespmem:s11+$0x0] =	vst v1;
	v1 =	vadd.s32 v2, v5  }
0x59: {  	[tilespmem:s13+$0x10] =	vst v1;
	v1 =	vadd.s32 v3, v4  }
0x5a: {  	[tilespmem:s13+$0x20] =	vst v1  }
0x5b: {  	_ =	swait.ge [sflag:s26], $0x80  }
0x5c: {  	[sflag:s26] =	ssyncset.done $0x0  }
0x5d: {  	[sflag:s26] =	ssyncadd.s32 $0xFFFFFF80  }
0x5e: {  	_ =	swait.ge [sflag:s26], $0x80  }
0x5f: {  	[sflag:s26] =	ssyncset.done $0x0  }
0x60: {  	[sflag:s26] =	ssyncadd.s32 $0xFFFFFF80  }
0x61: {  	_ =	swait.ge [sflag:s26], $0x80  }
0x62: {  	[sflag:s26] =	ssyncset.done $0x0  }
0x63: {  	[sflag:s26] =	ssyncadd.s32 $0xFFFFFF80  }
0x64: {  	_ =	swait.ge [sflag:s26], $0x80  }
0x65: {  	[sflag:s26] =	ssyncset.done $0x0  }
0x66: {  	[sflag:s26] =	ssyncadd.s32 $0xFFFFFF80  }
0x67: {  	_ =	swait.ge [sflag:s26], $0x80  }
0x68: {  	[sflag:s26] =	ssyncset.done $0x0  }
0x69: {  	[sflag:s26] =	ssyncadd.s32 $0xFFFFFF80  }
0x6a: {  	_ =	swait.ge [sflag:s26], $0x80  }
0x6b: {  	[sflag:s26] =	ssyncset.done $0x0  }
0x6c: {  	[sflag:s26] =	ssyncadd.s32 $0xFFFFFF80  }
0x6d: {  	_ =	swait.ge [sflag:s26], $0x80  }
0x6e: {  	[sflag:s26] =	ssyncset.done $0x0  }
0x6f: {  	[sflag:s26] =	ssyncadd.s32 $0xFFFFFF80  }
0x70: {  	_ =	swait.ge [sflag:s26], $0x80  }
0x71: {  	[sflag:s26] =	ssyncset.done $0x0  }
0x72: {  	[sflag:s26] =	ssyncadd.s32 $0xFFFFFF80  }
0x73: {  	_ =	swait.ge [sflag:s26], $0x80  }
0x74: {  	[sflag:s26] =	ssyncset.done $0x0  }
0x75: {  	[sflag:s26] =	ssyncadd.s32 $0xFFFFFF80  }
0x76: {  	_ =	swait.ge [sflag:s26], $0x80  }
0x77: {  	[sflag:s26] =	ssyncset.done $0x0  }
0x78: {  	[sflag:s26] =	ssyncadd.s32 $0xFFFFFF80  }
0x79: {  	_ =	swait.ge [sflag:s26], $0x80  }
0x7a: {  	[sflag:s26] =	ssyncset.done $0x0  }
0x7b: {  	[sflag:s26] =	ssyncadd.s32 $0xFFFFFF80  }
0x7c: {  	_ =	swait.ge [sflag:s26], $0x80  }
0x7d: {  	[sflag:s26] =	ssyncset.done $0x0  }
0x7e: {  	[sflag:s26] =	ssyncadd.s32 $0xFFFFFF80  }
0x7f: {  	_ =	swait.ge [sflag:s26], $0x80  }
0x80: {  	[sflag:s26] =	ssyncset.done $0x0  }
0x81: {  	p0 =	sge.u32 s10, s16;
	[sflag:s26] =	ssyncadd.s32 $0xFFFFFF80  }
0x82: {  	p1 =	sgt.u32 @!p0 s9, $0x60;
	s12 =	simm.s32 @!p0 $0x3FFF9E;
	_ =	swait.ge [sflag:s26], $0x80  }
0x83: {  	p1 =	por !p1, p0;
	s11 =	simm.s32 @!p0 $0x1;
	[sflag:s26] =	ssyncset.done $0x0  }
0x84: {  	s9 =	sadd.s32 @!p0 s9, s29;
	s11 =	simm.s32 @p1 $0x0;
	[sflag:s26] =	ssyncadd.s32 $0xFFFFFF80  }
0x85: {  	s12 =	simm.s32 @p1 $0x0;
	s11 =	sor.u32 @!p0 s11, s0;
	_ =	swait.ge [sflag:s26], $0x80  }
0x86: {  	s9 =	sadd.s32 @!p0 s12, s9;
	s11 =	smul.u32 @!p0 $0x62000, s11;
	[sflag:s26] =	ssyncset.done $0x0  }
0x87: {  	s9 =	sshll.u32 @!p0 s9, $0xA;
	[sflag:s26] =	ssyncadd.s32 $0xFFFFFF80  }
0x88: {  	s15 =	simm.s32 @!p0 $0x18800;
	s9 =	sadd.s32 @!p0 s11, s9;
	_ =	swait.ge [sflag:s26], $0x80  }
0x89: {  	s12 =	simm.s32 @!p0 $0x400;
	s9 =	sshrl.u32 @!p0 s9, $0x3;
	[sflag:s26] =	ssyncset.done $0x0  }
0x8a: {  	s13 =	simm.s32 @!p0 $0x31000;
	s11 =	sadd.s32 @!p0 s4, s9;
	[sflag:s26] =	ssyncadd.s32 $0xFFFFFF80  }
0x8b: {  	[tilespmem:s15], [sflag:$0x1] =	stream.strided.gather @!p0 [hbm4b:s11+s12], $0x800, s13, s12, $0x38;
	[tilespmem:$0x1F000] =	vst v63  }
0x8c: {  	s9 =	sadd.s32 @!p0 s5, s9;
	s11 =	simm.s32 @!p0 $0x19800  }
0x8d: {  	[tilespmem:s11], [sflag:$0x3] =	stream.strided.gather @!p0 [hbm4b:s9+s12], $0x800, s13, s12, $0x38;
	[tilespmem:$0x1F000] =	vst v63  }
0x8e: {  	s18 =	simm.s32 $0x1B000;
	s19 =	simm.s32 $0x19000  }
0x8f: {  	[spmem:s1] =	stream.indirect.scatter.add.f32 [tilespmem:s19], [sflag:$0x6], $0x1, s18, s17, $0xb8;
	[tilespmem:$0x1F000] =	vst v63  }
0x90: {  	s11 =	simm.s32 $0x1B080;
	s12 =	simm.s32 $0x19080  }
0x91: {  	[spmem:s1] =	stream.indirect.scatter.add.f32 [tilespmem:s12], [sflag:$0x6], $0x1, s11, s17, $0xb8;
	[tilespmem:$0x1F000] =	vst v63  }
0x92: {  	s15 =	simm.s32 $0x19100;
	s13 =	simm.s32 $0x1B100  }
0x93: {  	[spmem:s1] =	stream.indirect.scatter.add.f32 [tilespmem:s15], [sflag:$0x6], $0x1, s13, s17, $0xb8;
	[tilespmem:$0x1F000] =	vst v63  }
0x94: {  	s18 =	simm.s32 $0x1B180;
	s19 =	simm.s32 $0x19180  }
0x95: {  	[spmem:s1] =	stream.indirect.scatter.add.f32 [tilespmem:s19], [sflag:$0x6], $0x1, s18, s17, $0xb8;
	[tilespmem:$0x1F000] =	vst v63  }
0x96: {  	s11 =	simm.s32 $0x1B200;
	s12 =	simm.s32 $0x19200  }
0x97: {  	[spmem:s1] =	stream.indirect.scatter.add.f32 [tilespmem:s12], [sflag:$0x6], $0x1, s11, s17, $0xb8;
	[tilespmem:$0x1F000] =	vst v63  }
0x98: {  	s13 =	simm.s32 $0x1B280;
	s15 =	simm.s32 $0x19280  }
0x99: {  	[spmem:s1] =	stream.indirect.scatter.add.f32 [tilespmem:s15], [sflag:$0x6], $0x1, s13, s17, $0xb8;
	[tilespmem:$0x1F000] =	vst v63  }
0x9a: {  	s18 =	simm.s32 $0x1B300;
	s19 =	simm.s32 $0x19300  }
0x9b: {  	[spmem:s1] =	stream.indirect.scatter.add.f32 [tilespmem:s19], [sflag:$0x6], $0x1, s18, s17, $0xb8;
	[tilespmem:$0x1F000] =	vst v63  }
0x9c: {  	s11 =	simm.s32 $0x1B380;
	s12 =	simm.s32 $0x19380  }
0x9d: {  	[spmem:s1] =	stream.indirect.scatter.add.f32 [tilespmem:s12], [sflag:$0x6], $0x1, s11, s17, $0xb8;
	[tilespmem:$0x1F000] =	vst v63  }
0x9e: {  	s13 =	simm.s32 $0x1B400;
	s15 =	simm.s32 $0x19400  }
0x9f: {  	[spmem:s1] =	stream.indirect.scatter.add.f32 [tilespmem:s15], [sflag:$0x6], $0x1, s13, s17, $0xb8;
	[tilespmem:$0x1F000] =	vst v63  }
0xa0: {  	s18 =	simm.s32 $0x1B480;
	s19 =	simm.s32 $0x19480  }
0xa1: {  	[spmem:s1] =	stream.indirect.scatter.add.f32 [tilespmem:s19], [sflag:$0x6], $0x1, s18, s17, $0xb8;
	[tilespmem:$0x1F000] =	vst v63  }
0xa2: {  	s11 =	simm.s32 $0x1B500;
	s12 =	simm.s32 $0x19500  }
0xa3: {  	[spmem:s1] =	stream.indirect.scatter.add.f32 [tilespmem:s12], [sflag:$0x6], $0x1, s11, s17, $0xb8;
	[tilespmem:$0x1F000] =	vst v63  }
0xa4: {  	s13 =	simm.s32 $0x1B580;
	s15 =	simm.s32 $0x19580  }
0xa5: {  	[spmem:s1] =	stream.indirect.scatter.add.f32 [tilespmem:s15], [sflag:$0x6], $0x1, s13, s17, $0xb8;
	[tilespmem:$0x1F000] =	vst v63  }
0xa6: {  	s18 =	simm.s32 $0x1B600;
	s19 =	simm.s32 $0x19600  }
0xa7: {  	[spmem:s1] =	stream.indirect.scatter.add.f32 [tilespmem:s19], [sflag:$0x6], $0x1, s18, s17, $0xb8;
	[tilespmem:$0x1F000] =	vst v63  }
0xa8: {  	_ = 	snop  }
0xa9: {  	[spmem:s1] =	stream.indirect.scatter.add.f32 [tilespmem:s21], [sflag:$0x6], $0x1, s20, s17, $0xb8;
	[tilespmem:$0x1F000] =	vst v63  }
0xaa: {  	_ = 	snop  }
0xab: {  	[spmem:s1] =	stream.indirect.scatter.add.f32 [tilespmem:s24], [sflag:$0x6], $0x1, s22, s17, $0xb8;
	[tilespmem:$0x1F000] =	vst v63  }
0xac: {  	_ = 	snop  }
0xad: {  	[spmem:s1] =	stream.indirect.scatter.add.f32 [tilespmem:s31], [sflag:$0x6], $0x1, s30, s17, $0xb8;
	[tilespmem:$0x1F000] =	vst v63  }
.LBB2_12:
0xae: {  	s10 =	sadd.s32 $0x1, s10  }
0xaf: {  	p0 =	sne.s32 s10, s7  }
.Ltmp2:
0xb0: {  	_ = 	snop;
	(pc) =	sbr.rel @!p0 .LBB2_13-.Ltmp2, $1  }
0xb1: {  	_ =	sdelay $0x3  }
.LBB2_5:
0xb2: {  	s13 =	sand.u32 $0x1, s10  }
0xb3: {  	p0 =	seq.s32 s13, $0x1  }
.Ltmp3:
0xb4: {  	_ = 	snop;
	(pc) =	sbr.rel @p0 .LBB2_9-.Ltmp3, $2  }
0xb5: {  	_ =	sdelay $0x2  }
0xb6: {  	s9 =	sadd.s32 s8, s10  }
0xb7: {  	_ =	swait.ge [sflag:s14], $0x800  }
0xb8: {  	[sflag:s14] =	ssyncset.done $0x0  }
0xb9: {  	[sflag:s14] =	ssyncadd.s32 $0xFFFFF800  }
0xba: {  	_ =	swait.ge [sflag:s28], $0x800  }
0xbb: {  	[sflag:s28] =	ssyncset.done $0x0  }
0xbc: {  	s11 =	simm.s32 $0x19840;
	[sflag:s28] =	ssyncadd.s32 $0xFFFFF800  }
0xbd: {  	v4 =	vld [tilespmem:s11+$0x30]  }
0xbe: {  	v11 =	vld [tilespmem:s11+$0xFFFFFFD0]  }
0xbf: {  	v13 =	vld [tilespmem:s11+$0xFFFFFFE0]  }
0xc0: {  	v18 =	vld [tilespmem:s11+$0xFFFFFFF0]  }
0xc1: {  	v1 =	vld [tilespmem:s11+$0x0]  }
0xc2: {  	v2 =	vld [tilespmem:s11+$0x10]  }
0xc3: {  	v12 =	vld [tilespmem:s11+$0xFFFFFFC0]  }
0xc4: {  	v3 =	vld [tilespmem:s11+$0x20];
	_ =	sdelay $0x1  }
0xc5: {  	v5 =	vcvt.s32.f32 v4;
	v6 =	vcvt.s32.f32 v11  }
0xc6: {  	v7 =	vcvt.s32.f32 v13;
	v8 =	vcvt.s32.f32 v18  }
0xc7: {  	v9 =	vcvt.s32.f32 v1;
	v10 =	vcvt.s32.f32 v2  }
0xc8: {  	v14 =	vcvt.s32.f32 v12;
	v15 =	vcvt.s32.f32 v3  }
0xc9: {  	v5 =	vmul.f32 $5.208333490e-03, v5;
	v6 =	vmul.f32 $5.208333490e-03, v6  }
0xca: {  	v7 =	vmul.f32 $5.208333490e-03, v7;
	v8 =	vmul.f32 $5.208333490e-03, v8  }
0xcb: {  	v9 =	vmul.f32 $5.208333490e-03, v9;
	v14 =	vmul.f32 $5.208333490e-03, v14  }
0xcc: {  	v10 =	vmul.f32 $5.208333490e-03, v10;
	v5 =	vadd.f32 $5.000000000e-01, v5;
	v6 =	vadd.f32 $5.000000000e-01, v6  }
0xcd: {  	v15 =	vmul.f32 $5.208333490e-03, v15;
	v7 =	vadd.f32 $5.000000000e-01, v7;
	v14 =	vadd.f32 $5.000000000e-01, v14  }
0xce: {  	v8 =	vadd.f32 $5.000000000e-01, v8;
	v5 =	vtrunc.f32 v5;
	v6 =	vtrunc.f32 v6  }
0xcf: {  	v10 =	vadd.f32 $5.000000000e-01, v10;
	v17 =	vtrunc.f32 v7;
	v7 =	vtrunc.f32 v14  }
0xd0: {  	v15 =	vadd.f32 $5.000000000e-01, v15;
	v14 =	vtrunc.f32 v8;
	v5 =	vcvt.f32.s32 v5  }
0xd1: {  	p0 =	sgt.u32 s9, $0x61;
	s12 =	simm.s32 $0xC4000;
	v9 =	vadd.f32 $5.000000000e-01, v9;
	v19 =	vtrunc.f32 v10;
	v7 =	vcvt.f32.s32 v7  }
0xd2: {  	s12 =	simm.s32 @!p0 $0x0;
	v15 =	vtrunc.f32 v15;
	v10 =	vcvt.f32.s32 v6;
	v16 =	vmul.u32 $0xFFFFFF40, v5  }
0xd3: {  	v8 =	vcvt.f32.s32 v17;
	v5 =	vadd.s32 s12, v5;
	v17 =	vmul.u32 $0xFFFFFF40, v7  }
0xd4: {  	v21 =	vmul.u32 $0xFFFFFF40, v10;
	v4 =	vadd.s32 v4, v16;
	v16 =	vtrunc.f32 v9  }
0xd5: {  	v9 =	vcvt.f32.s32 v14;
	v4 =	vshra.s32 v4, $0x1F;
	v6 =	vcvt.f32.s32 v16  }
0xd6: {  	v20 =	vadd.s32 v4, v5;
	v5 =	vcvt.f32.s32 v19;
	v4 =	vcvt.f32.s32 v15  }
0xd7: {  	v12 =	vadd.s32 v12, v17;
	v19 =	vmul.u32 $0xFFFFFF40, v8;
	v22 =	vmul.u32 $0xFFFFFF40, v9  }
0xd8: {  	s11 =	simm.s32 $0x1A840;
	v14 =	vmul.u32 $0xFFFFFF40, v6;
	v16 =	vmul.u32 $0xFFFFFF40, v5;
	v17 =	vmul.u32 $0xFFFFFF40, v4  }
0xd9: {  	s18 =	simm.s32 $0x0;
	s19 =	simm.s32 $0x198C0;
	s15 =	simm.s32 $0x1A840;
	v15 =	vadd.s32 v11, v21;
	[tilespmem:s11+$0x30] =	vst v20;
	v13 =	vadd.s32 v13, v19;
	v11 =	vadd.s32 v18, v22  }
.LBB2_7:
0xda: {  	v18 =	vld [tilespmem:s19+$0x30];
	s18 =	sadd.s32 $0x8, s18;
	v1 =	vadd.s32 v1, v14;
	v2 =	vadd.s32 v2, v16;
	v3 =	vadd.s32 v3, v17  }
0xdb: {  	v12 =	vshra.s32 v12, $0x1F;
	v14 =	vshra.s32 v15, $0x1F;
	v13 =	vshra.s32 v13, $0x1F;
	v19 =	vld [tilespmem:s19+$0xFFFFFFD0];
	p0 =	slt.u32 s18, $0x78  }
0xdc: {  	v11 =	vshra.s32 v11, $0x1F;
	v15 =	vshra.s32 v1, $0x1F;
	v16 =	vshra.s32 v2, $0x1F;
	v20 =	vld [tilespmem:s19+$0xFFFFFFE0]  }
0xdd: {  	v7 =	vadd.s32 s12, v7;
	v10 =	vadd.s32 s12, v10;
	v17 =	vshra.s32 v3, $0x1F;
	v21 =	vld [tilespmem:s19+$0xFFFFFFF0]  }
0xde: {  	v8 =	vadd.s32 s12, v8;
	v9 =	vadd.s32 s12, v9;
	v6 =	vadd.s32 s12, v6;
	v1 =	vld [tilespmem:s19+$0x0]  }
0xdf: {  	v5 =	vadd.s32 s12, v5;
	v4 =	vadd.s32 s12, v4;
	v2 =	vld [tilespmem:s19+$0x10];
	v22 =	vcvt.s32.f32 v18  }
0xe0: {  	v7 =	vadd.s32 v12, v7;
	v10 =	vadd.s32 v14, v10;
	v23 =	vcvt.s32.f32 v19;
	v3 =	vld [tilespmem:s19+$0x20]  }
0xe1: {  	v12 =	vld [tilespmem:s19+$0xFFFFFFC0];
	v14 =	vcvt.s32.f32 v20;
	v22 =	vmul.f32 $5.208333490e-03, v22;
	[tilespmem:s11+$0xFFFFFFC0] =	vst v7;
	v7 =	vadd.s32 v13, v8  }
0xe2: {  	v9 =	vadd.s32 v11, v9;
	v8 =	vmul.f32 $5.208333490e-03, v23;
	v13 =	vcvt.s32.f32 v21;
	[tilespmem:s11+$0xFFFFFFD0] =	vst v10  }
0xe3: {  	v10 =	vmul.f32 $5.208333490e-03, v14;
	v11 =	vcvt.s32.f32 v1;
	v14 =	vadd.f32 $5.000000000e-01, v22;
	[tilespmem:s11+$0xFFFFFFE0] =	vst v7  }
0xe4: {  	v7 =	vadd.f32 $5.000000000e-01, v8;
	v8 =	vmul.f32 $5.208333490e-03, v13;
	v13 =	vcvt.s32.f32 v2;
	[tilespmem:s11+$0xFFFFFFF0] =	vst v9  }
0xe5: {  	v9 =	vadd.f32 $5.000000000e-01, v10;
	v10 =	vcvt.s32.f32 v3;
	v14 =	vtrunc.f32 v14  }
0xe6: {  	v22 =	vcvt.s32.f32 v12;
	v8 =	vadd.f32 $5.000000000e-01, v8;
	v14 =	vcvt.f32.s32 v14  }
0xe7: {  	v6 =	vadd.s32 v15, v6;
	v11 =	vmul.f32 $5.208333490e-03, v11;
	v13 =	vmul.f32 $5.208333490e-03, v13  }
0xe8: {  	v10 =	vmul.f32 $5.208333490e-03, v10;
	v15 =	vmul.f32 $5.208333490e-03, v22;
	v22 =	vmul.u32 $0xFFFFFF40, v14;
	[tilespmem:s11+$0x0] =	vst v6  }
0xe9: {  	v6 =	vtrunc.f32 v7;
	v7 =	vadd.f32 $5.000000000e-01, v11;
	v11 =	vadd.f32 $5.000000000e-01, v13  }
0xea: {  	s12 =	sadd.s32 $0xC400, s12;
	v10 =	vadd.f32 $5.000000000e-01, v10;
	v13 =	vadd.f32 $5.000000000e-01, v15;
	v15 =	vadd.s32 v18, v22  }
0xeb: {  	v9 =	vtrunc.f32 v9;
	v14 =	vadd.s32 s12, v14;
	v15 =	vshra.s32 v15, $0x1F  }
0xec: {  	s11 =	sadd.s32 $0x80, s11;
	v18 =	vtrunc.f32 v8;
	v13 =	vtrunc.f32 v13;
	v8 =	vadd.s32 v15, v14  }
0xed: {  	v5 =	vadd.s32 v16, v5;
	v11 =	vtrunc.f32 v11;
	v14 =	vtrunc.f32 v7;
	[tilespmem:s11+$0x30] =	vst v8  }
0xee: {  	v4 =	vadd.s32 v17, v4;
	v7 =	vcvt.f32.s32 v13;
	v13 =	vtrunc.f32 v10;
	[tilespmem:s15+$0x10] =	vst v5  }
0xef: {  	v10 =	vcvt.f32.s32 v6;
	v8 =	vcvt.f32.s32 v9;
	[tilespmem:s15+$0x20] =	vst v4;
	s15 =	smov.u32 s11  }
.Ltmp4:
0xf0: {  	v9 =	vcvt.f32.s32 v18;
	v6 =	vcvt.f32.s32 v14;
	v15 =	vmul.u32 $0xFFFFFF40, v7;
	(pc) =	sbr.rel @p0 .LBB2_7-.Ltmp4, $4  }
0xf1: {  	v5 =	vcvt.f32.s32 v11;
	v18 =	vmul.u32 $0xFFFFFF40, v10;
	v4 =	vcvt.f32.s32 v13  }
0xf2: {  	v11 =	vmul.u32 $0xFFFFFF40, v8;
	v22 =	vmul.u32 $0xFFFFFF40, v9;
	v14 =	vmul.u32 $0xFFFFFF40, v6  }
0xf3: {  	v16 =	vmul.u32 $0xFFFFFF40, v5;
	v12 =	vadd.s32 v12, v15;
	v17 =	vmul.u32 $0xFFFFFF40, v4  }
0xf4: {  	s19 =	sadd.s32 $0x80, s19;
	v15 =	vadd.s32 v19, v18;
	v13 =	vadd.s32 v20, v11;
	v11 =	vadd.s32 v21, v22  }
0xf5: {  	v1 =	vadd.s32 v1, v14;
	v2 =	vadd.s32 v2, v16  }
0xf6: {  	v3 =	vadd.s32 v3, v17;
	v12 =	vshra.s32 v12, $0x1F;
	v7 =	vadd.s32 s12, v7  }
0xf7: {  	v61 =	vshra.s32 v15, $0x1F;
	v10 =	vadd.s32 s12, v10;
	v7 =	vadd.s32 v12, v7  }
0xf8: {  	v62 =	vshra.s32 v13, $0x1F;
	v8 =	vadd.s32 s12, v8;
	v10 =	vadd.s32 v61, v10;
	[tilespmem:s11+$0xFFFFFFC0] =	vst v7  }
0xf9: {  	v63 =	vshra.s32 v11, $0x1F;
	v9 =	vadd.s32 s12, v9;
	v8 =	vadd.s32 v62, v8;
	[tilespmem:s11+$0xFFFFFFD0] =	vst v10  }
0xfa: {  	v6 =	vadd.s32 s12, v6;
	v1 =	vshra.s32 v1, $0x1F;
	v7 =	vadd.s32 v63, v9;
	[tilespmem:s11+$0xFFFFFFE0] =	vst v8  }
0xfb: {  	v5 =	vadd.s32 s12, v5;
	v2 =	vshra.s32 v2, $0x1F;
	v1 =	vadd.s32 v1, v6;
	[tilespmem:s11+$0xFFFFFFF0] =	vst v7  }
0xfc: {  	v4 =	vadd.s32 s12, v4;
	v3 =	vshra.s32 v3, $0x1F;
	[tilespmem:s11+$0x0] =	vst v1;
	v1 =	vadd.s32 v2, v5  }
0xfd: {  	p0 =	seq.s32 s10, $0x0;
	[tilespmem:s15+$0x10] =	vst v1;
	v1 =	vadd.s32 v3, v4  }
0xfe: {  	s11 =	simm.s32 @!p0 $0x6;
	[tilespmem:s15+$0x20] =	vst v1  }
0xff: {  	_ =	swait.ge @!p0 [sflag:s11], $0x80  }
0x100: {  	[sflag:s11] =	ssyncset.done @!p0 $0x0  }
0x101: {  	[sflag:s11] =	ssyncadd.s32 @!p0 $0xFFFFFF80  }
0x102: {  	_ =	swait.ge @!p0 [sflag:s11], $0x80  }
0x103: {  	[sflag:s11] =	ssyncset.done @!p0 $0x0  }
0x104: {  	[sflag:s11] =	ssyncadd.s32 @!p0 $0xFFFFFF80  }
0x105: {  	_ =	swait.ge @!p0 [sflag:s11], $0x80  }
0x106: {  	[sflag:s11] =	ssyncset.done @!p0 $0x0  }
0x107: {  	[sflag:s11] =	ssyncadd.s32 @!p0 $0xFFFFFF80  }
0x108: {  	_ =	swait.ge @!p0 [sflag:s11], $0x80  }
0x109: {  	[sflag:s11] =	ssyncset.done @!p0 $0x0  }
0x10a: {  	[sflag:s11] =	ssyncadd.s32 @!p0 $0xFFFFFF80  }
0x10b: {  	_ =	swait.ge @!p0 [sflag:s11], $0x80  }
0x10c: {  	[sflag:s11] =	ssyncset.done @!p0 $0x0  }
0x10d: {  	[sflag:s11] =	ssyncadd.s32 @!p0 $0xFFFFFF80  }
0x10e: {  	_ =	swait.ge @!p0 [sflag:s11], $0x80  }
0x10f: {  	[sflag:s11] =	ssyncset.done @!p0 $0x0  }
0x110: {  	[sflag:s11] =	ssyncadd.s32 @!p0 $0xFFFFFF80  }
0x111: {  	_ =	swait.ge @!p0 [sflag:s11], $0x80  }
0x112: {  	[sflag:s11] =	ssyncset.done @!p0 $0x0  }
0x113: {  	[sflag:s11] =	ssyncadd.s32 @!p0 $0xFFFFFF80  }
0x114: {  	_ =	swait.ge @!p0 [sflag:s11], $0x80  }
0x115: {  	[sflag:s11] =	ssyncset.done @!p0 $0x0  }
0x116: {  	[sflag:s11] =	ssyncadd.s32 @!p0 $0xFFFFFF80  }
0x117: {  	_ =	swait.ge @!p0 [sflag:s11], $0x80  }
0x118: {  	[sflag:s11] =	ssyncset.done @!p0 $0x0  }
0x119: {  	[sflag:s11] =	ssyncadd.s32 @!p0 $0xFFFFFF80  }
0x11a: {  	_ =	swait.ge @!p0 [sflag:s11], $0x80  }
0x11b: {  	[sflag:s11] =	ssyncset.done @!p0 $0x0  }
0x11c: {  	[sflag:s11] =	ssyncadd.s32 @!p0 $0xFFFFFF80  }
0x11d: {  	_ =	swait.ge @!p0 [sflag:s11], $0x80  }
0x11e: {  	[sflag:s11] =	ssyncset.done @!p0 $0x0  }
0x11f: {  	[sflag:s11] =	ssyncadd.s32 @!p0 $0xFFFFFF80  }
0x120: {  	_ =	swait.ge @!p0 [sflag:s11], $0x80  }
0x121: {  	[sflag:s11] =	ssyncset.done @!p0 $0x0  }
0x122: {  	[sflag:s11] =	ssyncadd.s32 @!p0 $0xFFFFFF80  }
0x123: {  	_ =	swait.ge @!p0 [sflag:s11], $0x80  }
0x124: {  	[sflag:s11] =	ssyncset.done @!p0 $0x0  }
0x125: {  	p1 =	sge.u32 s10, s16;
	[sflag:s11] =	ssyncadd.s32 @!p0 $0xFFFFFF80  }
0x126: {  	p2 =	sgt.u32 @!p1 s9, $0x60;
	s12 =	simm.s32 @!p1 $0x1;
	_ =	swait.ge @!p0 [sflag:s11], $0x80  }
0x127: {  	s18 =	sadd.s32 @!p1 s9, s29;
	p2 =	por !p2, p1;
	[sflag:s11] =	ssyncset.done @!p0 $0x0  }
0x128: {  	s12 =	simm.s32 @p2 $0x0;
	s15 =	simm.s32 @!p1 $0x3FFF9E;
	[sflag:s11] =	ssyncadd.s32 @!p0 $0xFFFFFF80  }
0x129: {  	s12 =	sor.u32 @!p1 s12, s0;
	s15 =	simm.s32 @p2 $0x0;
	_ =	swait.ge @!p0 [sflag:s11], $0x80  }
0x12a: {  	s12 =	smul.u32 @!p1 $0x62000, s12;
	s15 =	sadd.s32 @!p1 s15, s18;
	[sflag:s11] =	ssyncset.done @!p0 $0x0  }
0x12b: {  	s15 =	sshll.u32 @!p1 s15, $0xA;
	[sflag:s11] =	ssyncadd.s32 @!p0 $0xFFFFFF80  }
0x12c: {  	s19 =	simm.s32 @!p1 $0x19000;
	s12 =	sadd.s32 @!p1 s12, s15;
	_ =	swait.ge @!p0 [sflag:s11], $0x80  }
0x12d: {  	s18 =	simm.s32 @!p1 $0x31000;
	s12 =	sshrl.u32 @!p1 s12, $0x3;
	[sflag:s11] =	ssyncset.done @!p0 $0x0  }
0x12e: {  	s15 =	simm.s32 @!p1 $0x400;
	[sflag:s11] =	ssyncadd.s32 @!p0 $0xFFFFFF80;
	s11 =	sadd.s32 @!p1 s4, s12  }
0x12f: {  	[tilespmem:s19], [sflag:$0x2] =	stream.strided.gather @!p1 [hbm4b:s11+s15], $0x800, s18, s15, $0x38;
	[tilespmem:$0x1F000] =	vst v63  }
0x130: {  	s11 =	sadd.s32 @!p1 s5, s12;
	s12 =	simm.s32 @!p1 $0x1A000  }
0x131: {  	[tilespmem:s12], [sflag:$0x4] =	stream.strided.gather @!p1 [hbm4b:s11+s15], $0x800, s18, s15, $0x38;
	[tilespmem:$0x1F000] =	vst v63  }
0x132: {  	s12 =	simm.s32 $0x18800;
	s15 =	simm.s32 $0x1A800  }
0x133: {  	[spmem:s1] =	stream.indirect.scatter.add.f32 [tilespmem:s12], [sflag:$0x5], $0x1, s15, s17, $0xb8;
	[tilespmem:$0x1F000] =	vst v63  }
0x134: {  	s19 =	simm.s32 $0x18880;
	s18 =	simm.s32 $0x1A880  }
0x135: {  	[spmem:s1] =	stream.indirect.scatter.add.f32 [tilespmem:s19], [sflag:$0x5], $0x1, s18, s17, $0xb8;
	[tilespmem:$0x1F000] =	vst v63  }
0x136: {  	s12 =	simm.s32 $0x1A900;
	s15 =	simm.s32 $0x18900  }
0x137: {  	[spmem:s1] =	stream.indirect.scatter.add.f32 [tilespmem:s15], [sflag:$0x5], $0x1, s12, s17, $0xb8;
	[tilespmem:$0x1F000] =	vst v63  }
0x138: {  	s18 =	simm.s32 $0x1A980;
	s19 =	simm.s32 $0x18980  }
0x139: {  	[spmem:s1] =	stream.indirect.scatter.add.f32 [tilespmem:s19], [sflag:$0x5], $0x1, s18, s17, $0xb8;
	[tilespmem:$0x1F000] =	vst v63  }
0x13a: {  	s12 =	simm.s32 $0x1AA00;
	s15 =	simm.s32 $0x18A00  }
0x13b: {  	[spmem:s1] =	stream.indirect.scatter.add.f32 [tilespmem:s15], [sflag:$0x5], $0x1, s12, s17, $0xb8;
	[tilespmem:$0x1F000] =	vst v63  }
0x13c: {  	s18 =	simm.s32 $0x1AA80;
	s19 =	simm.s32 $0x18A80  }
0x13d: {  	[spmem:s1] =	stream.indirect.scatter.add.f32 [tilespmem:s19], [sflag:$0x5], $0x1, s18, s17, $0xb8;
	[tilespmem:$0x1F000] =	vst v63  }
0x13e: {  	s12 =	simm.s32 $0x1AB00;
	s15 =	simm.s32 $0x18B00  }
0x13f: {  	[spmem:s1] =	stream.indirect.scatter.add.f32 [tilespmem:s15], [sflag:$0x5], $0x1, s12, s17, $0xb8;
	[tilespmem:$0x1F000] =	vst v63  }
0x140: {  	s18 =	simm.s32 $0x1AB80;
	s19 =	simm.s32 $0x18B80  }
0x141: {  	[spmem:s1] =	stream.indirect.scatter.add.f32 [tilespmem:s19], [sflag:$0x5], $0x1, s18, s17, $0xb8;
	[tilespmem:$0x1F000] =	vst v63  }
0x142: {  	s12 =	simm.s32 $0x1AC00;
	s15 =	simm.s32 $0x18C00  }
0x143: {  	[spmem:s1] =	stream.indirect.scatter.add.f32 [tilespmem:s15], [sflag:$0x5], $0x1, s12, s17, $0xb8;
	[tilespmem:$0x1F000] =	vst v63  }
0x144: {  	s18 =	simm.s32 $0x1AC80;
	s19 =	simm.s32 $0x18C80  }
0x145: {  	[spmem:s1] =	stream.indirect.scatter.add.f32 [tilespmem:s19], [sflag:$0x5], $0x1, s18, s17, $0xb8;
	[tilespmem:$0x1F000] =	vst v63  }
0x146: {  	s12 =	simm.s32 $0x1AD00;
	s15 =	simm.s32 $0x18D00  }
0x147: {  	[spmem:s1] =	stream.indirect.scatter.add.f32 [tilespmem:s15], [sflag:$0x5], $0x1, s12, s17, $0xb8;
	[tilespmem:$0x1F000] =	vst v63  }
0x148: {  	s18 =	simm.s32 $0x1AD80;
	s19 =	simm.s32 $0x18D80  }
0x149: {  	[spmem:s1] =	stream.indirect.scatter.add.f32 [tilespmem:s19], [sflag:$0x5], $0x1, s18, s17, $0xb8;
	[tilespmem:$0x1F000] =	vst v63  }
0x14a: {  	s12 =	simm.s32 $0x1AE00;
	s15 =	simm.s32 $0x18E00  }
0x14b: {  	[spmem:s1] =	stream.indirect.scatter.add.f32 [tilespmem:s15], [sflag:$0x5], $0x1, s12, s17, $0xb8;
	[tilespmem:$0x1F000] =	vst v63  }
0x14c: {  	p0 =	seq.s32 s13, $0x0;
	s18 =	simm.s32 $0x1AE80;
	s19 =	simm.s32 $0x18E80  }
0x14d: {  	[spmem:s1] =	stream.indirect.scatter.add.f32 [tilespmem:s19], [sflag:$0x5], $0x1, s18, s17, $0xb8;
	[tilespmem:$0x1F000] =	vst v63  }
.Ltmp5:
0x14e: {  	_ = 	snop;
	(pc) =	sbr.rel @p0 .LBB2_12-.Ltmp5, $4  }
0x14f: {  	s12 =	simm.s32 $0x1AF00;
	s15 =	simm.s32 $0x18F00  }
0x150: {  	[spmem:s1] =	stream.indirect.scatter.add.f32 [tilespmem:s15], [sflag:$0x5], $0x1, s12, s17, $0xb8;
	[tilespmem:$0x1F000] =	vst v63  }
0x151: {  	s18 =	simm.s32 $0x1AF80;
	s19 =	simm.s32 $0x18F80  }
0x152: {  	[spmem:s1] =	stream.indirect.scatter.add.f32 [tilespmem:s19], [sflag:$0x5], $0x1, s18, s17, $0xb8;
	[tilespmem:$0x1F000] =	vst v63  }
.LBB2_9:
0x153: {  	_ =	swait.ge [sflag:s3], $0x800  }
0x154: {  	[sflag:s3] =	ssyncset.done $0x0  }
0x155: {  	[sflag:s3] =	ssyncadd.s32 $0xFFFFF800  }
0x156: {  	_ =	swait.ge [sflag:s2], $0x800  }
0x157: {  	[sflag:s2] =	ssyncset.done $0x0  }
0x158: {  	s11 =	simm.s32 $0x1A040;
	[sflag:s2] =	ssyncadd.s32 $0xFFFFF800  }
0x159: {  	v4 =	vld [tilespmem:s11+$0x30]  }
0x15a: {  	v11 =	vld [tilespmem:s11+$0xFFFFFFD0]  }
0x15b: {  	v13 =	vld [tilespmem:s11+$0xFFFFFFE0]  }
0x15c: {  	v18 =	vld [tilespmem:s11+$0xFFFFFFF0]  }
0x15d: {  	v1 =	vld [tilespmem:s11+$0x0]  }
0x15e: {  	v2 =	vld [tilespmem:s11+$0x10]  }
0x15f: {  	v12 =	vld [tilespmem:s11+$0xFFFFFFC0]  }
0x160: {  	v3 =	vld [tilespmem:s11+$0x20];
	_ =	sdelay $0x1  }
0x161: {  	v5 =	vcvt.s32.f32 v4;
	v6 =	vcvt.s32.f32 v11  }
0x162: {  	v7 =	vcvt.s32.f32 v13;
	v8 =	vcvt.s32.f32 v18  }
0x163: {  	v9 =	vcvt.s32.f32 v1;
	v10 =	vcvt.s32.f32 v2  }
0x164: {  	v14 =	vcvt.s32.f32 v12;
	v15 =	vcvt.s32.f32 v3  }
0x165: {  	v5 =	vmul.f32 $5.208333490e-03, v5;
	v6 =	vmul.f32 $5.208333490e-03, v6  }
0x166: {  	v7 =	vmul.f32 $5.208333490e-03, v7;
	v8 =	vmul.f32 $5.208333490e-03, v8  }
0x167: {  	v9 =	vmul.f32 $5.208333490e-03, v9;
	v14 =	vmul.f32 $5.208333490e-03, v14  }
0x168: {  	v10 =	vmul.f32 $5.208333490e-03, v10;
	v5 =	vadd.f32 $5.000000000e-01, v5;
	v6 =	vadd.f32 $5.000000000e-01, v6  }
0x169: {  	v15 =	vmul.f32 $5.208333490e-03, v15;
	v7 =	vadd.f32 $5.000000000e-01, v7;
	v14 =	vadd.f32 $5.000000000e-01, v14  }
0x16a: {  	v8 =	vadd.f32 $5.000000000e-01, v8;
	v5 =	vtrunc.f32 v5;
	v6 =	vtrunc.f32 v6  }
0x16b: {  	v10 =	vadd.f32 $5.000000000e-01, v10;
	v17 =	vtrunc.f32 v7;
	v7 =	vtrunc.f32 v14  }
0x16c: {  	v15 =	vadd.f32 $5.000000000e-01, v15;
	v14 =	vtrunc.f32 v8;
	v5 =	vcvt.f32.s32 v5  }
0x16d: {  	p0 =	sgt.u32 s9, $0x61;
	s12 =	simm.s32 $0xC4000;
	v9 =	vadd.f32 $5.000000000e-01, v9;
	v19 =	vtrunc.f32 v10;
	v7 =	vcvt.f32.s32 v7  }
0x16e: {  	s12 =	simm.s32 @!p0 $0x0;
	v15 =	vtrunc.f32 v15;
	v10 =	vcvt.f32.s32 v6;
	v16 =	vmul.u32 $0xFFFFFF40, v5  }
0x16f: {  	v8 =	vcvt.f32.s32 v17;
	v5 =	vadd.s32 s12, v5;
	v17 =	vmul.u32 $0xFFFFFF40, v7  }
0x170: {  	v21 =	vmul.u32 $0xFFFFFF40, v10;
	v4 =	vadd.s32 v4, v16;
	v16 =	vtrunc.f32 v9  }
0x171: {  	v9 =	vcvt.f32.s32 v14;
	v4 =	vshra.s32 v4, $0x1F;
	v6 =	vcvt.f32.s32 v16  }
0x172: {  	v20 =	vadd.s32 v4, v5;
	v5 =	vcvt.f32.s32 v19;
	v4 =	vcvt.f32.s32 v15  }
0x173: {  	v12 =	vadd.s32 v12, v17;
	v19 =	vmul.u32 $0xFFFFFF40, v8;
	v22 =	vmul.u32 $0xFFFFFF40, v9  }
0x174: {  	s11 =	simm.s32 $0x1B040;
	v14 =	vmul.u32 $0xFFFFFF40, v6;
	v16 =	vmul.u32 $0xFFFFFF40, v5;
	v17 =	vmul.u32 $0xFFFFFF40, v4  }
0x175: {  	s15 =	simm.s32 $0x0;
	s18 =	simm.s32 $0x1A0C0;
	s13 =	simm.s32 $0x1B040;
	v15 =	vadd.s32 v11, v21;
	[tilespmem:s11+$0x30] =	vst v20;
	v13 =	vadd.s32 v13, v19;
	v11 =	vadd.s32 v18, v22  }
.LBB2_10:
0x176: {  	v18 =	vld [tilespmem:s18+$0x30];
	s15 =	sadd.s32 $0x8, s15;
	v1 =	vadd.s32 v1, v14;
	v2 =	vadd.s32 v2, v16;
	v3 =	vadd.s32 v3, v17  }
0x177: {  	v12 =	vshra.s32 v12, $0x1F;
	v14 =	vshra.s32 v15, $0x1F;
	v13 =	vshra.s32 v13, $0x1F;
	v19 =	vld [tilespmem:s18+$0xFFFFFFD0];
	p0 =	slt.u32 s15, $0x78  }
0x178: {  	v11 =	vshra.s32 v11, $0x1F;
	v15 =	vshra.s32 v1, $0x1F;
	v16 =	vshra.s32 v2, $0x1F;
	v20 =	vld [tilespmem:s18+$0xFFFFFFE0]  }
0x179: {  	v7 =	vadd.s32 s12, v7;
	v10 =	vadd.s32 s12, v10;
	v17 =	vshra.s32 v3, $0x1F;
	v21 =	vld [tilespmem:s18+$0xFFFFFFF0]  }
0x17a: {  	v8 =	vadd.s32 s12, v8;
	v9 =	vadd.s32 s12, v9;
	v6 =	vadd.s32 s12, v6;
	v1 =	vld [tilespmem:s18+$0x0]  }
0x17b: {  	v5 =	vadd.s32 s12, v5;
	v4 =	vadd.s32 s12, v4;
	v2 =	vld [tilespmem:s18+$0x10];
	v22 =	vcvt.s32.f32 v18  }
0x17c: {  	v7 =	vadd.s32 v12, v7;
	v10 =	vadd.s32 v14, v10;
	v23 =	vcvt.s32.f32 v19;
	v3 =	vld [tilespmem:s18+$0x20]  }
0x17d: {  	v12 =	vld [tilespmem:s18+$0xFFFFFFC0];
	v14 =	vcvt.s32.f32 v20;
	v22 =	vmul.f32 $5.208333490e-03, v22;
	[tilespmem:s11+$0xFFFFFFC0] =	vst v7;
	v7 =	vadd.s32 v13, v8  }
0x17e: {  	v9 =	vadd.s32 v11, v9;
	v8 =	vmul.f32 $5.208333490e-03, v23;
	v13 =	vcvt.s32.f32 v21;
	[tilespmem:s11+$0xFFFFFFD0] =	vst v10  }
0x17f: {  	v10 =	vmul.f32 $5.208333490e-03, v14;
	v11 =	vcvt.s32.f32 v1;
	v14 =	vadd.f32 $5.000000000e-01, v22;
	[tilespmem:s11+$0xFFFFFFE0] =	vst v7  }
0x180: {  	v7 =	vadd.f32 $5.000000000e-01, v8;
	v8 =	vmul.f32 $5.208333490e-03, v13;
	v13 =	vcvt.s32.f32 v2;
	[tilespmem:s11+$0xFFFFFFF0] =	vst v9  }
0x181: {  	v9 =	vadd.f32 $5.000000000e-01, v10;
	v10 =	vcvt.s32.f32 v3;
	v14 =	vtrunc.f32 v14  }
0x182: {  	v22 =	vcvt.s32.f32 v12;
	v8 =	vadd.f32 $5.000000000e-01, v8;
	v14 =	vcvt.f32.s32 v14  }
0x183: {  	v6 =	vadd.s32 v15, v6;
	v11 =	vmul.f32 $5.208333490e-03, v11;
	v13 =	vmul.f32 $5.208333490e-03, v13  }
0x184: {  	v10 =	vmul.f32 $5.208333490e-03, v10;
	v15 =	vmul.f32 $5.208333490e-03, v22;
	v22 =	vmul.u32 $0xFFFFFF40, v14;
	[tilespmem:s11+$0x0] =	vst v6  }
0x185: {  	v6 =	vtrunc.f32 v7;
	v7 =	vadd.f32 $5.000000000e-01, v11;
	v11 =	vadd.f32 $5.000000000e-01, v13  }
0x186: {  	s12 =	sadd.s32 $0xC400, s12;
	v10 =	vadd.f32 $5.000000000e-01, v10;
	v13 =	vadd.f32 $5.000000000e-01, v15;
	v15 =	vadd.s32 v18, v22  }
0x187: {  	v9 =	vtrunc.f32 v9;
	v14 =	vadd.s32 s12, v14;
	v15 =	vshra.s32 v15, $0x1F  }
0x188: {  	s11 =	sadd.s32 $0x80, s11;
	v18 =	vtrunc.f32 v8;
	v13 =	vtrunc.f32 v13;
	v8 =	vadd.s32 v15, v14  }
0x189: {  	v5 =	vadd.s32 v16, v5;
	v11 =	vtrunc.f32 v11;
	v14 =	vtrunc.f32 v7;
	[tilespmem:s11+$0x30] =	vst v8  }
0x18a: {  	v4 =	vadd.s32 v17, v4;
	v7 =	vcvt.f32.s32 v13;
	v13 =	vtrunc.f32 v10;
	[tilespmem:s13+$0x10] =	vst v5  }
0x18b: {  	v10 =	vcvt.f32.s32 v6;
	v8 =	vcvt.f32.s32 v9;
	[tilespmem:s13+$0x20] =	vst v4;
	s13 =	smov.u32 s11  }
.Ltmp6:
0x18c: {  	v9 =	vcvt.f32.s32 v18;
	v6 =	vcvt.f32.s32 v14;
	v15 =	vmul.u32 $0xFFFFFF40, v7;
	(pc) =	sbr.rel @p0 .LBB2_10-.Ltmp6, $4  }
0x18d: {  	v5 =	vcvt.f32.s32 v11;
	v18 =	vmul.u32 $0xFFFFFF40, v10;
	v4 =	vcvt.f32.s32 v13  }
0x18e: {  	v11 =	vmul.u32 $0xFFFFFF40, v8;
	v22 =	vmul.u32 $0xFFFFFF40, v9;
	v14 =	vmul.u32 $0xFFFFFF40, v6  }
0x18f: {  	v16 =	vmul.u32 $0xFFFFFF40, v5;
	v12 =	vadd.s32 v12, v15;
	v17 =	vmul.u32 $0xFFFFFF40, v4  }
0x190: {  	s18 =	sadd.s32 $0x80, s18;
	v15 =	vadd.s32 v19, v18;
	v13 =	vadd.s32 v20, v11;
	v11 =	vadd.s32 v21, v22  }
.Ltmp7:
0x191: {  	_ = 	snop;
	(pc) =	sbr.rel .LBB2_11-.Ltmp7, $1  }
0x192: {  	_ =	sdelay $0x3  }
.LBB2_13:
0x193: {  	_ =	swait.ge [sflag:s23], $0x80  }
0x194: {  	[sflag:s23] =	ssyncset.done $0x0  }
0x195: {  	[sflag:s23] =	ssyncadd.s32 $0xFFFFFF80  }
0x196: {  	_ =	swait.ge [sflag:s23], $0x80  }
0x197: {  	[sflag:s23] =	ssyncset.done $0x0  }
0x198: {  	[sflag:s23] =	ssyncadd.s32 $0xFFFFFF80  }
0x199: {  	_ =	swait.ge [sflag:s23], $0x80  }
0x19a: {  	[sflag:s23] =	ssyncset.done $0x0  }
0x19b: {  	[sflag:s23] =	ssyncadd.s32 $0xFFFFFF80  }
0x19c: {  	_ =	swait.ge [sflag:s23], $0x80  }
0x19d: {  	[sflag:s23] =	ssyncset.done $0x0  }
0x19e: {  	[sflag:s23] =	ssyncadd.s32 $0xFFFFFF80  }
0x19f: {  	_ =	swait.ge [sflag:s23], $0x80  }
0x1a0: {  	[sflag:s23] =	ssyncset.done $0x0  }
0x1a1: {  	[sflag:s23] =	ssyncadd.s32 $0xFFFFFF80  }
0x1a2: {  	_ =	swait.ge [sflag:s23], $0x80  }
0x1a3: {  	[sflag:s23] =	ssyncset.done $0x0  }
0x1a4: {  	[sflag:s23] =	ssyncadd.s32 $0xFFFFFF80  }
0x1a5: {  	_ =	swait.ge [sflag:s23], $0x80  }
0x1a6: {  	[sflag:s23] =	ssyncset.done $0x0  }
0x1a7: {  	[sflag:s23] =	ssyncadd.s32 $0xFFFFFF80  }
0x1a8: {  	_ =	swait.ge [sflag:s23], $0x80  }
0x1a9: {  	[sflag:s23] =	ssyncset.done $0x0  }
0x1aa: {  	[sflag:s23] =	ssyncadd.s32 $0xFFFFFF80  }
0x1ab: {  	_ =	swait.ge [sflag:s23], $0x80  }
0x1ac: {  	[sflag:s23] =	ssyncset.done $0x0  }
0x1ad: {  	[sflag:s23] =	ssyncadd.s32 $0xFFFFFF80  }
0x1ae: {  	_ =	swait.ge [sflag:s23], $0x80  }
0x1af: {  	[sflag:s23] =	ssyncset.done $0x0  }
0x1b0: {  	[sflag:s23] =	ssyncadd.s32 $0xFFFFFF80  }
0x1b1: {  	_ =	swait.ge [sflag:s23], $0x80  }
0x1b2: {  	[sflag:s23] =	ssyncset.done $0x0  }
0x1b3: {  	[sflag:s23] =	ssyncadd.s32 $0xFFFFFF80  }
0x1b4: {  	_ =	swait.ge [sflag:s23], $0x80  }
0x1b5: {  	[sflag:s23] =	ssyncset.done $0x0  }
0x1b6: {  	[sflag:s23] =	ssyncadd.s32 $0xFFFFFF80  }
0x1b7: {  	_ =	swait.ge [sflag:s23], $0x80  }
0x1b8: {  	[sflag:s23] =	ssyncset.done $0x0  }
0x1b9: {  	[sflag:s23] =	ssyncadd.s32 $0xFFFFFF80  }
0x1ba: {  	_ =	swait.ge [sflag:s23], $0x80  }
0x1bb: {  	[sflag:s23] =	ssyncset.done $0x0  }
0x1bc: {  	[sflag:s23] =	ssyncadd.s32 $0xFFFFFF80  }
0x1bd: {  	_ =	swait.ge [sflag:s23], $0x80  }
0x1be: {  	[sflag:s23] =	ssyncset.done $0x0  }
0x1bf: {  	[sflag:s23] =	ssyncadd.s32 $0xFFFFFF80  }
0x1c0: {  	_ =	swait.ge [sflag:s23], $0x80  }
0x1c1: {  	s19 =	simm.s32 $0x0;
	s29 =	stileid.u32;
	s9 =	rddreg [dreg:$0x13]  }
0x1c2: {  	s11 =	simm.s32 $0x1;
	s10 =	rddreg [dreg:$0x4];
	s9 =	smul.u32 $0xC400, s9  }
0x1c3: {  	s12 =	smul.u32 $0xC4000, s19;
	s18 =	rddreg [dreg:$0x5];
	s0 =	sor.u32 s10, s0  }
0x1c4: {  	[sflag:s23] =	ssyncset.done $0x0;
	s0 =	smul.u32 $0x188000, s0;
	s9 =	sadd.s32 s18, s9  }
0x1c5: {  	[sflag:s23] =	ssyncadd.s32 $0xFFFFFF80;
	s10 =	simm.s32 $0x0;
	s9 =	sshll.u32 s9, $0x3  }
0x1c6: {  	[bflag:$0x0] =	sbarrier.arrive $0xFFFF;
	s15 =	sand.u32 $0x380, s10;
	s0 =	sadd.s32 s0, s9  }
0x1c7: {  	s9 =	sshll.u32 s29, $0x6;
	s13 =	sadd.s32 s12, s0;
	s12 =	rddreg [dreg:$0x11]  }
.LBB2_14:
0x1c8: {  	s18 =	sshrl.u32 s11, $0x3;
	s13 =	sor.u32 s15, s13  }
0x1c9: {  	s15 =	sshrl.u32 s12, $0x3;
	p0 =	sne.s32 s11, $0xF;
	s18 =	smul.u32 $0xC4000, s18  }
.Ltmp8:
0x1ca: {  	s19 =	sor.u32 $0x1C01, s9;
	s13 =	sshrl.u32 s13, $0x3;
	(pc) =	sbr.rel @p0 .LBB2_14-.Ltmp8, $4  }
0x1cb: {  	s11 =	sadd.s32 $0x1, s11;
	s13 =	sadd.s32 s6, s13  }
0x1cc: {  	[hbm:s13@s17], [sflag:s19] =	dma.strided [spmem:s15@s25], $0x310, s14, $0x10   }
0x1cd: {  	s10 =	sadd.s32 $0x80, s10;
	s12 =	sadd.s32 $0xC400, s12  }
0x1ce: {  	s13 =	sadd.s32 s18, s0;
	s15 =	sand.u32 $0x380, s10  }
0x1cf: {  	s0 =	sor.u32 s15, s13  }
0x1d0: {  	s0 =	sshrl.u32 s0, $0x3  }
0x1d1: {  	s10 =	sshrl.u32 s12, $0x3;
	s9 =	sor.u32 $0x1C01, s9;
	s0 =	sadd.s32 s6, s0  }
0x1d2: {  	[hbm:s0@s17], [sflag:s9] =	dma.strided [spmem:s10@s25], $0x310, s14, $0x10   }
0x1d3: {  	_ =	swait.ge [sflag:s14], $0x310  }
0x1d4: {  	[sflag:s14] =	ssyncset.done $0x0  }
0x1d5: {  	[sflag:s14] =	ssyncadd.s32 $0xFFFFFCF0  }
0x1d6: {  	_ =	swait.ge [sflag:s14], $0x310  }
0x1d7: {  	[sflag:s14] =	ssyncset.done $0x0  }
0x1d8: {  	[sflag:s14] =	ssyncadd.s32 $0xFFFFFCF0  }
0x1d9: {  	_ =	swait.ge [sflag:s14], $0x310  }
0x1da: {  	[sflag:s14] =	ssyncset.done $0x0  }
0x1db: {  	[sflag:s14] =	ssyncadd.s32 $0xFFFFFCF0  }
0x1dc: {  	_ =	swait.ge [sflag:s14], $0x310  }
0x1dd: {  	[sflag:s14] =	ssyncset.done $0x0  }
0x1de: {  	[sflag:s14] =	ssyncadd.s32 $0xFFFFFCF0  }
0x1df: {  	_ =	swait.ge [sflag:s14], $0x310  }
0x1e0: {  	[sflag:s14] =	ssyncset.done $0x0  }
0x1e1: {  	[sflag:s14] =	ssyncadd.s32 $0xFFFFFCF0  }
0x1e2: {  	_ =	swait.ge [sflag:s14], $0x310  }
0x1e3: {  	[sflag:s14] =	ssyncset.done $0x0  }
0x1e4: {  	[sflag:s14] =	ssyncadd.s32 $0xFFFFFCF0  }
0x1e5: {  	_ =	swait.ge [sflag:s14], $0x310  }
0x1e6: {  	[sflag:s14] =	ssyncset.done $0x0  }
0x1e7: {  	[sflag:s14] =	ssyncadd.s32 $0xFFFFFCF0  }
0x1e8: {  	_ =	swait.ge [sflag:s14], $0x310  }
0x1e9: {  	[sflag:s14] =	ssyncset.done $0x0  }
0x1ea: {  	[sflag:s14] =	ssyncadd.s32 $0xFFFFFCF0  }
0x1eb: {  	_ =	swait.ge [sflag:s14], $0x310  }
0x1ec: {  	[sflag:s14] =	ssyncset.done $0x0  }
0x1ed: {  	[sflag:s14] =	ssyncadd.s32 $0xFFFFFCF0  }
0x1ee: {  	_ =	swait.ge [sflag:s14], $0x310  }
0x1ef: {  	[sflag:s14] =	ssyncset.done $0x0  }
0x1f0: {  	[sflag:s14] =	ssyncadd.s32 $0xFFFFFCF0  }
0x1f1: {  	_ =	swait.ge [sflag:s14], $0x310  }
0x1f2: {  	[sflag:s14] =	ssyncset.done $0x0  }
0x1f3: {  	[sflag:s14] =	ssyncadd.s32 $0xFFFFFCF0  }
0x1f4: {  	_ =	swait.ge [sflag:s14], $0x310  }
0x1f5: {  	[sflag:s14] =	ssyncset.done $0x0  }
0x1f6: {  	[sflag:s14] =	ssyncadd.s32 $0xFFFFFCF0  }
0x1f7: {  	_ =	swait.ge [sflag:s14], $0x310  }
0x1f8: {  	[sflag:s14] =	ssyncset.done $0x0  }
0x1f9: {  	[sflag:s14] =	ssyncadd.s32 $0xFFFFFCF0  }
0x1fa: {  	_ =	swait.ge [sflag:s14], $0x310  }
0x1fb: {  	[sflag:s14] =	ssyncset.done $0x0  }
0x1fc: {  	[sflag:s14] =	ssyncadd.s32 $0xFFFFFCF0  }
0x1fd: {  	_ =	swait.ge [sflag:s14], $0x310  }
0x1fe: {  	[sflag:s14] =	ssyncset.done $0x0  }
0x1ff: {  	[sflag:s14] =	ssyncadd.s32 $0xFFFFFCF0  }
0x200: {  	_ =	swait.ge [sflag:s14], $0x310  }
0x201: {  	s29 =	rddreg [dreg:$0x12]  }
0x202: {  	s10 =	sadd.s32 $0x1, s29  }
0x203: {  	p0 =	sne.s32 s10, $0x6  }
.Ltmp9:
0x204: {  	_ = 	snop;
	(pc) =	sbr.rel @p0 .LBB2_4-.Ltmp9, $3  }
0x205: {  	_ =	sdelay $0x1  }
0x206: {  	[sflag:s14] =	ssyncset.done $0x0  }
0x207: {  	[sflag:s14] =	ssyncadd.s32 $0xFFFFFCF0  }
0x208: {  	s11 =	rddreg [dreg:$0x3]  }
0x209: {  	s0 =	rddreg [dreg:$0xa];
	s11 =	sadd.s32 $0x1, s11  }
0x20a: {  	p0 =	sne.s32 s11, s0  }
.Ltmp10:
0x20b: {  	_ = 	snop;
	(pc) =	sbr.rel @p0 .LBB2_1-.Ltmp10, $1  }
0x20c: {  	_ =	sdelay $0x3  }
0x20d: {  	_ =	sfence.sel $0x180000  }
0x20e: {  	[bflag:$0x0] =	sbarrier.arrive $0xFFFF  }
0x20f: {  	_ =	strace $0x90000047  }
0x210: {  	s0 =	stileid.u32;
	[bflag:$0x2] =	sbarrier.arrive $0xFFFF  }
0x211: {  	p0 =	sne.s32 s0, $0x0;
	s0 =	rddreg [dreg:$0x2]  }
0x212: {  	s0 =	sadd.s32 @!p0 $0x100000, s0  }
0x213: {  	[sflag:s0] =	ssyncadd.tile.s32 @!p0 $0x1;
	_ =	shalt  }
.Lfunc_end2:
_tile_overlayer_lowered:
.L_overlay_start_2:
0x214: {  	(tag) =	ssettag $0x2  }
0x215: {  	s0 =	rddreg [dreg:$0x0];
	s2 =	stileid.u32  }
0x216: {  	s1 =	rddreg [dreg:$0x1];
	p0 =	sne.s32 s2, $0x0  }
0x217: {  	s3 =	rddreg [dreg:$0x2];
	[bflag:$0x3] =	sbarrier.arrive $0xFFFF;
	s2 =	simm.s32 @!p0 $0x1C07  }
0x218: {  	[timem:s3], [sflag:s2] =	dma.local @!p0 [hbm:s0], s1  }
0x219: {  	s0 =	simm.s32 @!p0 $0x7  }
0x21a: {  	_ =	swait.ge @!p0 [sflag:s0], s1  }
0x21b: {  	s1 =	ssub.s32 @!p0 $0x0, s1;
	[sflag:s0] =	ssyncset.done @!p0 $0x0  }
0x21c: {  	[sflag:s0] =	ssyncadd.s32 @!p0 s1  }
0x21d: {  	[bflag:$0x3] =	sbarrier.arrive $0xFFFF  }
0x21e: {  	_ =	shalt  }

</sc_bundles>
